<compile_context>
chip_gen: v7x
topology: tpu7x:2x2x1
jax: 0.10.2.dev20260603
libtpu: 0.0.44.dev20260713+nightly
codegen_flags: <defaults>
</compile_context>

<pallas_src>
import functools

import jax
import jax.numpy as jnp
from jax import lax
from jax.experimental import pallas as pl
from jax.experimental.pallas import tpu as pltpu
from jax.experimental.pallas import tpu_sc as plsc

N = 10000
E = 320000
D = 128
H = 30
HP = 32
NHEADS = 11

NC, NS, L = 2, 16, 16
NW = NC * NS
CHK = 128
NCHUNK = -(-(E // NW) // CHK)
EPAD = NW * NCHUNK * CHK
NP_ = ((N + NS - 1) // NS + 7) // 8 * 8 * NS
RPT = NP_ // NS

K1 = -(-9 * N // 10)
K2 = -(-9 * K1 // 10)
K3 = -(-9 * K2 // 10)

def _make_conv_body(dw):
    def _conv_edges_body(p_hbm, srcr, dstr, wexp, out_hbm,
                         src_v, dst_v, rows_v, wrow_v, zb_v, agg_sh, sem):
        c = lax.axis_index("c")
        s = lax.axis_index("s")
        wid = s * NC + c
        zero16 = jnp.zeros((L,), jnp.float32)

        def zb_body(i, carry):
            for q in range(dw // L):
                zb_v[i, pl.ds(q * L, L)] = zero16
            return carry

        lax.fori_loop(0, CHK, zb_body, 0)
        for off in range(0, RPT, CHK):
            n = min(CHK, RPT - off)
            pltpu.sync_copy(zb_v.at[pl.ds(0, n)],
                            agg_sh.at[pl.ds(s * RPT + off, n)])

        pltpu.sync_copy(srcr.at[wid], src_v)
        pltpu.sync_copy(dstr.at[wid], dst_v)
        plsc.subcore_barrier()

        base_e = wid * (NCHUNK * CHK)

        def chunk_body(j, carry):
            pltpu.async_copy(p_hbm.at[src_v.at[j]], rows_v, sem).wait()
            pltpu.sync_copy(wexp.at[pl.ds(base_e + j * CHK, CHK)], wrow_v)

            def scale_body(e, cc):
                w16 = wrow_v[e, pl.ds(0, L)]
                for q in range(dw // L):
                    rows_v[e, pl.ds(q * L, L)] = (rows_v[e, pl.ds(q * L, L)]
                                                  * w16)
                return cc

            lax.fori_loop(0, CHK, scale_body, 0)
            pltpu.sync_copy(rows_v, agg_sh.at[dst_v.at[j]], add=True)
            return carry

        lax.fori_loop(0, NCHUNK, chunk_body, 0)
        plsc.subcore_barrier()
        pltpu.sync_copy(agg_sh.at[pl.ds(s * RPT, RPT)],
                        out_hbm.at[pl.ds(c * NP_ + s * RPT, RPT)])

    return _conv_edges_body


@functools.cache
def _conv_edges(dw):
    mesh = plsc.VectorSubcoreMesh(core_axis_name="c", subcore_axis_name="s",
                                  num_cores=NC, num_subcores=NS)
    return pl.kernel(
        _make_conv_body(dw),
        out_type=jax.ShapeDtypeStruct((NC * NP_, dw), jnp.float32),
        mesh=mesh,
        compiler_params=pltpu.CompilerParams(use_tc_tiling_on_sc=False),
        scratch_types=[
            pltpu.VMEM((NCHUNK, CHK), jnp.int32),
            pltpu.VMEM((NCHUNK, CHK), jnp.int32),
            pltpu.VMEM((CHK, dw), jnp.float32),
            pltpu.VMEM((CHK, HP), jnp.float32),
            pltpu.VMEM((CHK, dw), jnp.float32),
            pltpu.VMEM_SHARED((NP_, dw), jnp.float32),
            pltpu.SemaphoreType.DMA,
        ],
    )


NP4 = NP_ // 4
DP = 4 * D


def _dot(a, b):
    return jnp.dot(a, b, preferred_element_type=jnp.float32,
                   precision=lax.Precision.DEFAULT)


def _doth(a, b):
    return jnp.dot(a, b, preferred_element_type=jnp.float32,
                   precision=lax.Precision.HIGHEST)


def _pre_kernel(x_ref, mdiv_ref, g_ref, b_ref, wr_ref, br_ref, wo_ref,
                p_ref, r_ref):
    xx = x_ref[...]
    mu = _doth(xx, mdiv_ref[...])
    xc = xx - mu
    var = _doth(xc * xc, mdiv_ref[...])
    h = xc / jnp.sqrt(var + 1e-5) * g_ref[...] + b_ref[...]
    p_ref[...] = _dot(h, wr_ref[...])
    r_ref[...] = _dot(h, wo_ref[...]) + br_ref[...]


def _mid(lo, hi):
    return (lo >> 1) + (hi >> 1) + (lo & hi & 1)


def _select_and_pool(u, m_ref, ablk_ref, g14_ref, k):
    a = ablk_ref[...]
    norm = jnp.sqrt(jnp.sum(a * a) * 0.25)
    s4 = _dot(u, ablk_ref[...]) / (norm + 1e-16)
    t4 = jnp.tanh(s4)
    m4 = m_ref[...]
    sm = jnp.where(m4 > 0.5, s4, jnp.float32(-3e38))
    bits = lax.bitcast_convert_type(sm, jnp.int32)
    key = jnp.where(bits >= 0, bits, bits ^ jnp.int32(0x7FFFFFFF))

    def bs_val(_, lohi):
        lo, hi = lohi
        mid = _mid(lo, hi)
        cnt = jnp.sum((key >= mid).astype(jnp.int32))
        return jnp.where(cnt >= k, mid, lo), jnp.where(cnt >= k, hi, mid)

    tau, _ = lax.fori_loop(0, 32, bs_val,
                           (jnp.int32(-2**31), jnp.int32(2**31 - 1)))
    c_gt = jnp.sum((key > tau).astype(jnp.int32))
    tie = key == tau
    idx = (lax.broadcasted_iota(jnp.int32, (NP4, 4), 0) * 4
           + lax.broadcasted_iota(jnp.int32, (NP4, 4), 1))

    def bs_idx(_, lohi):
        lo, hi = lohi
        mid = lo + (hi - lo) // 2
        cnt = c_gt + jnp.sum((tie & (idx < mid)).astype(jnp.int32))
        return jnp.where(cnt >= k, lo, mid), jnp.where(cnt >= k, mid, hi)

    _, cut = lax.fori_loop(0, 15, bs_idx, (jnp.int32(-1), jnp.int32(16384)))
    mn4 = ((key > tau) | (tie & (idx < cut))).astype(jnp.float32)
    tl = _doth(t4, g14_ref[...])
    mnl = _doth(mn4, g14_ref[...])
    hn = u * tl * mnl
    rmaxl = jnp.max(jnp.where(mnl > 0.5, hn, jnp.float32(-3e38)),
                    axis=0, keepdims=True)
    rsuml = jnp.sum(hn, axis=0, keepdims=True)
    rmax = rmaxl[:, 0:HP]
    rsum = rsuml[:, 0:HP]
    for g in range(1, 4):
        rmax = jnp.maximum(rmax, rmaxl[:, g * HP:(g + 1) * HP])
        rsum = rsum + rsuml[:, g * HP:(g + 1) * HP]
    rsum = rsum * jnp.float32(1.0 / k)
    return hn, mn4, rmax, rsum


def _post1_kernel(k, agg_ref, r_ref, m_ref, ablk_ref, g14_ref,
                  hn_ref, mn_ref, read_ref):
    agg = agg_ref[0:NP4, :] + agg_ref[NP4:2 * NP4, :]
    u = jnp.maximum(agg + r_ref[...], 0.0)
    hn, mn4, rmax, rsum = _select_and_pool(u, m_ref, ablk_ref, g14_ref, k)
    hn_ref[...] = hn
    mn_ref[...] = mn4
    read_ref[0:1, :] = rmax
    read_ref[1:2, :] = rsum


def _conv_u(agg_ref, h_ref, wr_ref, br_ref, wo_ref):
    agg = agg_ref[0:NP4, :] + agg_ref[NP4:2 * NP4, :]
    return jnp.maximum(_dot(agg, wr_ref[...]) + br_ref[...]
                       + _dot(h_ref[...], wo_ref[...]), 0.0)


def _post_kernel(k, agg_ref, h_ref, m_ref, wrn_ref, brn_ref, won_ref,
                 ablk_ref, g14_ref, hn_ref, mn_ref, read_ref):
    u = _conv_u(agg_ref, h_ref, wrn_ref, brn_ref, won_ref)
    hn, mn4, rmax, rsum = _select_and_pool(u, m_ref, ablk_ref, g14_ref, k)
    hn_ref[...] = hn
    mn_ref[...] = mn4
    read_ref[0:1, :] = rmax
    read_ref[1:2, :] = rsum


def _final_kernel(k, agg_ref, h_ref, m_ref, wrn_ref, brn_ref, won_ref,
                  ablk_ref, g14_ref, rd1_ref, rd2_ref,
                  wh1_ref, bh1_ref, wh2_ref, bh2_ref, wh3_ref, bh3_ref,
                  out_ref):
    u = _conv_u(agg_ref, h_ref, wrn_ref, brn_ref, won_ref)
    _, _, rmax, rsum = _select_and_pool(u, m_ref, ablk_ref, g14_ref, k)
    x3 = jnp.concatenate([rmax[:, 0:H], rsum[:, 0:H]], axis=1)
    x1 = jnp.concatenate([rd1_ref[0:1, 0:H], rd1_ref[1:2, 0:H]], axis=1)
    x2 = jnp.concatenate([rd2_ref[0:1, 0:H], rd2_ref[1:2, 0:H]], axis=1)
    z0 = jnp.maximum(x1 + x2 + x3, 0.0)
    for i in range(NHEADS):
        z1 = jnp.maximum(
            jnp.dot(z0, wh1_ref[i], preferred_element_type=jnp.float32, precision=lax.Precision.DEFAULT)
            + bh1_ref[i:i + 1, :], 0.0)
        z2 = jnp.maximum(
            jnp.dot(z1, wh2_ref[i], preferred_element_type=jnp.float32, precision=lax.Precision.DEFAULT)
            + bh2_ref[i:i + 1, :], 0.0)
        z3 = (jnp.dot(z2, wh3_ref[i], preferred_element_type=jnp.float32, precision=lax.Precision.DEFAULT)
              + bh3_ref[i:i + 1, :])
        out_ref[i:i + 1, :] = z3


_TC_PARAMS = pltpu.CompilerParams(vmem_limit_bytes=100 * 1024 * 1024)


def _pad_w(w):
    r, c = w.shape
    return jnp.pad(w, ((0, HP - r if r == H else 0), (0, HP - c)))


def kernel(x, edge_index, edge_attr, batch, gamma, beta,
           Wr1, br1, Wo1, attn1, Wr2, br2, Wo2, attn2, Wr3, br3, Wo3, attn3,
           Wh1, bh1, Wh2, bh2, Wh3, bh3):
    f32 = jnp.float32
    eye4 = jnp.eye(4, dtype=f32)
    xq = jnp.pad(x, ((0, NP_ - N), (0, 0))).reshape(NP4, DP)
    mdiv = jnp.kron(eye4, jnp.full((D, D), 1.0 / D, f32))
    g14 = jnp.kron(eye4, jnp.ones((1, HP), f32))
    gt = jnp.tile(gamma.reshape(1, D), (1, 4))
    bt = jnp.tile(beta.reshape(1, D), (1, 4))
    wr = [jnp.kron(eye4, jnp.pad(Wr1, ((0, 0), (0, HP - H)))),
          jnp.kron(eye4, _pad_w(Wr2)), jnp.kron(eye4, _pad_w(Wr3))]
    wo = [jnp.kron(eye4, jnp.pad(Wo1, ((0, 0), (0, HP - H)))),
          jnp.kron(eye4, _pad_w(Wo2)), jnp.kron(eye4, _pad_w(Wo3))]
    br = [jnp.tile(jnp.pad(b.reshape(1, H), ((0, 0), (0, HP - H))), (1, 4))
          for b in (br1, br2, br3)]
    ablk = [jnp.kron(eye4, jnp.pad(a.reshape(H, 1), ((0, HP - H), (0, 0))))
            for a in (attn1, attn2, attn3)]

    srcr = jnp.pad(edge_index[0], (0, EPAD - E)).reshape(NW, NCHUNK, CHK)
    dstr = jnp.pad(edge_index[1], (0, EPAD - E)).reshape(NW, NCHUNK, CHK)
    wexp = jnp.broadcast_to(jnp.pad(edge_attr, (0, EPAD - E))[:, None],
                            (EPAD, HP))

    m0 = (jnp.arange(NP_, dtype=jnp.int32) < N).astype(f32).reshape(NP4, 4)

    nsd = jax.ShapeDtypeStruct
    p, r = pl.pallas_call(
        _pre_kernel,
        out_shape=[nsd((NP4, 4 * HP), f32), nsd((NP4, 4 * HP), f32)],
        compiler_params=_TC_PARAMS,
    )(xq, mdiv, gt, bt, wr[0], br[0], wo[0])

    agg = _conv_edges(HP)(p.reshape(NP_, HP), srcr, dstr, wexp)
    h, m, rd1 = pl.pallas_call(
        functools.partial(_post1_kernel, K1),
        out_shape=[nsd((NP4, 4 * HP), f32),
                   nsd((NP4, 4), f32), nsd((2, HP), f32)],
        compiler_params=_TC_PARAMS,
    )(agg.reshape(2 * NP4, 4 * HP), r, m0, ablk[0], g14)

    agg = _conv_edges(HP)(h.reshape(NP_, HP), srcr, dstr, wexp)
    h, m, rd2 = pl.pallas_call(
        functools.partial(_post_kernel, K2),
        out_shape=[nsd((NP4, 4 * HP), f32),
                   nsd((NP4, 4), f32), nsd((2, HP), f32)],
        compiler_params=_TC_PARAMS,
    )(agg.reshape(2 * NP4, 4 * HP), h, m,
      wr[1], br[1], wo[1], ablk[1], g14)

    agg = _conv_edges(HP)(h.reshape(NP_, HP), srcr, dstr, wexp)
    out = pl.pallas_call(
        functools.partial(_final_kernel, K3),
        out_shape=nsd((NHEADS, 4), f32),
        compiler_params=_TC_PARAMS,
    )(agg.reshape(2 * NP4, 4 * HP), h, m,
      wr[2], br[2], wo[2], ablk[2], g14,
      rd1, rd2, Wh1, bh1, Wh2, bh2, Wh3, bh3)
    return tuple(out[i:i + 1] for i in range(NHEADS))

# --- scband reference (transcript-rebuilt; emitter-appended) ---
"""Pipeline reference for scband-net-5634997093329 (READ-ONLY COPY).

The authoritative reference and input builder live on the scoring server;
editing this copy changes nothing except your own understanding.
"""

import math
import jax, jax.numpy as jnp
import numpy as np

N_NODES = 10000
N_EDGES = 320000
D_IN = 128
HCS = 30
RATIO = 0.9
N_HEADS = 11
OUT_DIM = 4


def setup_inputs(seed: int = 0):
    key = jax.random.key(seed)
    ks = jax.random.split(key, 16)
    def nrm(k, shape, s=0.05):
        return jax.random.normal(k, shape, jnp.float32) * s
    inp = {}
    inp["x"] = jax.random.normal(ks[0], (N_NODES, D_IN), jnp.float32)
    inp["edge_index"] = jax.random.randint(ks[1], (2, N_EDGES), 0, N_NODES, dtype=jnp.int32)
    inp["edge_attr"] = jax.random.uniform(ks[2], (N_EDGES,), jnp.float32)
    inp["batch"] = jnp.zeros((N_NODES,), jnp.int32)
    inp["gamma"] = jnp.ones((D_IN,), jnp.float32)
    inp["beta"] = jnp.zeros((D_IN,), jnp.float32)
    inp["Wr1"] = nrm(ks[3], (D_IN, HCS)); inp["br1"] = jnp.zeros((HCS,), jnp.float32)
    inp["Wo1"] = nrm(ks[4], (D_IN, HCS)); inp["attn1"] = nrm(ks[5], (HCS,), 0.2)
    inp["Wr2"] = nrm(ks[6], (HCS, HCS)); inp["br2"] = jnp.zeros((HCS,), jnp.float32)
    inp["Wo2"] = nrm(ks[7], (HCS, HCS)); inp["attn2"] = nrm(ks[8], (HCS,), 0.2)
    inp["Wr3"] = nrm(ks[9], (HCS, HCS)); inp["br3"] = jnp.zeros((HCS,), jnp.float32)
    inp["Wo3"] = nrm(ks[10], (HCS, HCS)); inp["attn3"] = nrm(ks[11], (HCS,), 0.2)
    inp["Wh1"] = nrm(ks[12], (N_HEADS, 2 * HCS, 8 * HCS)); inp["bh1"] = jnp.zeros((N_HEADS, 8 * HCS), jnp.float32)
    inp["Wh2"] = nrm(ks[13], (N_HEADS, 8 * HCS, 32 * HCS)); inp["bh2"] = jnp.zeros((N_HEADS, 32 * HCS), jnp.float32)
    inp["Wh3"] = nrm(ks[14], (N_HEADS, 32 * HCS, OUT_DIM)); inp["bh3"] = jnp.zeros((N_HEADS, OUT_DIM), jnp.float32)
    return inp


def _graph_conv(x, ei, ew, Wr, br, Wo):
    # PyG GraphConv: out = lin_rel(scatter_add(ew * x_src -> dst)) + lin_root(x)
    msg = x[ei[0]] * ew[:, None]
    agg = jnp.zeros_like(x).at[ei[1]].add(msg)
    return agg @ Wr + br + x @ Wo


def _topk_pool(x, ei, ew, attn, k):
    # PyG TopKPooling with tanh nonlinearity; edge filtering done with
    # static shapes: dropped edges get weight 0 and are routed to node 0.
    n = x.shape[0]
    score = jnp.tanh((x @ attn) / (jnp.linalg.norm(attn) + 1e-16))
    vals, perm = jax.lax.top_k(score, k)
    xp = x[perm] * vals[:, None]
    mask = jnp.zeros((n,), bool).at[perm].set(True)
    keep = mask[ei[0]] & mask[ei[1]]
    newidx = jnp.zeros((n,), jnp.int32).at[perm].set(jnp.arange(k, dtype=jnp.int32))
    ei2 = jnp.where(keep[None, :], newidx[ei], 0)
    ew2 = jnp.where(keep, ew, 0.0)
    return xp, ei2, ew2


def _readout(x):
    return jnp.concatenate([jnp.max(x, axis=0, keepdims=True), jnp.mean(x, axis=0, keepdims=True)], axis=1)


def _forward(x, ei, ew, gamma, beta, Wr1, br1, Wo1, attn1, Wr2, br2, Wo2, attn2, Wr3, br3, Wo3, attn3, Wh1, bh1, Wh2, bh2, Wh3, bh3):
    n = x.shape[0]
    k1 = int(math.ceil(RATIO * n))
    k2 = int(math.ceil(RATIO * k1))
    k3 = int(math.ceil(RATIO * k2))
    mu = jnp.mean(x, axis=-1, keepdims=True)
    var = jnp.var(x, axis=-1, keepdims=True)
    h = (x - mu) / jnp.sqrt(var + 1e-5) * gamma + beta
    h = jax.nn.relu(_graph_conv(h, ei, ew, Wr1, br1, Wo1))
    h, ei, ew = _topk_pool(h, ei, ew, attn1, k1)
    x1 = _readout(h)
    h = jax.nn.relu(_graph_conv(h, ei, ew, Wr2, br2, Wo2))
    h, ei, ew = _topk_pool(h, ei, ew, attn2, k2)
    x2 = _readout(h)
    h = jax.nn.relu(_graph_conv(h, ei, ew, Wr3, br3, Wo3))
    h, ei, ew = _topk_pool(h, ei, ew, attn3, k3)
    x3 = _readout(h)
    xc = x1 + x2 + x3
    outs = []
    for i in range(N_HEADS):
        z = jax.nn.relu(xc)
        z = jax.nn.relu(z @ Wh1[i] + bh1[i])
        z = jax.nn.relu(z @ Wh2[i] + bh2[i])
        z = z @ Wh3[i] + bh3[i]
        outs.append(z)
    return outs


def reference(x, edge_index, edge_attr, batch, gamma, beta, Wr1, br1, Wo1, attn1, Wr2, br2, Wo2, attn2, Wr3, br3, Wo3, attn3, Wh1, bh1, Wh2, bh2, Wh3, bh3):
    outs = _forward(x, edge_index, edge_attr, gamma, beta, Wr1, br1, Wo1, attn1, Wr2, br2, Wo2, attn2, Wr3, br3, Wo3, attn3, Wh1, bh1, Wh2, bh2, Wh3, bh3)
    return tuple(outs)

if __name__ == "__main__":
    import jax
    _d = setup_inputs()
    print(jax.jit(kernel)(*tuple(_d.values())))

</pallas_src>

<mosaic_0001>
#map = affine_map<(d0, d1) -> (0, 0)>
#map1 = affine_map<(d0, d1) -> (0, 0, 0)>
module attributes {stable_mosaic.version = 14 : i64} {
  func.func @_conv_edges_body(%arg0: i32, %arg1: i32, %arg2: memref<10112x32xf32, #tpu.memory_space<hbm>>, %arg3: memref<32x79x128xi32, #tpu.memory_space<hbm>>, %arg4: memref<32x79x128xi32, #tpu.memory_space<hbm>>, %arg5: memref<323584x32xf32, #tpu.memory_space<hbm>>, %arg6: memref<20224x32xf32, #tpu.memory_space<hbm>>, %arg7: memref<79x128xi32, #tpu.memory_space<vmem>>, %arg8: memref<79x128xi32, #tpu.memory_space<vmem>>, %arg9: memref<128x32xf32, #tpu.memory_space<vmem>>, %arg10: memref<128x32xf32, #tpu.memory_space<vmem>>, %arg11: memref<128x32xf32, #tpu.memory_space<vmem>>, %arg12: memref<10112x32xf32, #tpu.memory_space<vmem_shared>>, %arg13: memref<!tpu.dma_semaphore, #tpu.memory_space<semaphore_mem>>) attributes {dimension_semantics = [#tpu.dimension_semantics<core_parallel>, #tpu.dimension_semantics<subcore_parallel>], iteration_bounds = array<i64: 2, 16>, scalar_prefetch = 0 : i64, scratch_operands = 7 : i64, tpu.core_type = #tpu.core_type<sc_vector_subcore>, window_params = [{transform_indices = #map}, {transform_indices = #map1}, {transform_indices = #map1}, {transform_indices = #map}, {transform_indices = #map}]} {
    %mul3A = arith.constant 2 : i32
    %mul3A_0 = arith.muli %arg1, %mul3A : i32
    %add3A = arith.addi %mul3A_0, %arg0 : i32
    %broadcast_in_dim3A = arith.constant 0.000000e+00 : f32
    %broadcast_in_dim3A_1 = vector.broadcast %broadcast_in_dim3A : f32 to vector<16xf32>
    %scan3A = arith.constant 0 : i32
    %scan3A_2 = arith.constant 0 : i32
    %scan3A_3 = arith.constant 128 : i32
    %scan3A_4 = arith.addi %scan3A_2, %scan3A_3 : i32
    %scan3A_5 = arith.constant 1 : i32
    scf.for %scan3A_43 = %scan3A_2 to %scan3A_4 step %scan3A_5  : i32 {
      %swap3A = arith.index_cast %scan3A_43 : i32 to index
      %swap3A_44 = arith.constant 0 : index
      %swap3A_45 = tpu.vector_load %arg11[%swap3A, %swap3A_44] {strides = array<i32>} : memref<128x32xf32, #tpu.memory_space<vmem>>, vector<1x16xf32>,
      %swap3A_46 = vector.shape_cast %swap3A_45 : vector<1x16xf32> to vector<16xf32>
      %swap3A_47 = vector.shape_cast %broadcast_in_dim3A_1 : vector<16xf32> to vector<1x16xf32>
      tpu.vector_store %arg11[%swap3A, %swap3A_44], %swap3A_47 {strides = array<i32>} : memref<128x32xf32, #tpu.memory_space<vmem>>, vector<1x16xf32>,
      %swap3A_48 = arith.index_cast %scan3A_43 : i32 to index
      %swap3A_49 = arith.constant 16 : index
      %swap3A_50 = tpu.vector_load %arg11[%swap3A_48, %swap3A_49] {strides = array<i32>} : memref<128x32xf32, #tpu.memory_space<vmem>>, vector<1x16xf32>,
      %swap3A_51 = vector.shape_cast %swap3A_50 : vector<1x16xf32> to vector<16xf32>
      %swap3A_52 = vector.shape_cast %broadcast_in_dim3A_1 : vector<16xf32> to vector<1x16xf32>
      tpu.vector_store %arg11[%swap3A_48, %swap3A_49], %swap3A_52 {strides = array<i32>} : memref<128x32xf32, #tpu.memory_space<vmem>>, vector<1x16xf32>,
    }
    %scan3A_6 = arith.constant 128 : i32
    %mul3A_7 = arith.constant 632 : i32
    %mul3A_8 = arith.muli %arg1, %mul3A_7 : i32
    %add3A_9 = arith.constant 0 : i32
    %add3A_10 = arith.addi %mul3A_8, %add3A_9 : i32
    "tpu.region"() ({
      %run_scoped3A = tpu.sem_alloc : memref<!tpu.dma_semaphore, #tpu.memory_space<semaphore_mem>>
      %dma_start3A = arith.constant 0 : i32
      %dma_start3A_43 = arith.constant 0 : i32
      %dma_start3A_44 = tpu.memref_slice %arg11[%dma_start3A, %dma_start3A_43] : memref<128x32xf32, #tpu.memory_space<vmem>> -> memref<128x32xf32, #tpu.memory_space<vmem>>
      %dma_start3A_45 = arith.constant 0 : i32
      %dma_start3A_46 = tpu.memref_slice %arg12[%add3A_10, %dma_start3A_45] : memref<10112x32xf32, #tpu.memory_space<vmem_shared>> -> memref<128x32xf32, #tpu.memory_space<vmem_shared>>
      %dma_start3A_47 = arith.constant 0 : i32
      %dma_start3A_48 = tpu.memref_slice %arg12[%add3A_10, %dma_start3A_47] : memref<10112x32xf32, #tpu.memory_space<vmem_shared>> -> memref<128x32xf32, #tpu.memory_space<vmem_shared>>
      %dma_start3A_49 = arith.constant 0 : i32
      %dma_start3A_50 = arith.constant 0 : i32
      %dma_start3A_51 = tpu.memref_slice %arg11[%dma_start3A_49, %dma_start3A_50] : memref<128x32xf32, #tpu.memory_space<vmem>> -> memref<128x32xf32, #tpu.memory_space<vmem>>
      tpu.enqueue_dma source(%dma_start3A_51 : memref<128x32xf32, #tpu.memory_space<vmem>>) target(%dma_start3A_48 : memref<128x32xf32, #tpu.memory_space<vmem_shared>>) target_semaphore(%run_scoped3A : memref<!tpu.dma_semaphore, #tpu.memory_space<semaphore_mem>>)
      %dma_wait3A = arith.constant 0 : i32
      %dma_wait3A_52 = arith.constant 0 : i32
      %dma_wait3A_53 = tpu.memref_slice %arg11[%dma_wait3A, %dma_wait3A_52] : memref<128x32xf32, #tpu.memory_space<vmem>> -> memref<128x32xf32, #tpu.memory_space<vmem>>
      %dma_wait3A_54 = arith.constant 0 : i32
      %dma_wait3A_55 = tpu.memref_slice %arg12[%add3A_10, %dma_wait3A_54] : memref<10112x32xf32, #tpu.memory_space<vmem_shared>> -> memref<128x32xf32, #tpu.memory_space<vmem_shared>>
      %dma_wait3A_56 = arith.constant 0 : i32
      %dma_wait3A_57 = tpu.memref_slice %arg12[%add3A_10, %dma_wait3A_56] : memref<10112x32xf32, #tpu.memory_space<vmem_shared>> -> memref<128x32xf32, #tpu.memory_space<vmem_shared>>
      %dma_wait3A_58 = arith.constant 0 : i32
      %dma_wait3A_59 = arith.constant 0 : i32
      %dma_wait3A_60 = tpu.memref_slice %arg11[%dma_wait3A_58, %dma_wait3A_59] : memref<128x32xf32, #tpu.memory_space<vmem>> -> memref<128x32xf32, #tpu.memory_space<vmem>>
      tpu.wait_dma2 semaphore(%run_scoped3A : memref<!tpu.dma_semaphore, #tpu.memory_space<semaphore_mem>>) src(%dma_wait3A_60 : memref<128x32xf32, #tpu.memory_space<vmem>>) dst(%dma_wait3A_57 : memref<128x32xf32, #tpu.memory_space<vmem_shared>>)
      tpu.yield
    }) : () -> ()
    %mul3A_11 = arith.constant 632 : i32
    %mul3A_12 = arith.muli %arg1, %mul3A_11 : i32
    %add3A_13 = arith.constant 128 : i32
    %add3A_14 = arith.addi %mul3A_12, %add3A_13 : i32
    "tpu.region"() ({
      %run_scoped3A = tpu.sem_alloc : memref<!tpu.dma_semaphore, #tpu.memory_space<semaphore_mem>>
      %dma_start3A = arith.constant 0 : i32
      %dma_start3A_43 = arith.constant 0 : i32
      %dma_start3A_44 = tpu.memref_slice %arg11[%dma_start3A, %dma_start3A_43] : memref<128x32xf32, #tpu.memory_space<vmem>> -> memref<128x32xf32, #tpu.memory_space<vmem>>
      %dma_start3A_45 = arith.constant 0 : i32
      %dma_start3A_46 = tpu.memref_slice %arg12[%add3A_14, %dma_start3A_45] : memref<10112x32xf32, #tpu.memory_space<vmem_shared>> -> memref<128x32xf32, #tpu.memory_space<vmem_shared>>
      %dma_start3A_47 = arith.constant 0 : i32
      %dma_start3A_48 = tpu.memref_slice %arg12[%add3A_14, %dma_start3A_47] : memref<10112x32xf32, #tpu.memory_space<vmem_shared>> -> memref<128x32xf32, #tpu.memory_space<vmem_shared>>
      %dma_start3A_49 = arith.constant 0 : i32
      %dma_start3A_50 = arith.constant 0 : i32
      %dma_start3A_51 = tpu.memref_slice %arg11[%dma_start3A_49, %dma_start3A_50] : memref<128x32xf32, #tpu.memory_space<vmem>> -> memref<128x32xf32, #tpu.memory_space<vmem>>
      tpu.enqueue_dma source(%dma_start3A_51 : memref<128x32xf32, #tpu.memory_space<vmem>>) target(%dma_start3A_48 : memref<128x32xf32, #tpu.memory_space<vmem_shared>>) target_semaphore(%run_scoped3A : memref<!tpu.dma_semaphore, #tpu.memory_space<semaphore_mem>>)
      %dma_wait3A = arith.constant 0 : i32
      %dma_wait3A_52 = arith.constant 0 : i32
      %dma_wait3A_53 = tpu.memref_slice %arg11[%dma_wait3A, %dma_wait3A_52] : memref<128x32xf32, #tpu.memory_space<vmem>> -> memref<128x32xf32, #tpu.memory_space<vmem>>
      %dma_wait3A_54 = arith.constant 0 : i32
      %dma_wait3A_55 = tpu.memref_slice %arg12[%add3A_14, %dma_wait3A_54] : memref<10112x32xf32, #tpu.memory_space<vmem_shared>> -> memref<128x32xf32, #tpu.memory_space<vmem_shared>>
      %dma_wait3A_56 = arith.constant 0 : i32
      %dma_wait3A_57 = tpu.memref_slice %arg12[%add3A_14, %dma_wait3A_56] : memref<10112x32xf32, #tpu.memory_space<vmem_shared>> -> memref<128x32xf32, #tpu.memory_space<vmem_shared>>
      %dma_wait3A_58 = arith.constant 0 : i32
      %dma_wait3A_59 = arith.constant 0 : i32
      %dma_wait3A_60 = tpu.memref_slice %arg11[%dma_wait3A_58, %dma_wait3A_59] : memref<128x32xf32, #tpu.memory_space<vmem>> -> memref<128x32xf32, #tpu.memory_space<vmem>>
      tpu.wait_dma2 semaphore(%run_scoped3A : memref<!tpu.dma_semaphore, #tpu.memory_space<semaphore_mem>>) src(%dma_wait3A_60 : memref<128x32xf32, #tpu.memory_space<vmem>>) dst(%dma_wait3A_57 : memref<128x32xf32, #tpu.memory_space<vmem_shared>>)
      tpu.yield
    }) : () -> ()
    %mul3A_15 = arith.constant 632 : i32
    %mul3A_16 = arith.muli %arg1, %mul3A_15 : i32
    %add3A_17 = arith.constant 256 : i32
    %add3A_18 = arith.addi %mul3A_16, %add3A_17 : i32
    "tpu.region"() ({
      %run_scoped3A = tpu.sem_alloc : memref<!tpu.dma_semaphore, #tpu.memory_space<semaphore_mem>>
      %dma_start3A = arith.constant 0 : i32
      %dma_start3A_43 = arith.constant 0 : i32
      %dma_start3A_44 = tpu.memref_slice %arg11[%dma_start3A, %dma_start3A_43] : memref<128x32xf32, #tpu.memory_space<vmem>> -> memref<128x32xf32, #tpu.memory_space<vmem>>
      %dma_start3A_45 = arith.constant 0 : i32
      %dma_start3A_46 = tpu.memref_slice %arg12[%add3A_18, %dma_start3A_45] : memref<10112x32xf32, #tpu.memory_space<vmem_shared>> -> memref<128x32xf32, #tpu.memory_space<vmem_shared>>
      %dma_start3A_47 = arith.constant 0 : i32
      %dma_start3A_48 = tpu.memref_slice %arg12[%add3A_18, %dma_start3A_47] : memref<10112x32xf32, #tpu.memory_space<vmem_shared>> -> memref<128x32xf32, #tpu.memory_space<vmem_shared>>
      %dma_start3A_49 = arith.constant 0 : i32
      %dma_start3A_50 = arith.constant 0 : i32
      %dma_start3A_51 = tpu.memref_slice %arg11[%dma_start3A_49, %dma_start3A_50] : memref<128x32xf32, #tpu.memory_space<vmem>> -> memref<128x32xf32, #tpu.memory_space<vmem>>
      tpu.enqueue_dma source(%dma_start3A_51 : memref<128x32xf32, #tpu.memory_space<vmem>>) target(%dma_start3A_48 : memref<128x32xf32, #tpu.memory_space<vmem_shared>>) target_semaphore(%run_scoped3A : memref<!tpu.dma_semaphore, #tpu.memory_space<semaphore_mem>>)
      %dma_wait3A = arith.constant 0 : i32
      %dma_wait3A_52 = arith.constant 0 : i32
      %dma_wait3A_53 = tpu.memref_slice %arg11[%dma_wait3A, %dma_wait3A_52] : memref<128x32xf32, #tpu.memory_space<vmem>> -> memref<128x32xf32, #tpu.memory_space<vmem>>
      %dma_wait3A_54 = arith.constant 0 : i32
      %dma_wait3A_55 = tpu.memref_slice %arg12[%add3A_18, %dma_wait3A_54] : memref<10112x32xf32, #tpu.memory_space<vmem_shared>> -> memref<128x32xf32, #tpu.memory_space<vmem_shared>>
      %dma_wait3A_56 = arith.constant 0 : i32
      %dma_wait3A_57 = tpu.memref_slice %arg12[%add3A_18, %dma_wait3A_56] : memref<10112x32xf32, #tpu.memory_space<vmem_shared>> -> memref<128x32xf32, #tpu.memory_space<vmem_shared>>
      %dma_wait3A_58 = arith.constant 0 : i32
      %dma_wait3A_59 = arith.constant 0 : i32
      %dma_wait3A_60 = tpu.memref_slice %arg11[%dma_wait3A_58, %dma_wait3A_59] : memref<128x32xf32, #tpu.memory_space<vmem>> -> memref<128x32xf32, #tpu.memory_space<vmem>>
      tpu.wait_dma2 semaphore(%run_scoped3A : memref<!tpu.dma_semaphore, #tpu.memory_space<semaphore_mem>>) src(%dma_wait3A_60 : memref<128x32xf32, #tpu.memory_space<vmem>>) dst(%dma_wait3A_57 : memref<128x32xf32, #tpu.memory_space<vmem_shared>>)
      tpu.yield
    }) : () -> ()
    %mul3A_19 = arith.constant 632 : i32
    %mul3A_20 = arith.muli %arg1, %mul3A_19 : i32
    %add3A_21 = arith.constant 384 : i32
    %add3A_22 = arith.addi %mul3A_20, %add3A_21 : i32
    "tpu.region"() ({
      %run_scoped3A = tpu.sem_alloc : memref<!tpu.dma_semaphore, #tpu.memory_space<semaphore_mem>>
      %dma_start3A = arith.constant 0 : i32
      %dma_start3A_43 = arith.constant 0 : i32
      %dma_start3A_44 = tpu.memref_slice %arg11[%dma_start3A, %dma_start3A_43] : memref<128x32xf32, #tpu.memory_space<vmem>> -> memref<128x32xf32, #tpu.memory_space<vmem>>
      %dma_start3A_45 = arith.constant 0 : i32
      %dma_start3A_46 = tpu.memref_slice %arg12[%add3A_22, %dma_start3A_45] : memref<10112x32xf32, #tpu.memory_space<vmem_shared>> -> memref<128x32xf32, #tpu.memory_space<vmem_shared>>
      %dma_start3A_47 = arith.constant 0 : i32
      %dma_start3A_48 = tpu.memref_slice %arg12[%add3A_22, %dma_start3A_47] : memref<10112x32xf32, #tpu.memory_space<vmem_shared>> -> memref<128x32xf32, #tpu.memory_space<vmem_shared>>
      %dma_start3A_49 = arith.constant 0 : i32
      %dma_start3A_50 = arith.constant 0 : i32
      %dma_start3A_51 = tpu.memref_slice %arg11[%dma_start3A_49, %dma_start3A_50] : memref<128x32xf32, #tpu.memory_space<vmem>> -> memref<128x32xf32, #tpu.memory_space<vmem>>
      tpu.enqueue_dma source(%dma_start3A_51 : memref<128x32xf32, #tpu.memory_space<vmem>>) target(%dma_start3A_48 : memref<128x32xf32, #tpu.memory_space<vmem_shared>>) target_semaphore(%run_scoped3A : memref<!tpu.dma_semaphore, #tpu.memory_space<semaphore_mem>>)
      %dma_wait3A = arith.constant 0 : i32
      %dma_wait3A_52 = arith.constant 0 : i32
      %dma_wait3A_53 = tpu.memref_slice %arg11[%dma_wait3A, %dma_wait3A_52] : memref<128x32xf32, #tpu.memory_space<vmem>> -> memref<128x32xf32, #tpu.memory_space<vmem>>
      %dma_wait3A_54 = arith.constant 0 : i32
      %dma_wait3A_55 = tpu.memref_slice %arg12[%add3A_22, %dma_wait3A_54] : memref<10112x32xf32, #tpu.memory_space<vmem_shared>> -> memref<128x32xf32, #tpu.memory_space<vmem_shared>>
      %dma_wait3A_56 = arith.constant 0 : i32
      %dma_wait3A_57 = tpu.memref_slice %arg12[%add3A_22, %dma_wait3A_56] : memref<10112x32xf32, #tpu.memory_space<vmem_shared>> -> memref<128x32xf32, #tpu.memory_space<vmem_shared>>
      %dma_wait3A_58 = arith.constant 0 : i32
      %dma_wait3A_59 = arith.constant 0 : i32
      %dma_wait3A_60 = tpu.memref_slice %arg11[%dma_wait3A_58, %dma_wait3A_59] : memref<128x32xf32, #tpu.memory_space<vmem>> -> memref<128x32xf32, #tpu.memory_space<vmem>>
      tpu.wait_dma2 semaphore(%run_scoped3A : memref<!tpu.dma_semaphore, #tpu.memory_space<semaphore_mem>>) src(%dma_wait3A_60 : memref<128x32xf32, #tpu.memory_space<vmem>>) dst(%dma_wait3A_57 : memref<128x32xf32, #tpu.memory_space<vmem_shared>>)
      tpu.yield
    }) : () -> ()
    %mul3A_23 = arith.constant 632 : i32
    %mul3A_24 = arith.muli %arg1, %mul3A_23 : i32
    %add3A_25 = arith.constant 512 : i32
    %add3A_26 = arith.addi %mul3A_24, %add3A_25 : i32
    "tpu.region"() ({
      %run_scoped3A = tpu.sem_alloc : memref<!tpu.dma_semaphore, #tpu.memory_space<semaphore_mem>>
      %dma_start3A = arith.constant 0 : i32
      %dma_start3A_43 = arith.constant 0 : i32
      %dma_start3A_44 = tpu.memref_slice %arg11[%dma_start3A, %dma_start3A_43] : memref<128x32xf32, #tpu.memory_space<vmem>> -> memref<120x32xf32, #tpu.memory_space<vmem>>
      %dma_start3A_45 = arith.constant 0 : i32
      %dma_start3A_46 = tpu.memref_slice %arg12[%add3A_26, %dma_start3A_45] : memref<10112x32xf32, #tpu.memory_space<vmem_shared>> -> memref<120x32xf32, #tpu.memory_space<vmem_shared>>
      %dma_start3A_47 = arith.constant 0 : i32
      %dma_start3A_48 = tpu.memref_slice %arg12[%add3A_26, %dma_start3A_47] : memref<10112x32xf32, #tpu.memory_space<vmem_shared>> -> memref<120x32xf32, #tpu.memory_space<vmem_shared>>
      %dma_start3A_49 = arith.constant 0 : i32
      %dma_start3A_50 = arith.constant 0 : i32
      %dma_start3A_51 = tpu.memref_slice %arg11[%dma_start3A_49, %dma_start3A_50] : memref<128x32xf32, #tpu.memory_space<vmem>> -> memref<120x32xf32, #tpu.memory_space<vmem>>
      tpu.enqueue_dma source(%dma_start3A_51 : memref<120x32xf32, #tpu.memory_space<vmem>>) target(%dma_start3A_48 : memref<120x32xf32, #tpu.memory_space<vmem_shared>>) target_semaphore(%run_scoped3A : memref<!tpu.dma_semaphore, #tpu.memory_space<semaphore_mem>>)
      %dma_wait3A = arith.constant 0 : i32
      %dma_wait3A_52 = arith.constant 0 : i32
      %dma_wait3A_53 = tpu.memref_slice %arg11[%dma_wait3A, %dma_wait3A_52] : memref<128x32xf32, #tpu.memory_space<vmem>> -> memref<120x32xf32, #tpu.memory_space<vmem>>
      %dma_wait3A_54 = arith.constant 0 : i32
      %dma_wait3A_55 = tpu.memref_slice %arg12[%add3A_26, %dma_wait3A_54] : memref<10112x32xf32, #tpu.memory_space<vmem_shared>> -> memref<120x32xf32, #tpu.memory_space<vmem_shared>>
      %dma_wait3A_56 = arith.constant 0 : i32
      %dma_wait3A_57 = tpu.memref_slice %arg12[%add3A_26, %dma_wait3A_56] : memref<10112x32xf32, #tpu.memory_space<vmem_shared>> -> memref<120x32xf32, #tpu.memory_space<vmem_shared>>
      %dma_wait3A_58 = arith.constant 0 : i32
      %dma_wait3A_59 = arith.constant 0 : i32
      %dma_wait3A_60 = tpu.memref_slice %arg11[%dma_wait3A_58, %dma_wait3A_59] : memref<128x32xf32, #tpu.memory_space<vmem>> -> memref<120x32xf32, #tpu.memory_space<vmem>>
      tpu.wait_dma2 semaphore(%run_scoped3A : memref<!tpu.dma_semaphore, #tpu.memory_space<semaphore_mem>>) src(%dma_wait3A_60 : memref<120x32xf32, #tpu.memory_space<vmem>>) dst(%dma_wait3A_57 : memref<120x32xf32, #tpu.memory_space<vmem_shared>>)
      tpu.yield
    }) : () -> ()
    "tpu.region"() ({
      %run_scoped3A = tpu.sem_alloc : memref<!tpu.dma_semaphore, #tpu.memory_space<semaphore_mem>>
      %dma_start3A = arith.constant 0 : i32
      %dma_start3A_43 = arith.constant 0 : i32
      %dma_start3A_44 = tpu.memref_slice %arg3[%add3A, %dma_start3A, %dma_start3A_43] : memref<32x79x128xi32, #tpu.memory_space<hbm>> -> memref<1x79x128xi32, #tpu.memory_space<hbm>>
      %dma_start3A_45 = tpu.memref_squeeze %dma_start3A_44 : memref<1x79x128xi32, #tpu.memory_space<hbm>> -> memref<79x128xi32, #tpu.memory_space<hbm>>
      %dma_start3A_46 = arith.constant 0 : i32
      %dma_start3A_47 = arith.constant 0 : i32
      %dma_start3A_48 = tpu.memref_slice %arg3[%add3A, %dma_start3A_46, %dma_start3A_47] : memref<32x79x128xi32, #tpu.memory_space<hbm>> -> memref<1x79x128xi32, #tpu.memory_space<hbm>>
      %dma_start3A_49 = tpu.memref_squeeze %dma_start3A_48 : memref<1x79x128xi32, #tpu.memory_space<hbm>> -> memref<79x128xi32, #tpu.memory_space<hbm>>
      tpu.enqueue_dma source(%dma_start3A_49 : memref<79x128xi32, #tpu.memory_space<hbm>>) target(%arg7 : memref<79x128xi32, #tpu.memory_space<vmem>>) target_semaphore(%run_scoped3A : memref<!tpu.dma_semaphore, #tpu.memory_space<semaphore_mem>>)
      %dma_wait3A = arith.constant 0 : i32
      %dma_wait3A_50 = arith.constant 0 : i32
      %dma_wait3A_51 = tpu.memref_slice %arg3[%add3A, %dma_wait3A, %dma_wait3A_50] : memref<32x79x128xi32, #tpu.memory_space<hbm>> -> memref<1x79x128xi32, #tpu.memory_space<hbm>>
      %dma_wait3A_52 = tpu.memref_squeeze %dma_wait3A_51 : memref<1x79x128xi32, #tpu.memory_space<hbm>> -> memref<79x128xi32, #tpu.memory_space<hbm>>
      %dma_wait3A_53 = arith.constant 0 : i32
      %dma_wait3A_54 = arith.constant 0 : i32
      %dma_wait3A_55 = tpu.memref_slice %arg3[%add3A, %dma_wait3A_53, %dma_wait3A_54] : memref<32x79x128xi32, #tpu.memory_space<hbm>> -> memref<1x79x128xi32, #tpu.memory_space<hbm>>
      %dma_wait3A_56 = tpu.memref_squeeze %dma_wait3A_55 : memref<1x79x128xi32, #tpu.memory_space<hbm>> -> memref<79x128xi32, #tpu.memory_space<hbm>>
      tpu.wait_dma2 semaphore(%run_scoped3A : memref<!tpu.dma_semaphore, #tpu.memory_space<semaphore_mem>>) src(%dma_wait3A_56 : memref<79x128xi32, #tpu.memory_space<hbm>>) dst(%arg7 : memref<79x128xi32, #tpu.memory_space<vmem>>)
      tpu.yield
    }) : () -> ()
    "tpu.region"() ({
      %run_scoped3A = tpu.sem_alloc : memref<!tpu.dma_semaphore, #tpu.memory_space<semaphore_mem>>
      %dma_start3A = arith.constant 0 : i32
      %dma_start3A_43 = arith.constant 0 : i32
      %dma_start3A_44 = tpu.memref_slice %arg4[%add3A, %dma_start3A, %dma_start3A_43] : memref<32x79x128xi32, #tpu.memory_space<hbm>> -> memref<1x79x128xi32, #tpu.memory_space<hbm>>
      %dma_start3A_45 = tpu.memref_squeeze %dma_start3A_44 : memref<1x79x128xi32, #tpu.memory_space<hbm>> -> memref<79x128xi32, #tpu.memory_space<hbm>>
      %dma_start3A_46 = arith.constant 0 : i32
      %dma_start3A_47 = arith.constant 0 : i32
      %dma_start3A_48 = tpu.memref_slice %arg4[%add3A, %dma_start3A_46, %dma_start3A_47] : memref<32x79x128xi32, #tpu.memory_space<hbm>> -> memref<1x79x128xi32, #tpu.memory_space<hbm>>
      %dma_start3A_49 = tpu.memref_squeeze %dma_start3A_48 : memref<1x79x128xi32, #tpu.memory_space<hbm>> -> memref<79x128xi32, #tpu.memory_space<hbm>>
      tpu.enqueue_dma source(%dma_start3A_49 : memref<79x128xi32, #tpu.memory_space<hbm>>) target(%arg8 : memref<79x128xi32, #tpu.memory_space<vmem>>) target_semaphore(%run_scoped3A : memref<!tpu.dma_semaphore, #tpu.memory_space<semaphore_mem>>)
      %dma_wait3A = arith.constant 0 : i32
      %dma_wait3A_50 = arith.constant 0 : i32
      %dma_wait3A_51 = tpu.memref_slice %arg4[%add3A, %dma_wait3A, %dma_wait3A_50] : memref<32x79x128xi32, #tpu.memory_space<hbm>> -> memref<1x79x128xi32, #tpu.memory_space<hbm>>
      %dma_wait3A_52 = tpu.memref_squeeze %dma_wait3A_51 : memref<1x79x128xi32, #tpu.memory_space<hbm>> -> memref<79x128xi32, #tpu.memory_space<hbm>>
      %dma_wait3A_53 = arith.constant 0 : i32
      %dma_wait3A_54 = arith.constant 0 : i32
      %dma_wait3A_55 = tpu.memref_slice %arg4[%add3A, %dma_wait3A_53, %dma_wait3A_54] : memref<32x79x128xi32, #tpu.memory_space<hbm>> -> memref<1x79x128xi32, #tpu.memory_space<hbm>>
      %dma_wait3A_56 = tpu.memref_squeeze %dma_wait3A_55 : memref<1x79x128xi32, #tpu.memory_space<hbm>> -> memref<79x128xi32, #tpu.memory_space<hbm>>
      tpu.wait_dma2 semaphore(%run_scoped3A : memref<!tpu.dma_semaphore, #tpu.memory_space<semaphore_mem>>) src(%dma_wait3A_56 : memref<79x128xi32, #tpu.memory_space<hbm>>) dst(%arg8 : memref<79x128xi32, #tpu.memory_space<vmem>>)
      tpu.yield
    }) : () -> ()
    %barrier3A = arith.constant 0 : index
    tpu.barrier barrier_id(%barrier3A)
    %mul3A_27 = arith.constant 10112 : i32
    %mul3A_28 = arith.muli %add3A, %mul3A_27 : i32
    %scan3A_29 = arith.constant 0 : i32
    %scan3A_30 = arith.constant 0 : i32
    %scan3A_31 = arith.constant 79 : i32
    %scan3A_32 = arith.addi %scan3A_30, %scan3A_31 : i32
    %scan3A_33 = arith.constant 1 : i32
    scf.for %scan3A_43 = %scan3A_30 to %scan3A_32 step %scan3A_33  : i32 {
      %dma_start3A = arith.constant 0 : i32
      %dma_start3A_44 = tpu.memref_slice %arg7[%scan3A_43, %dma_start3A] : memref<79x128xi32, #tpu.memory_space<vmem>> -> memref<1x128xi32, #tpu.memory_space<vmem>>
      %dma_start3A_45 = tpu.memref_squeeze %dma_start3A_44 : memref<1x128xi32, #tpu.memory_space<vmem>> -> memref<128xi32, #tpu.memory_space<vmem>>
      %dma_start3A_46 = arith.constant 0 : i32
      %dma_start3A_47 = arith.constant 0 : i32
      %dma_start3A_48 = tpu.memref_slice %arg2[%dma_start3A_46, %dma_start3A_47] : memref<10112x32xf32, #tpu.memory_space<hbm>> -> memref<10112x32xf32, #tpu.memory_space<hbm>>
      tpu.enqueue_indirect_dma source(%dma_start3A_48 : memref<10112x32xf32, #tpu.memory_space<hbm>>) target(%arg9 : memref<128x32xf32, #tpu.memory_space<vmem>>) offsets(%dma_start3A_45 : memref<128xi32, #tpu.memory_space<vmem>>) semaphore(%arg13 : memref<!tpu.dma_semaphore, #tpu.memory_space<semaphore_mem>>)
      %dma_wait3A = arith.constant 0 : i32
      %dma_wait3A_49 = tpu.memref_slice %arg7[%scan3A_43, %dma_wait3A] : memref<79x128xi32, #tpu.memory_space<vmem>> -> memref<1x128xi32, #tpu.memory_space<vmem>>
      %dma_wait3A_50 = tpu.memref_squeeze %dma_wait3A_49 : memref<1x128xi32, #tpu.memory_space<vmem>> -> memref<128xi32, #tpu.memory_space<vmem>>
      %dma_wait3A_51 = arith.constant 0 : i32
      %dma_wait3A_52 = arith.constant 0 : i32
      %dma_wait3A_53 = tpu.memref_slice %arg2[%dma_wait3A_51, %dma_wait3A_52] : memref<10112x32xf32, #tpu.memory_space<hbm>> -> memref<10112x32xf32, #tpu.memory_space<hbm>>
      tpu.wait_indirect_dma semaphore(%arg13 : memref<!tpu.dma_semaphore, #tpu.memory_space<semaphore_mem>>) src(%dma_wait3A_53 : memref<10112x32xf32, #tpu.memory_space<hbm>>) dst(%arg9 : memref<128x32xf32, #tpu.memory_space<vmem>>)
      %mul3A_54 = arith.constant 128 : i32
      %mul3A_55 = arith.muli %scan3A_43, %mul3A_54 : i32
      %add3A_56 = arith.addi %mul3A_28, %mul3A_55 : i32
      "tpu.region"() ({
        %run_scoped3A = tpu.sem_alloc : memref<!tpu.dma_semaphore, #tpu.memory_space<semaphore_mem>>
        %dma_start3A_63 = arith.constant 0 : i32
        %dma_start3A_64 = tpu.memref_slice %arg5[%add3A_56, %dma_start3A_63] : memref<323584x32xf32, #tpu.memory_space<hbm>> -> memref<128x32xf32, #tpu.memory_space<hbm>>
        %dma_start3A_65 = arith.constant 0 : i32
        %dma_start3A_66 = tpu.memref_slice %arg5[%add3A_56, %dma_start3A_65] : memref<323584x32xf32, #tpu.memory_space<hbm>> -> memref<128x32xf32, #tpu.memory_space<hbm>>
        tpu.enqueue_dma source(%dma_start3A_66 : memref<128x32xf32, #tpu.memory_space<hbm>>) target(%arg10 : memref<128x32xf32, #tpu.memory_space<vmem>>) target_semaphore(%run_scoped3A : memref<!tpu.dma_semaphore, #tpu.memory_space<semaphore_mem>>)
        %dma_wait3A_67 = arith.constant 0 : i32
        %dma_wait3A_68 = tpu.memref_slice %arg5[%add3A_56, %dma_wait3A_67] : memref<323584x32xf32, #tpu.memory_space<hbm>> -> memref<128x32xf32, #tpu.memory_space<hbm>>
        %dma_wait3A_69 = arith.constant 0 : i32
        %dma_wait3A_70 = tpu.memref_slice %arg5[%add3A_56, %dma_wait3A_69] : memref<323584x32xf32, #tpu.memory_space<hbm>> -> memref<128x32xf32, #tpu.memory_space<hbm>>
        tpu.wait_dma2 semaphore(%run_scoped3A : memref<!tpu.dma_semaphore, #tpu.memory_space<semaphore_mem>>) src(%dma_wait3A_70 : memref<128x32xf32, #tpu.memory_space<hbm>>) dst(%arg10 : memref<128x32xf32, #tpu.memory_space<vmem>>)
        tpu.yield
      }) : () -> ()
      %scan3A_57 = arith.constant 0 : i32
      %scan3A_58 = arith.constant 0 : i32
      %scan3A_59 = arith.constant 128 : i32
      %scan3A_60 = arith.addi %scan3A_58, %scan3A_59 : i32
      %scan3A_61 = arith.constant 1 : i32
      scf.for %scan3A_63 = %scan3A_58 to %scan3A_60 step %scan3A_61  : i32 {
        %get3A = arith.index_cast %scan3A_63 : i32 to index
        %get3A_64 = arith.constant 0 : index
        %get3A_65 = tpu.vector_load %arg10[%get3A, %get3A_64] {strides = array<i32>} : memref<128x32xf32, #tpu.memory_space<vmem>>, vector<1x16xf32>,
        %get3A_66 = vector.shape_cast %get3A_65 : vector<1x16xf32> to vector<16xf32>
        %get3A_67 = arith.index_cast %scan3A_63 : i32 to index
        %get3A_68 = arith.constant 0 : index
        %get3A_69 = tpu.vector_load %arg9[%get3A_67, %get3A_68] {strides = array<i32>} : memref<128x32xf32, #tpu.memory_space<vmem>>, vector<1x16xf32>,
        %get3A_70 = vector.shape_cast %get3A_69 : vector<1x16xf32> to vector<16xf32>
        %mul3A_71 = arith.mulf %get3A_70, %get3A_66 : vector<16xf32>
        %swap3A = arith.index_cast %scan3A_63 : i32 to index
        %swap3A_72 = arith.constant 0 : index
        %swap3A_73 = tpu.vector_load %arg9[%swap3A, %swap3A_72] {strides = array<i32>} : memref<128x32xf32, #tpu.memory_space<vmem>>, vector<1x16xf32>,
        %swap3A_74 = vector.shape_cast %swap3A_73 : vector<1x16xf32> to vector<16xf32>
        %swap3A_75 = vector.shape_cast %mul3A_71 : vector<16xf32> to vector<1x16xf32>
        tpu.vector_store %arg9[%swap3A, %swap3A_72], %swap3A_75 {strides = array<i32>} : memref<128x32xf32, #tpu.memory_space<vmem>>, vector<1x16xf32>,
        %get3A_76 = arith.index_cast %scan3A_63 : i32 to index
        %get3A_77 = arith.constant 16 : index
        %get3A_78 = tpu.vector_load %arg9[%get3A_76, %get3A_77] {strides = array<i32>} : memref<128x32xf32, #tpu.memory_space<vmem>>, vector<1x16xf32>,
        %get3A_79 = vector.shape_cast %get3A_78 : vector<1x16xf32> to vector<16xf32>
        %mul3A_80 = arith.mulf %get3A_79, %get3A_66 : vector<16xf32>
        %swap3A_81 = arith.index_cast %scan3A_63 : i32 to index
        %swap3A_82 = arith.constant 16 : index
        %swap3A_83 = tpu.vector_load %arg9[%swap3A_81, %swap3A_82] {strides = array<i32>} : memref<128x32xf32, #tpu.memory_space<vmem>>, vector<1x16xf32>,
        %swap3A_84 = vector.shape_cast %swap3A_83 : vector<1x16xf32> to vector<16xf32>
        %swap3A_85 = vector.shape_cast %mul3A_80 : vector<16xf32> to vector<1x16xf32>
        tpu.vector_store %arg9[%swap3A_81, %swap3A_82], %swap3A_85 {strides = array<i32>} : memref<128x32xf32, #tpu.memory_space<vmem>>, vector<1x16xf32>,
      }
      %scan3A_62 = arith.constant 128 : i32
      "tpu.region"() ({
        %run_scoped3A = tpu.sem_alloc : memref<!tpu.dma_semaphore, #tpu.memory_space<semaphore_mem>>
        %dma_start3A_63 = arith.constant 0 : i32
        %dma_start3A_64 = tpu.memref_slice %arg8[%scan3A_43, %dma_start3A_63] : memref<79x128xi32, #tpu.memory_space<vmem>> -> memref<1x128xi32, #tpu.memory_space<vmem>>
        %dma_start3A_65 = tpu.memref_squeeze %dma_start3A_64 : memref<1x128xi32, #tpu.memory_space<vmem>> -> memref<128xi32, #tpu.memory_space<vmem>>
        %dma_start3A_66 = arith.constant 0 : i32
        %dma_start3A_67 = arith.constant 0 : i32
        %dma_start3A_68 = tpu.memref_slice %arg12[%dma_start3A_66, %dma_start3A_67] : memref<10112x32xf32, #tpu.memory_space<vmem_shared>> -> memref<10112x32xf32, #tpu.memory_space<vmem_shared>>
        tpu.enqueue_indirect_dma source(%arg9 : memref<128x32xf32, #tpu.memory_space<vmem>>) target(%dma_start3A_68 : memref<10112x32xf32, #tpu.memory_space<vmem_shared>>) offsets(%dma_start3A_65 : memref<128xi32, #tpu.memory_space<vmem>>) semaphore(%run_scoped3A : memref<!tpu.dma_semaphore, #tpu.memory_space<semaphore_mem>>) {add = true}
        %dma_wait3A_69 = arith.constant 0 : i32
        %dma_wait3A_70 = tpu.memref_slice %arg8[%scan3A_43, %dma_wait3A_69] : memref<79x128xi32, #tpu.memory_space<vmem>> -> memref<1x128xi32, #tpu.memory_space<vmem>>
        %dma_wait3A_71 = tpu.memref_squeeze %dma_wait3A_70 : memref<1x128xi32, #tpu.memory_space<vmem>> -> memref<128xi32, #tpu.memory_space<vmem>>
        %dma_wait3A_72 = arith.constant 0 : i32
        %dma_wait3A_73 = arith.constant 0 : i32
        %dma_wait3A_74 = tpu.memref_slice %arg12[%dma_wait3A_72, %dma_wait3A_73] : memref<10112x32xf32, #tpu.memory_space<vmem_shared>> -> memref<10112x32xf32, #tpu.memory_space<vmem_shared>>
        tpu.wait_indirect_dma semaphore(%run_scoped3A : memref<!tpu.dma_semaphore, #tpu.memory_space<semaphore_mem>>) src(%arg9 : memref<128x32xf32, #tpu.memory_space<vmem>>) dst(%dma_wait3A_74 : memref<10112x32xf32, #tpu.memory_space<vmem_shared>>)
        tpu.yield
      }) : () -> ()
    }
    %scan3A_34 = arith.constant 79 : i32
    %barrier3A_35 = arith.constant 0 : index
    tpu.barrier barrier_id(%barrier3A_35)
    %mul3A_36 = arith.constant 632 : i32
    %mul3A_37 = arith.muli %arg1, %mul3A_36 : i32
    %mul3A_38 = arith.constant 10112 : i32
    %mul3A_39 = arith.muli %arg0, %mul3A_38 : i32
    %mul3A_40 = arith.constant 632 : i32
    %mul3A_41 = arith.muli %arg1, %mul3A_40 : i32
    %add3A_42 = arith.addi %mul3A_39, %mul3A_41 : i32
    "tpu.region"() ({
      %run_scoped3A = tpu.sem_alloc : memref<!tpu.dma_semaphore, #tpu.memory_space<semaphore_mem>>
      %dma_start3A = arith.constant 0 : i32
      %dma_start3A_43 = tpu.memref_slice %arg6[%add3A_42, %dma_start3A] : memref<20224x32xf32, #tpu.memory_space<hbm>> -> memref<632x32xf32, #tpu.memory_space<hbm>>
      %dma_start3A_44 = arith.constant 0 : i32
      %dma_start3A_45 = tpu.memref_slice %arg12[%mul3A_37, %dma_start3A_44] : memref<10112x32xf32, #tpu.memory_space<vmem_shared>> -> memref<632x32xf32, #tpu.memory_space<vmem_shared>>
      tpu.enqueue_dma source(%dma_start3A_45 : memref<632x32xf32, #tpu.memory_space<vmem_shared>>) target(%dma_start3A_43 : memref<632x32xf32, #tpu.memory_space<hbm>>) target_semaphore(%run_scoped3A : memref<!tpu.dma_semaphore, #tpu.memory_space<semaphore_mem>>)
      %dma_wait3A = arith.constant 0 : i32
      %dma_wait3A_46 = tpu.memref_slice %arg6[%add3A_42, %dma_wait3A] : memref<20224x32xf32, #tpu.memory_space<hbm>> -> memref<632x32xf32, #tpu.memory_space<hbm>>
      %dma_wait3A_47 = arith.constant 0 : i32
      %dma_wait3A_48 = tpu.memref_slice %arg12[%mul3A_37, %dma_wait3A_47] : memref<10112x32xf32, #tpu.memory_space<vmem_shared>> -> memref<632x32xf32, #tpu.memory_space<vmem_shared>>
      tpu.wait_dma2 semaphore(%run_scoped3A : memref<!tpu.dma_semaphore, #tpu.memory_space<semaphore_mem>>) src(%dma_wait3A_48 : memref<632x32xf32, #tpu.memory_space<vmem_shared>>) dst(%dma_wait3A_46 : memref<632x32xf32, #tpu.memory_space<hbm>>)
      tpu.yield
    }) : () -> ()
    return
  }
}

#map = affine_map<(d0, d1) -> (0, 0)>
#map1 = affine_map<(d0, d1) -> (0, 0, 0)>
module attributes {stable_mosaic.version = 14 : i64} {
  func.func @_conv_edges_body(%arg0: i32, %arg1: i32, %arg2: memref<10112x32xf32, #tpu.memory_space<hbm>>, %arg3: memref<32x79x128xi32, #tpu.memory_space<hbm>>, %arg4: memref<32x79x128xi32, #tpu.memory_space<hbm>>, %arg5: memref<323584x32xf32, #tpu.memory_space<hbm>>, %arg6: memref<20224x32xf32, #tpu.memory_space<hbm>>, %arg7: memref<79x128xi32, #tpu.memory_space<vmem>>, %arg8: memref<79x128xi32, #tpu.memory_space<vmem>>, %arg9: memref<128x32xf32, #tpu.memory_space<vmem>>, %arg10: memref<128x32xf32, #tpu.memory_space<vmem>>, %arg11: memref<128x32xf32, #tpu.memory_space<vmem>>, %arg12: memref<10112x32xf32, #tpu.memory_space<vmem_shared>>, %arg13: memref<!tpu.dma_semaphore, #tpu.memory_space<semaphore_mem>>) attributes {dimension_semantics = [#tpu.dimension_semantics<core_parallel>, #tpu.dimension_semantics<subcore_parallel>], iteration_bounds = array<i64: 2, 16>, scalar_prefetch = 0 : i64, scratch_operands = 7 : i64, tpu.core_type = #tpu.core_type<sc_vector_subcore>, window_params = [{transform_indices = #map}, {transform_indices = #map1}, {transform_indices = #map1}, {transform_indices = #map}, {transform_indices = #map}]} {
    %mul3A = arith.constant 2 : i32
    %mul3A_0 = arith.muli %arg1, %mul3A : i32
    %add3A = arith.addi %mul3A_0, %arg0 : i32
    %broadcast_in_dim3A = arith.constant 0.000000e+00 : f32
    %broadcast_in_dim3A_1 = vector.broadcast %broadcast_in_dim3A : f32 to vector<16xf32>
    %scan3A = arith.constant 0 : i32
    %scan3A_2 = arith.constant 0 : i32
    %scan3A_3 = arith.constant 128 : i32
    %scan3A_4 = arith.addi %scan3A_2, %scan3A_3 : i32
    %scan3A_5 = arith.constant 1 : i32
    scf.for %scan3A_43 = %scan3A_2 to %scan3A_4 step %scan3A_5  : i32 {
      %swap3A = arith.index_cast %scan3A_43 : i32 to index
      %swap3A_44 = arith.constant 0 : index
      %swap3A_45 = tpu.vector_load %arg11[%swap3A, %swap3A_44] {strides = array<i32>} : memref<128x32xf32, #tpu.memory_space<vmem>>, vector<1x16xf32>,
      %swap3A_46 = vector.shape_cast %swap3A_45 : vector<1x16xf32> to vector<16xf32>
      %swap3A_47 = vector.shape_cast %broadcast_in_dim3A_1 : vector<16xf32> to vector<1x16xf32>
      tpu.vector_store %arg11[%swap3A, %swap3A_44], %swap3A_47 {strides = array<i32>} : memref<128x32xf32, #tpu.memory_space<vmem>>, vector<1x16xf32>,
      %swap3A_48 = arith.index_cast %scan3A_43 : i32 to index
      %swap3A_49 = arith.constant 16 : index
      %swap3A_50 = tpu.vector_load %arg11[%swap3A_48, %swap3A_49] {strides = array<i32>} : memref<128x32xf32, #tpu.memory_space<vmem>>, vector<1x16xf32>,
      %swap3A_51 = vector.shape_cast %swap3A_50 : vector<1x16xf32> to vector<16xf32>
      %swap3A_52 = vector.shape_cast %broadcast_in_dim3A_1 : vector<16xf32> to vector<1x16xf32>
      tpu.vector_store %arg11[%swap3A_48, %swap3A_49], %swap3A_52 {strides = array<i32>} : memref<128x32xf32, #tpu.memory_space<vmem>>, vector<1x16xf32>,
    }
    %scan3A_6 = arith.constant 128 : i32
    %mul3A_7 = arith.constant 632 : i32
    %mul3A_8 = arith.muli %arg1, %mul3A_7 : i32
    %add3A_9 = arith.constant 0 : i32
    %add3A_10 = arith.addi %mul3A_8, %add3A_9 : i32
    "tpu.region"() ({
      %run_scoped3A = tpu.sem_alloc : memref<!tpu.dma_semaphore, #tpu.memory_space<semaphore_mem>>
      %dma_start3A = arith.constant 0 : i32
      %dma_start3A_43 = arith.constant 0 : i32
      %dma_start3A_44 = tpu.memref_slice %arg11[%dma_start3A, %dma_start3A_43] : memref<128x32xf32, #tpu.memory_space<vmem>> -> memref<128x32xf32, #tpu.memory_space<vmem>>
      %dma_start3A_45 = arith.constant 0 : i32
      %dma_start3A_46 = tpu.memref_slice %arg12[%add3A_10, %dma_start3A_45] : memref<10112x32xf32, #tpu.memory_space<vmem_shared>> -> memref<128x32xf32, #tpu.memory_space<vmem_shared>>
      %dma_start3A_47 = arith.constant 0 : i32
      %dma_start3A_48 = tpu.memref_slice %arg12[%add3A_10, %dma_start3A_47] : memref<10112x32xf32, #tpu.memory_space<vmem_shared>> -> memref<128x32xf32, #tpu.memory_space<vmem_shared>>
      %dma_start3A_49 = arith.constant 0 : i32
      %dma_start3A_50 = arith.constant 0 : i32
      %dma_start3A_51 = tpu.memref_slice %arg11[%dma_start3A_49, %dma_start3A_50] : memref<128x32xf32, #tpu.memory_space<vmem>> -> memref<128x32xf32, #tpu.memory_space<vmem>>
      tpu.enqueue_dma source(%dma_start3A_51 : memref<128x32xf32, #tpu.memory_space<vmem>>) target(%dma_start3A_48 : memref<128x32xf32, #tpu.memory_space<vmem_shared>>) target_semaphore(%run_scoped3A : memref<!tpu.dma_semaphore, #tpu.memory_space<semaphore_mem>>)
      %dma_wait3A = arith.constant 0 : i32
      %dma_wait3A_52 = arith.constant 0 : i32
      %dma_wait3A_53 = tpu.memref_slice %arg11[%dma_wait3A, %dma_wait3A_52] : memref<128x32xf32, #tpu.memory_space<vmem>> -> memref<128x32xf32, #tpu.memory_space<vmem>>
      %dma_wait3A_54 = arith.constant 0 : i32
      %dma_wait3A_55 = tpu.memref_slice %arg12[%add3A_10, %dma_wait3A_54] : memref<10112x32xf32, #tpu.memory_space<vmem_shared>> -> memref<128x32xf32, #tpu.memory_space<vmem_shared>>
      %dma_wait3A_56 = arith.constant 0 : i32
      %dma_wait3A_57 = tpu.memref_slice %arg12[%add3A_10, %dma_wait3A_56] : memref<10112x32xf32, #tpu.memory_space<vmem_shared>> -> memref<128x32xf32, #tpu.memory_space<vmem_shared>>
      %dma_wait3A_58 = arith.constant 0 : i32
      %dma_wait3A_59 = arith.constant 0 : i32
      %dma_wait3A_60 = tpu.memref_slice %arg11[%dma_wait3A_58, %dma_wait3A_59] : memref<128x32xf32, #tpu.memory_space<vmem>> -> memref<128x32xf32, #tpu.memory_space<vmem>>
      tpu.wait_dma2 semaphore(%run_scoped3A : memref<!tpu.dma_semaphore, #tpu.memory_space<semaphore_mem>>) src(%dma_wait3A_60 : memref<128x32xf32, #tpu.memory_space<vmem>>) dst(%dma_wait3A_57 : memref<128x32xf32, #tpu.memory_space<vmem_shared>>)
      tpu.yield
    }) : () -> ()
    %mul3A_11 = arith.constant 632 : i32
    %mul3A_12 = arith.muli %arg1, %mul3A_11 : i32
    %add3A_13 = arith.constant 128 : i32
    %add3A_14 = arith.addi %mul3A_12, %add3A_13 : i32
    "tpu.region"() ({
      %run_scoped3A = tpu.sem_alloc : memref<!tpu.dma_semaphore, #tpu.memory_space<semaphore_mem>>
      %dma_start3A = arith.constant 0 : i32
      %dma_start3A_43 = arith.constant 0 : i32
      %dma_start3A_44 = tpu.memref_slice %arg11[%dma_start3A, %dma_start3A_43] : memref<128x32xf32, #tpu.memory_space<vmem>> -> memref<128x32xf32, #tpu.memory_space<vmem>>
      %dma_start3A_45 = arith.constant 0 : i32
      %dma_start3A_46 = tpu.memref_slice %arg12[%add3A_14, %dma_start3A_45] : memref<10112x32xf32, #tpu.memory_space<vmem_shared>> -> memref<128x32xf32, #tpu.memory_space<vmem_shared>>
      %dma_start3A_47 = arith.constant 0 : i32
      %dma_start3A_48 = tpu.memref_slice %arg12[%add3A_14, %dma_start3A_47] : memref<10112x32xf32, #tpu.memory_space<vmem_shared>> -> memref<128x32xf32, #tpu.memory_space<vmem_shared>>
      %dma_start3A_49 = arith.constant 0 : i32
      %dma_start3A_50 = arith.constant 0 : i32
      %dma_start3A_51 = tpu.memref_slice %arg11[%dma_start3A_49, %dma_start3A_50] : memref<128x32xf32, #tpu.memory_space<vmem>> -> memref<128x32xf32, #tpu.memory_space<vmem>>
      tpu.enqueue_dma source(%dma_start3A_51 : memref<128x32xf32, #tpu.memory_space<vmem>>) target(%dma_start3A_48 : memref<128x32xf32, #tpu.memory_space<vmem_shared>>) target_semaphore(%run_scoped3A : memref<!tpu.dma_semaphore, #tpu.memory_space<semaphore_mem>>)
      %dma_wait3A = arith.constant 0 : i32
      %dma_wait3A_52 = arith.constant 0 : i32
      %dma_wait3A_53 = tpu.memref_slice %arg11[%dma_wait3A, %dma_wait3A_52] : memref<128x32xf32, #tpu.memory_space<vmem>> -> memref<128x32xf32, #tpu.memory_space<vmem>>
      %dma_wait3A_54 = arith.constant 0 : i32
      %dma_wait3A_55 = tpu.memref_slice %arg12[%add3A_14, %dma_wait3A_54] : memref<10112x32xf32, #tpu.memory_space<vmem_shared>> -> memref<128x32xf32, #tpu.memory_space<vmem_shared>>
      %dma_wait3A_56 = arith.constant 0 : i32
      %dma_wait3A_57 = tpu.memref_slice %arg12[%add3A_14, %dma_wait3A_56] : memref<10112x32xf32, #tpu.memory_space<vmem_shared>> -> memref<128x32xf32, #tpu.memory_space<vmem_shared>>
      %dma_wait3A_58 = arith.constant 0 : i32
      %dma_wait3A_59 = arith.constant 0 : i32
      %dma_wait3A_60 = tpu.memref_slice %arg11[%dma_wait3A_58, %dma_wait3A_59] : memref<128x32xf32, #tpu.memory_space<vmem>> -> memref<128x32xf32, #tpu.memory_space<vmem>>
      tpu.wait_dma2 semaphore(%run_scoped3A : memref<!tpu.dma_semaphore, #tpu.memory_space<semaphore_mem>>) src(%dma_wait3A_60 : memref<128x32xf32, #tpu.memory_space<vmem>>) dst(%dma_wait3A_57 : memref<128x32xf32, #tpu.memory_space<vmem_shared>>)
      tpu.yield
    }) : () -> ()
    %mul3A_15 = arith.constant 632 : i32
    %mul3A_16 = arith.muli %arg1, %mul3A_15 : i32
    %add3A_17 = arith.constant 256 : i32
    %add3A_18 = arith.addi %mul3A_16, %add3A_17 : i32
    "tpu.region"() ({
      %run_scoped3A = tpu.sem_alloc : memref<!tpu.dma_semaphore, #tpu.memory_space<semaphore_mem>>
      %dma_start3A = arith.constant 0 : i32
      %dma_start3A_43 = arith.constant 0 : i32
      %dma_start3A_44 = tpu.memref_slice %arg11[%dma_start3A, %dma_start3A_43] : memref<128x32xf32, #tpu.memory_space<vmem>> -> memref<128x32xf32, #tpu.memory_space<vmem>>
      %dma_start3A_45 = arith.constant 0 : i32
      %dma_start3A_46 = tpu.memref_slice %arg12[%add3A_18, %dma_start3A_45] : memref<10112x32xf32, #tpu.memory_space<vmem_shared>> -> memref<128x32xf32, #tpu.memory_space<vmem_shared>>
      %dma_start3A_47 = arith.constant 0 : i32
      %dma_start3A_48 = tpu.memref_slice %arg12[%add3A_18, %dma_start3A_47] : memref<10112x32xf32, #tpu.memory_space<vmem_shared>> -> memref<128x32xf32, #tpu.memory_space<vmem_shared>>
      %dma_start3A_49 = arith.constant 0 : i32
      %dma_start3A_50 = arith.constant 0 : i32
      %dma_start3A_51 = tpu.memref_slice %arg11[%dma_start3A_49, %dma_start3A_50] : memref<128x32xf32, #tpu.memory_space<vmem>> -> memref<128x32xf32, #tpu.memory_space<vmem>>
      tpu.enqueue_dma source(%dma_start3A_51 : memref<128x32xf32, #tpu.memory_space<vmem>>) target(%dma_start3A_48 : memref<128x32xf32, #tpu.memory_space<vmem_shared>>) target_semaphore(%run_scoped3A : memref<!tpu.dma_semaphore, #tpu.memory_space<semaphore_mem>>)
      %dma_wait3A = arith.constant 0 : i32
      %dma_wait3A_52 = arith.constant 0 : i32
      %dma_wait3A_53 = tpu.memref_slice %arg11[%dma_wait3A, %dma_wait3A_52] : memref<128x32xf32, #tpu.memory_space<vmem>> -> memref<128x32xf32, #tpu.memory_space<vmem>>
      %dma_wait3A_54 = arith.constant 0 : i32
      %dma_wait3A_55 = tpu.memref_slice %arg12[%add3A_18, %dma_wait3A_54] : memref<10112x32xf32, #tpu.memory_space<vmem_shared>> -> memref<128x32xf32, #tpu.memory_space<vmem_shared>>
      %dma_wait3A_56 = arith.constant 0 : i32
      %dma_wait3A_57 = tpu.memref_slice %arg12[%add3A_18, %dma_wait3A_56] : memref<10112x32xf32, #tpu.memory_space<vmem_shared>> -> memref<128x32xf32, #tpu.memory_space<vmem_shared>>
      %dma_wait3A_58 = arith.constant 0 : i32
      %dma_wait3A_59 = arith.constant 0 : i32
      %dma_wait3A_60 = tpu.memref_slice %arg11[%dma_wait3A_58, %dma_wait3A_59] : memref<128x32xf32, #tpu.memory_space<vmem>> -> memref<128x32xf32, #tpu.memory_space<vmem>>
      tpu.wait_dma2 semaphore(%run_scoped3A : memref<!tpu.dma_semaphore, #tpu.memory_space<semaphore_mem>>) src(%dma_wait3A_60 : memref<128x32xf32, #tpu.memory_space<vmem>>) dst(%dma_wait3A_57 : memref<128x32xf32, #tpu.memory_space<vmem_shared>>)
      tpu.yield
    }) : () -> ()
    %mul3A_19 = arith.constant 632 : i32
    %mul3A_20 = arith.muli %arg1, %mul3A_19 : i32
    %add3A_21 = arith.constant 384 : i32
    %add3A_22 = arith.addi %mul3A_20, %add3A_21 : i32
    "tpu.region"() ({
      %run_scoped3A = tpu.sem_alloc : memref<!tpu.dma_semaphore, #tpu.memory_space<semaphore_mem>>
      %dma_start3A = arith.constant 0 : i32
      %dma_start3A_43 = arith.constant 0 : i32
      %dma_start3A_44 = tpu.memref_slice %arg11[%dma_start3A, %dma_start3A_43] : memref<128x32xf32, #tpu.memory_space<vmem>> -> memref<128x32xf32, #tpu.memory_space<vmem>>
      %dma_start3A_45 = arith.constant 0 : i32
      %dma_start3A_46 = tpu.memref_slice %arg12[%add3A_22, %dma_start3A_45] : memref<10112x32xf32, #tpu.memory_space<vmem_shared>> -> memref<128x32xf32, #tpu.memory_space<vmem_shared>>
      %dma_start3A_47 = arith.constant 0 : i32
      %dma_start3A_48 = tpu.memref_slice %arg12[%add3A_22, %dma_start3A_47] : memref<10112x32xf32, #tpu.memory_space<vmem_shared>> -> memref<128x32xf32, #tpu.memory_space<vmem_shared>>
      %dma_start3A_49 = arith.constant 0 : i32
      %dma_start3A_50 = arith.constant 0 : i32
      %dma_start3A_51 = tpu.memref_slice %arg11[%dma_start3A_49, %dma_start3A_50] : memref<128x32xf32, #tpu.memory_space<vmem>> -> memref<128x32xf32, #tpu.memory_space<vmem>>
      tpu.enqueue_dma source(%dma_start3A_51 : memref<128x32xf32, #tpu.memory_space<vmem>>) target(%dma_start3A_48 : memref<128x32xf32, #tpu.memory_space<vmem_shared>>) target_semaphore(%run_scoped3A : memref<!tpu.dma_semaphore, #tpu.memory_space<semaphore_mem>>)
      %dma_wait3A = arith.constant 0 : i32
      %dma_wait3A_52 = arith.constant 0 : i32
      %dma_wait3A_53 = tpu.memref_slice %arg11[%dma_wait3A, %dma_wait3A_52] : memref<128x32xf32, #tpu.memory_space<vmem>> -> memref<128x32xf32, #tpu.memory_space<vmem>>
      %dma_wait3A_54 = arith.constant 0 : i32
      %dma_wait3A_55 = tpu.memref_slice %arg12[%add3A_22, %dma_wait3A_54] : memref<10112x32xf32, #tpu.memory_space<vmem_shared>> -> memref<128x32xf32, #tpu.memory_space<vmem_shared>>
      %dma_wait3A_56 = arith.constant 0 : i32
      %dma_wait3A_57 = tpu.memref_slice %arg12[%add3A_22, %dma_wait3A_56] : memref<10112x32xf32, #tpu.memory_space<vmem_shared>> -> memref<128x32xf32, #tpu.memory_space<vmem_shared>>
      %dma_wait3A_58 = arith.constant 0 : i32
      %dma_wait3A_59 = arith.constant 0 : i32
      %dma_wait3A_60 = tpu.memref_slice %arg11[%dma_wait3A_58, %dma_wait3A_59] : memref<128x32xf32, #tpu.memory_space<vmem>> -> memref<128x32xf32, #tpu.memory_space<vmem>>
      tpu.wait_dma2 semaphore(%run_scoped3A : memref<!tpu.dma_semaphore, #tpu.memory_space<semaphore_mem>>) src(%dma_wait3A_60 : memref<128x32xf32, #tpu.memory_space<vmem>>) dst(%dma_wait3A_57 : memref<128x32xf32, #tpu.memory_space<vmem_shared>>)
      tpu.yield
    }) : () -> ()
    %mul3A_23 = arith.constant 632 : i32
    %mul3A_24 = arith.muli %arg1, %mul3A_23 : i32
    %add3A_25 = arith.constant 512 : i32
    %add3A_26 = arith.addi %mul3A_24, %add3A_25 : i32
    "tpu.region"() ({
      %run_scoped3A = tpu.sem_alloc : memref<!tpu.dma_semaphore, #tpu.memory_space<semaphore_mem>>
      %dma_start3A = arith.constant 0 : i32
      %dma_start3A_43 = arith.constant 0 : i32
      %dma_start3A_44 = tpu.memref_slice %arg11[%dma_start3A, %dma_start3A_43] : memref<128x32xf32, #tpu.memory_space<vmem>> -> memref<120x32xf32, #tpu.memory_space<vmem>>
      %dma_start3A_45 = arith.constant 0 : i32
      %dma_start3A_46 = tpu.memref_slice %arg12[%add3A_26, %dma_start3A_45] : memref<10112x32xf32, #tpu.memory_space<vmem_shared>> -> memref<120x32xf32, #tpu.memory_space<vmem_shared>>
      %dma_start3A_47 = arith.constant 0 : i32
      %dma_start3A_48 = tpu.memref_slice %arg12[%add3A_26, %dma_start3A_47] : memref<10112x32xf32, #tpu.memory_space<vmem_shared>> -> memref<120x32xf32, #tpu.memory_space<vmem_shared>>
      %dma_start3A_49 = arith.constant 0 : i32
      %dma_start3A_50 = arith.constant 0 : i32
      %dma_start3A_51 = tpu.memref_slice %arg11[%dma_start3A_49, %dma_start3A_50] : memref<128x32xf32, #tpu.memory_space<vmem>> -> memref<120x32xf32, #tpu.memory_space<vmem>>
      tpu.enqueue_dma source(%dma_start3A_51 : memref<120x32xf32, #tpu.memory_space<vmem>>) target(%dma_start3A_48 : memref<120x32xf32, #tpu.memory_space<vmem_shared>>) target_semaphore(%run_scoped3A : memref<!tpu.dma_semaphore, #tpu.memory_space<semaphore_mem>>)
      %dma_wait3A = arith.constant 0 : i32
      %dma_wait3A_52 = arith.constant 0 : i32
      %dma_wait3A_53 = tpu.memref_slice %arg11[%dma_wait3A, %dma_wait3A_52] : memref<128x32xf32, #tpu.memory_space<vmem>> -> memref<120x32xf32, #tpu.memory_space<vmem>>
      %dma_wait3A_54 = arith.constant 0 : i32
      %dma_wait3A_55 = tpu.memref_slice %arg12[%add3A_26, %dma_wait3A_54] : memref<10112x32xf32, #tpu.memory_space<vmem_shared>> -> memref<120x32xf32, #tpu.memory_space<vmem_shared>>
      %dma_wait3A_56 = arith.constant 0 : i32
      %dma_wait3A_57 = tpu.memref_slice %arg12[%add3A_26, %dma_wait3A_56] : memref<10112x32xf32, #tpu.memory_space<vmem_shared>> -> memref<120x32xf32, #tpu.memory_space<vmem_shared>>
      %dma_wait3A_58 = arith.constant 0 : i32
      %dma_wait3A_59 = arith.constant 0 : i32
      %dma_wait3A_60 = tpu.memref_slice %arg11[%dma_wait3A_58, %dma_wait3A_59] : memref<128x32xf32, #tpu.memory_space<vmem>> -> memref<120x32xf32, #tpu.memory_space<vmem>>
      tpu.wait_dma2 semaphore(%run_scoped3A : memref<!tpu.dma_semaphore, #tpu.memory_space<semaphore_mem>>) src(%dma_wait3A_60 : memref<120x32xf32, #tpu.memory_space<vmem>>) dst(%dma_wait3A_57 : memref<120x32xf32, #tpu.memory_space<vmem_shared>>)
      tpu.yield
    }) : () -> ()
    "tpu.region"() ({
      %run_scoped3A = tpu.sem_alloc : memref<!tpu.dma_semaphore, #tpu.memory_space<semaphore_mem>>
      %dma_start3A = arith.constant 0 : i32
      %dma_start3A_43 = arith.constant 0 : i32
      %dma_start3A_44 = tpu.memref_slice %arg3[%add3A, %dma_start3A, %dma_start3A_43] : memref<32x79x128xi32, #tpu.memory_space<hbm>> -> memref<1x79x128xi32, #tpu.memory_space<hbm>>
      %dma_start3A_45 = tpu.memref_squeeze %dma_start3A_44 : memref<1x79x128xi32, #tpu.memory_space<hbm>> -> memref<79x128xi32, #tpu.memory_space<hbm>>
      %dma_start3A_46 = arith.constant 0 : i32
      %dma_start3A_47 = arith.constant 0 : i32
      %dma_start3A_48 = tpu.memref_slice %arg3[%add3A, %dma_start3A_46, %dma_start3A_47] : memref<32x79x128xi32, #tpu.memory_space<hbm>> -> memref<1x79x128xi32, #tpu.memory_space<hbm>>
      %dma_start3A_49 = tpu.memref_squeeze %dma_start3A_48 : memref<1x79x128xi32, #tpu.memory_space<hbm>> -> memref<79x128xi32, #tpu.memory_space<hbm>>
      tpu.enqueue_dma source(%dma_start3A_49 : memref<79x128xi32, #tpu.memory_space<hbm>>) target(%arg7 : memref<79x128xi32, #tpu.memory_space<vmem>>) target_semaphore(%run_scoped3A : memref<!tpu.dma_semaphore, #tpu.memory_space<semaphore_mem>>)
      %dma_wait3A = arith.constant 0 : i32
      %dma_wait3A_50 = arith.constant 0 : i32
      %dma_wait3A_51 = tpu.memref_slice %arg3[%add3A, %dma_wait3A, %dma_wait3A_50] : memref<32x79x128xi32, #tpu.memory_space<hbm>> -> memref<1x79x128xi32, #tpu.memory_space<hbm>>
      %dma_wait3A_52 = tpu.memref_squeeze %dma_wait3A_51 : memref<1x79x128xi32, #tpu.memory_space<hbm>> -> memref<79x128xi32, #tpu.memory_space<hbm>>
      %dma_wait3A_53 = arith.constant 0 : i32
      %dma_wait3A_54 = arith.constant 0 : i32
      %dma_wait3A_55 = tpu.memref_slice %arg3[%add3A, %dma_wait3A_53, %dma_wait3A_54] : memref<32x79x128xi32, #tpu.memory_space<hbm>> -> memref<1x79x128xi32, #tpu.memory_space<hbm>>
      %dma_wait3A_56 = tpu.memref_squeeze %dma_wait3A_55 : memref<1x79x128xi32, #tpu.memory_space<hbm>> -> memref<79x128xi32, #tpu.memory_space<hbm>>
      tpu.wait_dma2 semaphore(%run_scoped3A : memref<!tpu.dma_semaphore, #tpu.memory_space<semaphore_mem>>) src(%dma_wait3A_56 : memref<79x128xi32, #tpu.memory_space<hbm>>) dst(%arg7 : memref<79x128xi32, #tpu.memory_space<vmem>>)
      tpu.yield
    }) : () -> ()
    "tpu.region"() ({
      %run_scoped3A = tpu.sem_alloc : memref<!tpu.dma_semaphore, #tpu.memory_space<semaphore_mem>>
      %dma_start3A = arith.constant 0 : i32
      %dma_start3A_43 = arith.constant 0 : i32
      %dma_start3A_44 = tpu.memref_slice %arg4[%add3A, %dma_start3A, %dma_start3A_43] : memref<32x79x128xi32, #tpu.memory_space<hbm>> -> memref<1x79x128xi32, #tpu.memory_space<hbm>>
      %dma_start3A_45 = tpu.memref_squeeze %dma_start3A_44 : memref<1x79x128xi32, #tpu.memory_space<hbm>> -> memref<79x128xi32, #tpu.memory_space<hbm>>
      %dma_start3A_46 = arith.constant 0 : i32
      %dma_start3A_47 = arith.constant 0 : i32
      %dma_start3A_48 = tpu.memref_slice %arg4[%add3A, %dma_start3A_46, %dma_start3A_47] : memref<32x79x128xi32, #tpu.memory_space<hbm>> -> memref<1x79x128xi32, #tpu.memory_space<hbm>>
      %dma_start3A_49 = tpu.memref_squeeze %dma_start3A_48 : memref<1x79x128xi32, #tpu.memory_space<hbm>> -> memref<79x128xi32, #tpu.memory_space<hbm>>
      tpu.enqueue_dma source(%dma_start3A_49 : memref<79x128xi32, #tpu.memory_space<hbm>>) target(%arg8 : memref<79x128xi32, #tpu.memory_space<vmem>>) target_semaphore(%run_scoped3A : memref<!tpu.dma_semaphore, #tpu.memory_space<semaphore_mem>>)
      %dma_wait3A = arith.constant 0 : i32
      %dma_wait3A_50 = arith.constant 0 : i32
      %dma_wait3A_51 = tpu.memref_slice %arg4[%add3A, %dma_wait3A, %dma_wait3A_50] : memref<32x79x128xi32, #tpu.memory_space<hbm>> -> memref<1x79x128xi32, #tpu.memory_space<hbm>>
      %dma_wait3A_52 = tpu.memref_squeeze %dma_wait3A_51 : memref<1x79x128xi32, #tpu.memory_space<hbm>> -> memref<79x128xi32, #tpu.memory_space<hbm>>
      %dma_wait3A_53 = arith.constant 0 : i32
      %dma_wait3A_54 = arith.constant 0 : i32
      %dma_wait3A_55 = tpu.memref_slice %arg4[%add3A, %dma_wait3A_53, %dma_wait3A_54] : memref<32x79x128xi32, #tpu.memory_space<hbm>> -> memref<1x79x128xi32, #tpu.memory_space<hbm>>
      %dma_wait3A_56 = tpu.memref_squeeze %dma_wait3A_55 : memref<1x79x128xi32, #tpu.memory_space<hbm>> -> memref<79x128xi32, #tpu.memory_space<hbm>>
      tpu.wait_dma2 semaphore(%run_scoped3A : memref<!tpu.dma_semaphore, #tpu.memory_space<semaphore_mem>>) src(%dma_wait3A_56 : memref<79x128xi32, #tpu.memory_space<hbm>>) dst(%arg8 : memref<79x128xi32, #tpu.memory_space<vmem>>)
      tpu.yield
    }) : () -> ()
    %barrier3A = arith.constant 0 : index
    tpu.barrier barrier_id(%barrier3A)
    %mul3A_27 = arith.constant 10112 : i32
    %mul3A_28 = arith.muli %add3A, %mul3A_27 : i32
    %scan3A_29 = arith.constant 0 : i32
    %scan3A_30 = arith.constant 0 : i32
    %scan3A_31 = arith.constant 79 : i32
    %scan3A_32 = arith.addi %scan3A_30, %scan3A_31 : i32
    %scan3A_33 = arith.constant 1 : i32
    scf.for %scan3A_43 = %scan3A_30 to %scan3A_32 step %scan3A_33  : i32 {
      %dma_start3A = arith.constant 0 : i32
      %dma_start3A_44 = tpu.memref_slice %arg7[%scan3A_43, %dma_start3A] : memref<79x128xi32, #tpu.memory_space<vmem>> -> memref<1x128xi32, #tpu.memory_space<vmem>>
      %dma_start3A_45 = tpu.memref_squeeze %dma_start3A_44 : memref<1x128xi32, #tpu.memory_space<vmem>> -> memref<128xi32, #tpu.memory_space<vmem>>
      %dma_start3A_46 = arith.constant 0 : i32
      %dma_start3A_47 = arith.constant 0 : i32
      %dma_start3A_48 = tpu.memref_slice %arg2[%dma_start3A_46, %dma_start3A_47] : memref<10112x32xf32, #tpu.memory_space<hbm>> -> memref<10112x32xf32, #tpu.memory_space<hbm>>
      tpu.enqueue_indirect_dma source(%dma_start3A_48 : memref<10112x32xf32, #tpu.memory_space<hbm>>) target(%arg9 : memref<128x32xf32, #tpu.memory_space<vmem>>) offsets(%dma_start3A_45 : memref<128xi32, #tpu.memory_space<vmem>>) semaphore(%arg13 : memref<!tpu.dma_semaphore, #tpu.memory_space<semaphore_mem>>)
      %dma_wait3A = arith.constant 0 : i32
      %dma_wait3A_49 = tpu.memref_slice %arg7[%scan3A_43, %dma_wait3A] : memref<79x128xi32, #tpu.memory_space<vmem>> -> memref<1x128xi32, #tpu.memory_space<vmem>>
      %dma_wait3A_50 = tpu.memref_squeeze %dma_wait3A_49 : memref<1x128xi32, #tpu.memory_space<vmem>> -> memref<128xi32, #tpu.memory_space<vmem>>
      %dma_wait3A_51 = arith.constant 0 : i32
      %dma_wait3A_52 = arith.constant 0 : i32
      %dma_wait3A_53 = tpu.memref_slice %arg2[%dma_wait3A_51, %dma_wait3A_52] : memref<10112x32xf32, #tpu.memory_space<hbm>> -> memref<10112x32xf32, #tpu.memory_space<hbm>>
      tpu.wait_indirect_dma semaphore(%arg13 : memref<!tpu.dma_semaphore, #tpu.memory_space<semaphore_mem>>) src(%dma_wait3A_53 : memref<10112x32xf32, #tpu.memory_space<hbm>>) dst(%arg9 : memref<128x32xf32, #tpu.memory_space<vmem>>)
      %mul3A_54 = arith.constant 128 : i32
      %mul3A_55 = arith.muli %scan3A_43, %mul3A_54 : i32
      %add3A_56 = arith.addi %mul3A_28, %mul3A_55 : i32
      "tpu.region"() ({
        %run_scoped3A = tpu.sem_alloc : memref<!tpu.dma_semaphore, #tpu.memory_space<semaphore_mem>>
        %dma_start3A_63 = arith.constant 0 : i32
        %dma_start3A_64 = tpu.memref_slice %arg5[%add3A_56, %dma_start3A_63] : memref<323584x32xf32, #tpu.memory_space<hbm>> -> memref<128x32xf32, #tpu.memory_space<hbm>>
        %dma_start3A_65 = arith.constant 0 : i32
        %dma_start3A_66 = tpu.memref_slice %arg5[%add3A_56, %dma_start3A_65] : memref<323584x32xf32, #tpu.memory_space<hbm>> -> memref<128x32xf32, #tpu.memory_space<hbm>>
        tpu.enqueue_dma source(%dma_start3A_66 : memref<128x32xf32, #tpu.memory_space<hbm>>) target(%arg10 : memref<128x32xf32, #tpu.memory_space<vmem>>) target_semaphore(%run_scoped3A : memref<!tpu.dma_semaphore, #tpu.memory_space<semaphore_mem>>)
        %dma_wait3A_67 = arith.constant 0 : i32
        %dma_wait3A_68 = tpu.memref_slice %arg5[%add3A_56, %dma_wait3A_67] : memref<323584x32xf32, #tpu.memory_space<hbm>> -> memref<128x32xf32, #tpu.memory_space<hbm>>
        %dma_wait3A_69 = arith.constant 0 : i32
        %dma_wait3A_70 = tpu.memref_slice %arg5[%add3A_56, %dma_wait3A_69] : memref<323584x32xf32, #tpu.memory_space<hbm>> -> memref<128x32xf32, #tpu.memory_space<hbm>>
        tpu.wait_dma2 semaphore(%run_scoped3A : memref<!tpu.dma_semaphore, #tpu.memory_space<semaphore_mem>>) src(%dma_wait3A_70 : memref<128x32xf32, #tpu.memory_space<hbm>>) dst(%arg10 : memref<128x32xf32, #tpu.memory_space<vmem>>)
        tpu.yield
      }) : () -> ()
      %scan3A_57 = arith.constant 0 : i32
      %scan3A_58 = arith.constant 0 : i32
      %scan3A_59 = arith.constant 128 : i32
      %scan3A_60 = arith.addi %scan3A_58, %scan3A_59 : i32
      %scan3A_61 = arith.constant 1 : i32
      scf.for %scan3A_63 = %scan3A_58 to %scan3A_60 step %scan3A_61  : i32 {
        %get3A = arith.index_cast %scan3A_63 : i32 to index
        %get3A_64 = arith.constant 0 : index
        %get3A_65 = tpu.vector_load %arg10[%get3A, %get3A_64] {strides = array<i32>} : memref<128x32xf32, #tpu.memory_space<vmem>>, vector<1x16xf32>,
        %get3A_66 = vector.shape_cast %get3A_65 : vector<1x16xf32> to vector<16xf32>
        %get3A_67 = arith.index_cast %scan3A_63 : i32 to index
        %get3A_68 = arith.constant 0 : index
        %get3A_69 = tpu.vector_load %arg9[%get3A_67, %get3A_68] {strides = array<i32>} : memref<128x32xf32, #tpu.memory_space<vmem>>, vector<1x16xf32>,
        %get3A_70 = vector.shape_cast %get3A_69 : vector<1x16xf32> to vector<16xf32>
        %mul3A_71 = arith.mulf %get3A_70, %get3A_66 : vector<16xf32>
        %swap3A = arith.index_cast %scan3A_63 : i32 to index
        %swap3A_72 = arith.constant 0 : index
        %swap3A_73 = tpu.vector_load %arg9[%swap3A, %swap3A_72] {strides = array<i32>} : memref<128x32xf32, #tpu.memory_space<vmem>>, vector<1x16xf32>,
        %swap3A_74 = vector.shape_cast %swap3A_73 : vector<1x16xf32> to vector<16xf32>
        %swap3A_75 = vector.shape_cast %mul3A_71 : vector<16xf32> to vector<1x16xf32>
        tpu.vector_store %arg9[%swap3A, %swap3A_72], %swap3A_75 {strides = array<i32>} : memref<128x32xf32, #tpu.memory_space<vmem>>, vector<1x16xf32>,
        %get3A_76 = arith.index_cast %scan3A_63 : i32 to index
        %get3A_77 = arith.constant 16 : index
        %get3A_78 = tpu.vector_load %arg9[%get3A_76, %get3A_77] {strides = array<i32>} : memref<128x32xf32, #tpu.memory_space<vmem>>, vector<1x16xf32>,
        %get3A_79 = vector.shape_cast %get3A_78 : vector<1x16xf32> to vector<16xf32>
        %mul3A_80 = arith.mulf %get3A_79, %get3A_66 : vector<16xf32>
        %swap3A_81 = arith.index_cast %scan3A_63 : i32 to index
        %swap3A_82 = arith.constant 16 : index
        %swap3A_83 = tpu.vector_load %arg9[%swap3A_81, %swap3A_82] {strides = array<i32>} : memref<128x32xf32, #tpu.memory_space<vmem>>, vector<1x16xf32>,
        %swap3A_84 = vector.shape_cast %swap3A_83 : vector<1x16xf32> to vector<16xf32>
        %swap3A_85 = vector.shape_cast %mul3A_80 : vector<16xf32> to vector<1x16xf32>
        tpu.vector_store %arg9[%swap3A_81, %swap3A_82], %swap3A_85 {strides = array<i32>} : memref<128x32xf32, #tpu.memory_space<vmem>>, vector<1x16xf32>,
      }
      %scan3A_62 = arith.constant 128 : i32
      "tpu.region"() ({
        %run_scoped3A = tpu.sem_alloc : memref<!tpu.dma_semaphore, #tpu.memory_space<semaphore_mem>>
        %dma_start3A_63 = arith.constant 0 : i32
        %dma_start3A_64 = tpu.memref_slice %arg8[%scan3A_43, %dma_start3A_63] : memref<79x128xi32, #tpu.memory_space<vmem>> -> memref<1x128xi32, #tpu.memory_space<vmem>>
        %dma_start3A_65 = tpu.memref_squeeze %dma_start3A_64 : memref<1x128xi32, #tpu.memory_space<vmem>> -> memref<128xi32, #tpu.memory_space<vmem>>
        %dma_start3A_66 = arith.constant 0 : i32
        %dma_start3A_67 = arith.constant 0 : i32
        %dma_start3A_68 = tpu.memref_slice %arg12[%dma_start3A_66, %dma_start3A_67] : memref<10112x32xf32, #tpu.memory_space<vmem_shared>> -> memref<10112x32xf32, #tpu.memory_space<vmem_shared>>
        tpu.enqueue_indirect_dma source(%arg9 : memref<128x32xf32, #tpu.memory_space<vmem>>) target(%dma_start3A_68 : memref<10112x32xf32, #tpu.memory_space<vmem_shared>>) offsets(%dma_start3A_65 : memref<128xi32, #tpu.memory_space<vmem>>) semaphore(%run_scoped3A : memref<!tpu.dma_semaphore, #tpu.memory_space<semaphore_mem>>) {add = true}
        %dma_wait3A_69 = arith.constant 0 : i32
        %dma_wait3A_70 = tpu.memref_slice %arg8[%scan3A_43, %dma_wait3A_69] : memref<79x128xi32, #tpu.memory_space<vmem>> -> memref<1x128xi32, #tpu.memory_space<vmem>>
        %dma_wait3A_71 = tpu.memref_squeeze %dma_wait3A_70 : memref<1x128xi32, #tpu.memory_space<vmem>> -> memref<128xi32, #tpu.memory_space<vmem>>
        %dma_wait3A_72 = arith.constant 0 : i32
        %dma_wait3A_73 = arith.constant 0 : i32
        %dma_wait3A_74 = tpu.memref_slice %arg12[%dma_wait3A_72, %dma_wait3A_73] : memref<10112x32xf32, #tpu.memory_space<vmem_shared>> -> memref<10112x32xf32, #tpu.memory_space<vmem_shared>>
        tpu.wait_indirect_dma semaphore(%run_scoped3A : memref<!tpu.dma_semaphore, #tpu.memory_space<semaphore_mem>>) src(%arg9 : memref<128x32xf32, #tpu.memory_space<vmem>>) dst(%dma_wait3A_74 : memref<10112x32xf32, #tpu.memory_space<vmem_shared>>)
        tpu.yield
      }) : () -> ()
    }
    %scan3A_34 = arith.constant 79 : i32
    %barrier3A_35 = arith.constant 0 : index
    tpu.barrier barrier_id(%barrier3A_35)
    %mul3A_36 = arith.constant 632 : i32
    %mul3A_37 = arith.muli %arg1, %mul3A_36 : i32
    %mul3A_38 = arith.constant 10112 : i32
    %mul3A_39 = arith.muli %arg0, %mul3A_38 : i32
    %mul3A_40 = arith.constant 632 : i32
    %mul3A_41 = arith.muli %arg1, %mul3A_40 : i32
    %add3A_42 = arith.addi %mul3A_39, %mul3A_41 : i32
    "tpu.region"() ({
      %run_scoped3A = tpu.sem_alloc : memref<!tpu.dma_semaphore, #tpu.memory_space<semaphore_mem>>
      %dma_start3A = arith.constant 0 : i32
      %dma_start3A_43 = tpu.memref_slice %arg6[%add3A_42, %dma_start3A] : memref<20224x32xf32, #tpu.memory_space<hbm>> -> memref<632x32xf32, #tpu.memory_space<hbm>>
      %dma_start3A_44 = arith.constant 0 : i32
      %dma_start3A_45 = tpu.memref_slice %arg12[%mul3A_37, %dma_start3A_44] : memref<10112x32xf32, #tpu.memory_space<vmem_shared>> -> memref<632x32xf32, #tpu.memory_space<vmem_shared>>
      tpu.enqueue_dma source(%dma_start3A_45 : memref<632x32xf32, #tpu.memory_space<vmem_shared>>) target(%dma_start3A_43 : memref<632x32xf32, #tpu.memory_space<hbm>>) target_semaphore(%run_scoped3A : memref<!tpu.dma_semaphore, #tpu.memory_space<semaphore_mem>>)
      %dma_wait3A = arith.constant 0 : i32
      %dma_wait3A_46 = tpu.memref_slice %arg6[%add3A_42, %dma_wait3A] : memref<20224x32xf32, #tpu.memory_space<hbm>> -> memref<632x32xf32, #tpu.memory_space<hbm>>
      %dma_wait3A_47 = arith.constant 0 : i32
      %dma_wait3A_48 = tpu.memref_slice %arg12[%mul3A_37, %dma_wait3A_47] : memref<10112x32xf32, #tpu.memory_space<vmem_shared>> -> memref<632x32xf32, #tpu.memory_space<vmem_shared>>
      tpu.wait_dma2 semaphore(%run_scoped3A : memref<!tpu.dma_semaphore, #tpu.memory_space<semaphore_mem>>) src(%dma_wait3A_48 : memref<632x32xf32, #tpu.memory_space<vmem_shared>>) dst(%dma_wait3A_46 : memref<632x32xf32, #tpu.memory_space<hbm>>)
      tpu.yield
    }) : () -> ()
    return
  }
}

#map = affine_map<(d0, d1) -> (0, 0)>
#map1 = affine_map<(d0, d1) -> (0, 0, 0)>
module attributes {stable_mosaic.version = 14 : i64} {
  func.func @_conv_edges_body(%arg0: i32, %arg1: i32, %arg2: memref<10112x32xf32, #tpu.memory_space<hbm>>, %arg3: memref<32x79x128xi32, #tpu.memory_space<hbm>>, %arg4: memref<32x79x128xi32, #tpu.memory_space<hbm>>, %arg5: memref<323584x32xf32, #tpu.memory_space<hbm>>, %arg6: memref<20224x32xf32, #tpu.memory_space<hbm>>, %arg7: memref<79x128xi32, #tpu.memory_space<vmem>>, %arg8: memref<79x128xi32, #tpu.memory_space<vmem>>, %arg9: memref<128x32xf32, #tpu.memory_space<vmem>>, %arg10: memref<128x32xf32, #tpu.memory_space<vmem>>, %arg11: memref<128x32xf32, #tpu.memory_space<vmem>>, %arg12: memref<10112x32xf32, #tpu.memory_space<vmem_shared>>, %arg13: memref<!tpu.dma_semaphore, #tpu.memory_space<semaphore_mem>>) attributes {dimension_semantics = [#tpu.dimension_semantics<core_parallel>, #tpu.dimension_semantics<subcore_parallel>], iteration_bounds = array<i64: 2, 16>, scalar_prefetch = 0 : i64, scratch_operands = 7 : i64, tpu.core_type = #tpu.core_type<sc_vector_subcore>, window_params = [{transform_indices = #map}, {transform_indices = #map1}, {transform_indices = #map1}, {transform_indices = #map}, {transform_indices = #map}]} {
    %mul3A = arith.constant 2 : i32
    %mul3A_0 = arith.muli %arg1, %mul3A : i32
    %add3A = arith.addi %mul3A_0, %arg0 : i32
    %broadcast_in_dim3A = arith.constant 0.000000e+00 : f32
    %broadcast_in_dim3A_1 = vector.broadcast %broadcast_in_dim3A : f32 to vector<16xf32>
    %scan3A = arith.constant 0 : i32
    %scan3A_2 = arith.constant 0 : i32
    %scan3A_3 = arith.constant 128 : i32
    %scan3A_4 = arith.addi %scan3A_2, %scan3A_3 : i32
    %scan3A_5 = arith.constant 1 : i32
    scf.for %scan3A_43 = %scan3A_2 to %scan3A_4 step %scan3A_5  : i32 {
      %swap3A = arith.index_cast %scan3A_43 : i32 to index
      %swap3A_44 = arith.constant 0 : index
      %swap3A_45 = tpu.vector_load %arg11[%swap3A, %swap3A_44] {strides = array<i32>} : memref<128x32xf32, #tpu.memory_space<vmem>>, vector<1x16xf32>,
      %swap3A_46 = vector.shape_cast %swap3A_45 : vector<1x16xf32> to vector<16xf32>
      %swap3A_47 = vector.shape_cast %broadcast_in_dim3A_1 : vector<16xf32> to vector<1x16xf32>
      tpu.vector_store %arg11[%swap3A, %swap3A_44], %swap3A_47 {strides = array<i32>} : memref<128x32xf32, #tpu.memory_space<vmem>>, vector<1x16xf32>,
      %swap3A_48 = arith.index_cast %scan3A_43 : i32 to index
      %swap3A_49 = arith.constant 16 : index
      %swap3A_50 = tpu.vector_load %arg11[%swap3A_48, %swap3A_49] {strides = array<i32>} : memref<128x32xf32, #tpu.memory_space<vmem>>, vector<1x16xf32>,
      %swap3A_51 = vector.shape_cast %swap3A_50 : vector<1x16xf32> to vector<16xf32>
      %swap3A_52 = vector.shape_cast %broadcast_in_dim3A_1 : vector<16xf32> to vector<1x16xf32>
      tpu.vector_store %arg11[%swap3A_48, %swap3A_49], %swap3A_52 {strides = array<i32>} : memref<128x32xf32, #tpu.memory_space<vmem>>, vector<1x16xf32>,
    }
    %scan3A_6 = arith.constant 128 : i32
    %mul3A_7 = arith.constant 632 : i32
    %mul3A_8 = arith.muli %arg1, %mul3A_7 : i32
    %add3A_9 = arith.constant 0 : i32
    %add3A_10 = arith.addi %mul3A_8, %add3A_9 : i32
    "tpu.region"() ({
      %run_scoped3A = tpu.sem_alloc : memref<!tpu.dma_semaphore, #tpu.memory_space<semaphore_mem>>
      %dma_start3A = arith.constant 0 : i32
      %dma_start3A_43 = arith.constant 0 : i32
      %dma_start3A_44 = tpu.memref_slice %arg11[%dma_start3A, %dma_start3A_43] : memref<128x32xf32, #tpu.memory_space<vmem>> -> memref<128x32xf32, #tpu.memory_space<vmem>>
      %dma_start3A_45 = arith.constant 0 : i32
      %dma_start3A_46 = tpu.memref_slice %arg12[%add3A_10, %dma_start3A_45] : memref<10112x32xf32, #tpu.memory_space<vmem_shared>> -> memref<128x32xf32, #tpu.memory_space<vmem_shared>>
      %dma_start3A_47 = arith.constant 0 : i32
      %dma_start3A_48 = tpu.memref_slice %arg12[%add3A_10, %dma_start3A_47] : memref<10112x32xf32, #tpu.memory_space<vmem_shared>> -> memref<128x32xf32, #tpu.memory_space<vmem_shared>>
      %dma_start3A_49 = arith.constant 0 : i32
      %dma_start3A_50 = arith.constant 0 : i32
      %dma_start3A_51 = tpu.memref_slice %arg11[%dma_start3A_49, %dma_start3A_50] : memref<128x32xf32, #tpu.memory_space<vmem>> -> memref<128x32xf32, #tpu.memory_space<vmem>>
      tpu.enqueue_dma source(%dma_start3A_51 : memref<128x32xf32, #tpu.memory_space<vmem>>) target(%dma_start3A_48 : memref<128x32xf32, #tpu.memory_space<vmem_shared>>) target_semaphore(%run_scoped3A : memref<!tpu.dma_semaphore, #tpu.memory_space<semaphore_mem>>)
      %dma_wait3A = arith.constant 0 : i32
      %dma_wait3A_52 = arith.constant 0 : i32
      %dma_wait3A_53 = tpu.memref_slice %arg11[%dma_wait3A, %dma_wait3A_52] : memref<128x32xf32, #tpu.memory_space<vmem>> -> memref<128x32xf32, #tpu.memory_space<vmem>>
      %dma_wait3A_54 = arith.constant 0 : i32
      %dma_wait3A_55 = tpu.memref_slice %arg12[%add3A_10, %dma_wait3A_54] : memref<10112x32xf32, #tpu.memory_space<vmem_shared>> -> memref<128x32xf32, #tpu.memory_space<vmem_shared>>
      %dma_wait3A_56 = arith.constant 0 : i32
      %dma_wait3A_57 = tpu.memref_slice %arg12[%add3A_10, %dma_wait3A_56] : memref<10112x32xf32, #tpu.memory_space<vmem_shared>> -> memref<128x32xf32, #tpu.memory_space<vmem_shared>>
      %dma_wait3A_58 = arith.constant 0 : i32
      %dma_wait3A_59 = arith.constant 0 : i32
      %dma_wait3A_60 = tpu.memref_slice %arg11[%dma_wait3A_58, %dma_wait3A_59] : memref<128x32xf32, #tpu.memory_space<vmem>> -> memref<128x32xf32, #tpu.memory_space<vmem>>
      tpu.wait_dma2 semaphore(%run_scoped3A : memref<!tpu.dma_semaphore, #tpu.memory_space<semaphore_mem>>) src(%dma_wait3A_60 : memref<128x32xf32, #tpu.memory_space<vmem>>) dst(%dma_wait3A_57 : memref<128x32xf32, #tpu.memory_space<vmem_shared>>)
      tpu.yield
    }) : () -> ()
    %mul3A_11 = arith.constant 632 : i32
    %mul3A_12 = arith.muli %arg1, %mul3A_11 : i32
    %add3A_13 = arith.constant 128 : i32
    %add3A_14 = arith.addi %mul3A_12, %add3A_13 : i32
    "tpu.region"() ({
      %run_scoped3A = tpu.sem_alloc : memref<!tpu.dma_semaphore, #tpu.memory_space<semaphore_mem>>
      %dma_start3A = arith.constant 0 : i32
      %dma_start3A_43 = arith.constant 0 : i32
      %dma_start3A_44 = tpu.memref_slice %arg11[%dma_start3A, %dma_start3A_43] : memref<128x32xf32, #tpu.memory_space<vmem>> -> memref<128x32xf32, #tpu.memory_space<vmem>>
      %dma_start3A_45 = arith.constant 0 : i32
      %dma_start3A_46 = tpu.memref_slice %arg12[%add3A_14, %dma_start3A_45] : memref<10112x32xf32, #tpu.memory_space<vmem_shared>> -> memref<128x32xf32, #tpu.memory_space<vmem_shared>>
      %dma_start3A_47 = arith.constant 0 : i32
      %dma_start3A_48 = tpu.memref_slice %arg12[%add3A_14, %dma_start3A_47] : memref<10112x32xf32, #tpu.memory_space<vmem_shared>> -> memref<128x32xf32, #tpu.memory_space<vmem_shared>>
      %dma_start3A_49 = arith.constant 0 : i32
      %dma_start3A_50 = arith.constant 0 : i32
      %dma_start3A_51 = tpu.memref_slice %arg11[%dma_start3A_49, %dma_start3A_50] : memref<128x32xf32, #tpu.memory_space<vmem>> -> memref<128x32xf32, #tpu.memory_space<vmem>>
      tpu.enqueue_dma source(%dma_start3A_51 : memref<128x32xf32, #tpu.memory_space<vmem>>) target(%dma_start3A_48 : memref<128x32xf32, #tpu.memory_space<vmem_shared>>) target_semaphore(%run_scoped3A : memref<!tpu.dma_semaphore, #tpu.memory_space<semaphore_mem>>)
      %dma_wait3A = arith.constant 0 : i32
      %dma_wait3A_52 = arith.constant 0 : i32
      %dma_wait3A_53 = tpu.memref_slice %arg11[%dma_wait3A, %dma_wait3A_52] : memref<128x32xf32, #tpu.memory_space<vmem>> -> memref<128x32xf32, #tpu.memory_space<vmem>>
      %dma_wait3A_54 = arith.constant 0 : i32
      %dma_wait3A_55 = tpu.memref_slice %arg12[%add3A_14, %dma_wait3A_54] : memref<10112x32xf32, #tpu.memory_space<vmem_shared>> -> memref<128x32xf32, #tpu.memory_space<vmem_shared>>
      %dma_wait3A_56 = arith.constant 0 : i32
      %dma_wait3A_57 = tpu.memref_slice %arg12[%add3A_14, %dma_wait3A_56] : memref<10112x32xf32, #tpu.memory_space<vmem_shared>> -> memref<128x32xf32, #tpu.memory_space<vmem_shared>>
      %dma_wait3A_58 = arith.constant 0 : i32
      %dma_wait3A_59 = arith.constant 0 : i32
      %dma_wait3A_60 = tpu.memref_slice %arg11[%dma_wait3A_58, %dma_wait3A_59] : memref<128x32xf32, #tpu.memory_space<vmem>> -> memref<128x32xf32, #tpu.memory_space<vmem>>
      tpu.wait_dma2 semaphore(%run_scoped3A : memref<!tpu.dma_semaphore, #tpu.memory_space<semaphore_mem>>) src(%dma_wait3A_60 : memref<128x32xf32, #tpu.memory_space<vmem>>) dst(%dma_wait3A_57 : memref<128x32xf32, #tpu.memory_space<vmem_shared>>)
      tpu.yield
    }) : () -> ()
    %mul3A_15 = arith.constant 632 : i32
    %mul3A_16 = arith.muli %arg1, %mul3A_15 : i32
    %add3A_17 = arith.constant 256 : i32
    %add3A_18 = arith.addi %mul3A_16, %add3A_17 : i32
    "tpu.region"() ({
      %run_scoped3A = tpu.sem_alloc : memref<!tpu.dma_semaphore, #tpu.memory_space<semaphore_mem>>
      %dma_start3A = arith.constant 0 : i32
      %dma_start3A_43 = arith.constant 0 : i32
      %dma_start3A_44 = tpu.memref_slice %arg11[%dma_start3A, %dma_start3A_43] : memref<128x32xf32, #tpu.memory_space<vmem>> -> memref<128x32xf32, #tpu.memory_space<vmem>>
      %dma_start3A_45 = arith.constant 0 : i32
      %dma_start3A_46 = tpu.memref_slice %arg12[%add3A_18, %dma_start3A_45] : memref<10112x32xf32, #tpu.memory_space<vmem_shared>> -> memref<128x32xf32, #tpu.memory_space<vmem_shared>>
      %dma_start3A_47 = arith.constant 0 : i32
      %dma_start3A_48 = tpu.memref_slice %arg12[%add3A_18, %dma_start3A_47] : memref<10112x32xf32, #tpu.memory_space<vmem_shared>> -> memref<128x32xf32, #tpu.memory_space<vmem_shared>>
      %dma_start3A_49 = arith.constant 0 : i32
      %dma_start3A_50 = arith.constant 0 : i32
      %dma_start3A_51 = tpu.memref_slice %arg11[%dma_start3A_49, %dma_start3A_50] : memref<128x32xf32, #tpu.memory_space<vmem>> -> memref<128x32xf32, #tpu.memory_space<vmem>>
      tpu.enqueue_dma source(%dma_start3A_51 : memref<128x32xf32, #tpu.memory_space<vmem>>) target(%dma_start3A_48 : memref<128x32xf32, #tpu.memory_space<vmem_shared>>) target_semaphore(%run_scoped3A : memref<!tpu.dma_semaphore, #tpu.memory_space<semaphore_mem>>)
      %dma_wait3A = arith.constant 0 : i32
      %dma_wait3A_52 = arith.constant 0 : i32
      %dma_wait3A_53 = tpu.memref_slice %arg11[%dma_wait3A, %dma_wait3A_52] : memref<128x32xf32, #tpu.memory_space<vmem>> -> memref<128x32xf32, #tpu.memory_space<vmem>>
      %dma_wait3A_54 = arith.constant 0 : i32
      %dma_wait3A_55 = tpu.memref_slice %arg12[%add3A_18, %dma_wait3A_54] : memref<10112x32xf32, #tpu.memory_space<vmem_shared>> -> memref<128x32xf32, #tpu.memory_space<vmem_shared>>
      %dma_wait3A_56 = arith.constant 0 : i32
      %dma_wait3A_57 = tpu.memref_slice %arg12[%add3A_18, %dma_wait3A_56] : memref<10112x32xf32, #tpu.memory_space<vmem_shared>> -> memref<128x32xf32, #tpu.memory_space<vmem_shared>>
      %dma_wait3A_58 = arith.constant 0 : i32
      %dma_wait3A_59 = arith.constant 0 : i32
      %dma_wait3A_60 = tpu.memref_slice %arg11[%dma_wait3A_58, %dma_wait3A_59] : memref<128x32xf32, #tpu.memory_space<vmem>> -> memref<128x32xf32, #tpu.memory_space<vmem>>
      tpu.wait_dma2 semaphore(%run_scoped3A : memref<!tpu.dma_semaphore, #tpu.memory_space<semaphore_mem>>) src(%dma_wait3A_60 : memref<128x32xf32, #tpu.memory_space<vmem>>) dst(%dma_wait3A_57 : memref<128x32xf32, #tpu.memory_space<vmem_shared>>)
      tpu.yield
    }) : () -> ()
    %mul3A_19 = arith.constant 632 : i32
    %mul3A_20 = arith.muli %arg1, %mul3A_19 : i32
    %add3A_21 = arith.constant 384 : i32
    %add3A_22 = arith.addi %mul3A_20, %add3A_21 : i32
    "tpu.region"() ({
      %run_scoped3A = tpu.sem_alloc : memref<!tpu.dma_semaphore, #tpu.memory_space<semaphore_mem>>
      %dma_start3A = arith.constant 0 : i32
      %dma_start3A_43 = arith.constant 0 : i32
      %dma_start3A_44 = tpu.memref_slice %arg11[%dma_start3A, %dma_start3A_43] : memref<128x32xf32, #tpu.memory_space<vmem>> -> memref<128x32xf32, #tpu.memory_space<vmem>>
      %dma_start3A_45 = arith.constant 0 : i32
      %dma_start3A_46 = tpu.memref_slice %arg12[%add3A_22, %dma_start3A_45] : memref<10112x32xf32, #tpu.memory_space<vmem_shared>> -> memref<128x32xf32, #tpu.memory_space<vmem_shared>>
      %dma_start3A_47 = arith.constant 0 : i32
      %dma_start3A_48 = tpu.memref_slice %arg12[%add3A_22, %dma_start3A_47] : memref<10112x32xf32, #tpu.memory_space<vmem_shared>> -> memref<128x32xf32, #tpu.memory_space<vmem_shared>>
      %dma_start3A_49 = arith.constant 0 : i32
      %dma_start3A_50 = arith.constant 0 : i32
      %dma_start3A_51 = tpu.memref_slice %arg11[%dma_start3A_49, %dma_start3A_50] : memref<128x32xf32, #tpu.memory_space<vmem>> -> memref<128x32xf32, #tpu.memory_space<vmem>>
      tpu.enqueue_dma source(%dma_start3A_51 : memref<128x32xf32, #tpu.memory_space<vmem>>) target(%dma_start3A_48 : memref<128x32xf32, #tpu.memory_space<vmem_shared>>) target_semaphore(%run_scoped3A : memref<!tpu.dma_semaphore, #tpu.memory_space<semaphore_mem>>)
      %dma_wait3A = arith.constant 0 : i32
      %dma_wait3A_52 = arith.constant 0 : i32
      %dma_wait3A_53 = tpu.memref_slice %arg11[%dma_wait3A, %dma_wait3A_52] : memref<128x32xf32, #tpu.memory_space<vmem>> -> memref<128x32xf32, #tpu.memory_space<vmem>>
      %dma_wait3A_54 = arith.constant 0 : i32
      %dma_wait3A_55 = tpu.memref_slice %arg12[%add3A_22, %dma_wait3A_54] : memref<10112x32xf32, #tpu.memory_space<vmem_shared>> -> memref<128x32xf32, #tpu.memory_space<vmem_shared>>
      %dma_wait3A_56 = arith.constant 0 : i32
      %dma_wait3A_57 = tpu.memref_slice %arg12[%add3A_22, %dma_wait3A_56] : memref<10112x32xf32, #tpu.memory_space<vmem_shared>> -> memref<128x32xf32, #tpu.memory_space<vmem_shared>>
      %dma_wait3A_58 = arith.constant 0 : i32
      %dma_wait3A_59 = arith.constant 0 : i32
      %dma_wait3A_60 = tpu.memref_slice %arg11[%dma_wait3A_58, %dma_wait3A_59] : memref<128x32xf32, #tpu.memory_space<vmem>> -> memref<128x32xf32, #tpu.memory_space<vmem>>
      tpu.wait_dma2 semaphore(%run_scoped3A : memref<!tpu.dma_semaphore, #tpu.memory_space<semaphore_mem>>) src(%dma_wait3A_60 : memref<128x32xf32, #tpu.memory_space<vmem>>) dst(%dma_wait3A_57 : memref<128x32xf32, #tpu.memory_space<vmem_shared>>)
      tpu.yield
    }) : () -> ()
    %mul3A_23 = arith.constant 632 : i32
    %mul3A_24 = arith.muli %arg1, %mul3A_23 : i32
    %add3A_25 = arith.constant 512 : i32
    %add3A_26 = arith.addi %mul3A_24, %add3A_25 : i32
    "tpu.region"() ({
      %run_scoped3A = tpu.sem_alloc : memref<!tpu.dma_semaphore, #tpu.memory_space<semaphore_mem>>
      %dma_start3A = arith.constant 0 : i32
      %dma_start3A_43 = arith.constant 0 : i32
      %dma_start3A_44 = tpu.memref_slice %arg11[%dma_start3A, %dma_start3A_43] : memref<128x32xf32, #tpu.memory_space<vmem>> -> memref<120x32xf32, #tpu.memory_space<vmem>>
      %dma_start3A_45 = arith.constant 0 : i32
      %dma_start3A_46 = tpu.memref_slice %arg12[%add3A_26, %dma_start3A_45] : memref<10112x32xf32, #tpu.memory_space<vmem_shared>> -> memref<120x32xf32, #tpu.memory_space<vmem_shared>>
      %dma_start3A_47 = arith.constant 0 : i32
      %dma_start3A_48 = tpu.memref_slice %arg12[%add3A_26, %dma_start3A_47] : memref<10112x32xf32, #tpu.memory_space<vmem_shared>> -> memref<120x32xf32, #tpu.memory_space<vmem_shared>>
      %dma_start3A_49 = arith.constant 0 : i32
      %dma_start3A_50 = arith.constant 0 : i32
      %dma_start3A_51 = tpu.memref_slice %arg11[%dma_start3A_49, %dma_start3A_50] : memref<128x32xf32, #tpu.memory_space<vmem>> -> memref<120x32xf32, #tpu.memory_space<vmem>>
      tpu.enqueue_dma source(%dma_start3A_51 : memref<120x32xf32, #tpu.memory_space<vmem>>) target(%dma_start3A_48 : memref<120x32xf32, #tpu.memory_space<vmem_shared>>) target_semaphore(%run_scoped3A : memref<!tpu.dma_semaphore, #tpu.memory_space<semaphore_mem>>)
      %dma_wait3A = arith.constant 0 : i32
      %dma_wait3A_52 = arith.constant 0 : i32
      %dma_wait3A_53 = tpu.memref_slice %arg11[%dma_wait3A, %dma_wait3A_52] : memref<128x32xf32, #tpu.memory_space<vmem>> -> memref<120x32xf32, #tpu.memory_space<vmem>>
      %dma_wait3A_54 = arith.constant 0 : i32
      %dma_wait3A_55 = tpu.memref_slice %arg12[%add3A_26, %dma_wait3A_54] : memref<10112x32xf32, #tpu.memory_space<vmem_shared>> -> memref<120x32xf32, #tpu.memory_space<vmem_shared>>
      %dma_wait3A_56 = arith.constant 0 : i32
      %dma_wait3A_57 = tpu.memref_slice %arg12[%add3A_26, %dma_wait3A_56] : memref<10112x32xf32, #tpu.memory_space<vmem_shared>> -> memref<120x32xf32, #tpu.memory_space<vmem_shared>>
      %dma_wait3A_58 = arith.constant 0 : i32
      %dma_wait3A_59 = arith.constant 0 : i32
      %dma_wait3A_60 = tpu.memref_slice %arg11[%dma_wait3A_58, %dma_wait3A_59] : memref<128x32xf32, #tpu.memory_space<vmem>> -> memref<120x32xf32, #tpu.memory_space<vmem>>
      tpu.wait_dma2 semaphore(%run_scoped3A : memref<!tpu.dma_semaphore, #tpu.memory_space<semaphore_mem>>) src(%dma_wait3A_60 : memref<120x32xf32, #tpu.memory_space<vmem>>) dst(%dma_wait3A_57 : memref<120x32xf32, #tpu.memory_space<vmem_shared>>)
      tpu.yield
    }) : () -> ()
    "tpu.region"() ({
      %run_scoped3A = tpu.sem_alloc : memref<!tpu.dma_semaphore, #tpu.memory_space<semaphore_mem>>
      %dma_start3A = arith.constant 0 : i32
      %dma_start3A_43 = arith.constant 0 : i32
      %dma_start3A_44 = tpu.memref_slice %arg3[%add3A, %dma_start3A, %dma_start3A_43] : memref<32x79x128xi32, #tpu.memory_space<hbm>> -> memref<1x79x128xi32, #tpu.memory_space<hbm>>
      %dma_start3A_45 = tpu.memref_squeeze %dma_start3A_44 : memref<1x79x128xi32, #tpu.memory_space<hbm>> -> memref<79x128xi32, #tpu.memory_space<hbm>>
      %dma_start3A_46 = arith.constant 0 : i32
      %dma_start3A_47 = arith.constant 0 : i32
      %dma_start3A_48 = tpu.memref_slice %arg3[%add3A, %dma_start3A_46, %dma_start3A_47] : memref<32x79x128xi32, #tpu.memory_space<hbm>> -> memref<1x79x128xi32, #tpu.memory_space<hbm>>
      %dma_start3A_49 = tpu.memref_squeeze %dma_start3A_48 : memref<1x79x128xi32, #tpu.memory_space<hbm>> -> memref<79x128xi32, #tpu.memory_space<hbm>>
      tpu.enqueue_dma source(%dma_start3A_49 : memref<79x128xi32, #tpu.memory_space<hbm>>) target(%arg7 : memref<79x128xi32, #tpu.memory_space<vmem>>) target_semaphore(%run_scoped3A : memref<!tpu.dma_semaphore, #tpu.memory_space<semaphore_mem>>)
      %dma_wait3A = arith.constant 0 : i32
      %dma_wait3A_50 = arith.constant 0 : i32
      %dma_wait3A_51 = tpu.memref_slice %arg3[%add3A, %dma_wait3A, %dma_wait3A_50] : memref<32x79x128xi32, #tpu.memory_space<hbm>> -> memref<1x79x128xi32, #tpu.memory_space<hbm>>
      %dma_wait3A_52 = tpu.memref_squeeze %dma_wait3A_51 : memref<1x79x128xi32, #tpu.memory_space<hbm>> -> memref<79x128xi32, #tpu.memory_space<hbm>>
      %dma_wait3A_53 = arith.constant 0 : i32
      %dma_wait3A_54 = arith.constant 0 : i32
      %dma_wait3A_55 = tpu.memref_slice %arg3[%add3A, %dma_wait3A_53, %dma_wait3A_54] : memref<32x79x128xi32, #tpu.memory_space<hbm>> -> memref<1x79x128xi32, #tpu.memory_space<hbm>>
      %dma_wait3A_56 = tpu.memref_squeeze %dma_wait3A_55 : memref<1x79x128xi32, #tpu.memory_space<hbm>> -> memref<79x128xi32, #tpu.memory_space<hbm>>
      tpu.wait_dma2 semaphore(%run_scoped3A : memref<!tpu.dma_semaphore, #tpu.memory_space<semaphore_mem>>) src(%dma_wait3A_56 : memref<79x128xi32, #tpu.memory_space<hbm>>) dst(%arg7 : memref<79x128xi32, #tpu.memory_space<vmem>>)
      tpu.yield
    }) : () -> ()
    "tpu.region"() ({
      %run_scoped3A = tpu.sem_alloc : memref<!tpu.dma_semaphore, #tpu.memory_space<semaphore_mem>>
      %dma_start3A = arith.constant 0 : i32
      %dma_start3A_43 = arith.constant 0 : i32
      %dma_start3A_44 = tpu.memref_slice %arg4[%add3A, %dma_start3A, %dma_start3A_43] : memref<32x79x128xi32, #tpu.memory_space<hbm>> -> memref<1x79x128xi32, #tpu.memory_space<hbm>>
      %dma_start3A_45 = tpu.memref_squeeze %dma_start3A_44 : memref<1x79x128xi32, #tpu.memory_space<hbm>> -> memref<79x128xi32, #tpu.memory_space<hbm>>
      %dma_start3A_46 = arith.constant 0 : i32
      %dma_start3A_47 = arith.constant 0 : i32
      %dma_start3A_48 = tpu.memref_slice %arg4[%add3A, %dma_start3A_46, %dma_start3A_47] : memref<32x79x128xi32, #tpu.memory_space<hbm>> -> memref<1x79x128xi32, #tpu.memory_space<hbm>>
      %dma_start3A_49 = tpu.memref_squeeze %dma_start3A_48 : memref<1x79x128xi32, #tpu.memory_space<hbm>> -> memref<79x128xi32, #tpu.memory_space<hbm>>
      tpu.enqueue_dma source(%dma_start3A_49 : memref<79x128xi32, #tpu.memory_space<hbm>>) target(%arg8 : memref<79x128xi32, #tpu.memory_space<vmem>>) target_semaphore(%run_scoped3A : memref<!tpu.dma_semaphore, #tpu.memory_space<semaphore_mem>>)
      %dma_wait3A = arith.constant 0 : i32
      %dma_wait3A_50 = arith.constant 0 : i32
      %dma_wait3A_51 = tpu.memref_slice %arg4[%add3A, %dma_wait3A, %dma_wait3A_50] : memref<32x79x128xi32, #tpu.memory_space<hbm>> -> memref<1x79x128xi32, #tpu.memory_space<hbm>>
      %dma_wait3A_52 = tpu.memref_squeeze %dma_wait3A_51 : memref<1x79x128xi32, #tpu.memory_space<hbm>> -> memref<79x128xi32, #tpu.memory_space<hbm>>
      %dma_wait3A_53 = arith.constant 0 : i32
      %dma_wait3A_54 = arith.constant 0 : i32
      %dma_wait3A_55 = tpu.memref_slice %arg4[%add3A, %dma_wait3A_53, %dma_wait3A_54] : memref<32x79x128xi32, #tpu.memory_space<hbm>> -> memref<1x79x128xi32, #tpu.memory_space<hbm>>
      %dma_wait3A_56 = tpu.memref_squeeze %dma_wait3A_55 : memref<1x79x128xi32, #tpu.memory_space<hbm>> -> memref<79x128xi32, #tpu.memory_space<hbm>>
      tpu.wait_dma2 semaphore(%run_scoped3A : memref<!tpu.dma_semaphore, #tpu.memory_space<semaphore_mem>>) src(%dma_wait3A_56 : memref<79x128xi32, #tpu.memory_space<hbm>>) dst(%arg8 : memref<79x128xi32, #tpu.memory_space<vmem>>)
      tpu.yield
    }) : () -> ()
    %barrier3A = arith.constant 0 : index
    tpu.barrier barrier_id(%barrier3A)
    %mul3A_27 = arith.constant 10112 : i32
    %mul3A_28 = arith.muli %add3A, %mul3A_27 : i32
    %scan3A_29 = arith.constant 0 : i32
    %scan3A_30 = arith.constant 0 : i32
    %scan3A_31 = arith.constant 79 : i32
    %scan3A_32 = arith.addi %scan3A_30, %scan3A_31 : i32
    %scan3A_33 = arith.constant 1 : i32
    scf.for %scan3A_43 = %scan3A_30 to %scan3A_32 step %scan3A_33  : i32 {
      %dma_start3A = arith.constant 0 : i32
      %dma_start3A_44 = tpu.memref_slice %arg7[%scan3A_43, %dma_start3A] : memref<79x128xi32, #tpu.memory_space<vmem>> -> memref<1x128xi32, #tpu.memory_space<vmem>>
      %dma_start3A_45 = tpu.memref_squeeze %dma_start3A_44 : memref<1x128xi32, #tpu.memory_space<vmem>> -> memref<128xi32, #tpu.memory_space<vmem>>
      %dma_start3A_46 = arith.constant 0 : i32
      %dma_start3A_47 = arith.constant 0 : i32
      %dma_start3A_48 = tpu.memref_slice %arg2[%dma_start3A_46, %dma_start3A_47] : memref<10112x32xf32, #tpu.memory_space<hbm>> -> memref<10112x32xf32, #tpu.memory_space<hbm>>
      tpu.enqueue_indirect_dma source(%dma_start3A_48 : memref<10112x32xf32, #tpu.memory_space<hbm>>) target(%arg9 : memref<128x32xf32, #tpu.memory_space<vmem>>) offsets(%dma_start3A_45 : memref<128xi32, #tpu.memory_space<vmem>>) semaphore(%arg13 : memref<!tpu.dma_semaphore, #tpu.memory_space<semaphore_mem>>)
      %dma_wait3A = arith.constant 0 : i32
      %dma_wait3A_49 = tpu.memref_slice %arg7[%scan3A_43, %dma_wait3A] : memref<79x128xi32, #tpu.memory_space<vmem>> -> memref<1x128xi32, #tpu.memory_space<vmem>>
      %dma_wait3A_50 = tpu.memref_squeeze %dma_wait3A_49 : memref<1x128xi32, #tpu.memory_space<vmem>> -> memref<128xi32, #tpu.memory_space<vmem>>
      %dma_wait3A_51 = arith.constant 0 : i32
      %dma_wait3A_52 = arith.constant 0 : i32
      %dma_wait3A_53 = tpu.memref_slice %arg2[%dma_wait3A_51, %dma_wait3A_52] : memref<10112x32xf32, #tpu.memory_space<hbm>> -> memref<10112x32xf32, #tpu.memory_space<hbm>>
      tpu.wait_indirect_dma semaphore(%arg13 : memref<!tpu.dma_semaphore, #tpu.memory_space<semaphore_mem>>) src(%dma_wait3A_53 : memref<10112x32xf32, #tpu.memory_space<hbm>>) dst(%arg9 : memref<128x32xf32, #tpu.memory_space<vmem>>)
      %mul3A_54 = arith.constant 128 : i32
      %mul3A_55 = arith.muli %scan3A_43, %mul3A_54 : i32
      %add3A_56 = arith.addi %mul3A_28, %mul3A_55 : i32
      "tpu.region"() ({
        %run_scoped3A = tpu.sem_alloc : memref<!tpu.dma_semaphore, #tpu.memory_space<semaphore_mem>>
        %dma_start3A_63 = arith.constant 0 : i32
        %dma_start3A_64 = tpu.memref_slice %arg5[%add3A_56, %dma_start3A_63] : memref<323584x32xf32, #tpu.memory_space<hbm>> -> memref<128x32xf32, #tpu.memory_space<hbm>>
        %dma_start3A_65 = arith.constant 0 : i32
        %dma_start3A_66 = tpu.memref_slice %arg5[%add3A_56, %dma_start3A_65] : memref<323584x32xf32, #tpu.memory_space<hbm>> -> memref<128x32xf32, #tpu.memory_space<hbm>>
        tpu.enqueue_dma source(%dma_start3A_66 : memref<128x32xf32, #tpu.memory_space<hbm>>) target(%arg10 : memref<128x32xf32, #tpu.memory_space<vmem>>) target_semaphore(%run_scoped3A : memref<!tpu.dma_semaphore, #tpu.memory_space<semaphore_mem>>)
        %dma_wait3A_67 = arith.constant 0 : i32
        %dma_wait3A_68 = tpu.memref_slice %arg5[%add3A_56, %dma_wait3A_67] : memref<323584x32xf32, #tpu.memory_space<hbm>> -> memref<128x32xf32, #tpu.memory_space<hbm>>
        %dma_wait3A_69 = arith.constant 0 : i32
        %dma_wait3A_70 = tpu.memref_slice %arg5[%add3A_56, %dma_wait3A_69] : memref<323584x32xf32, #tpu.memory_space<hbm>> -> memref<128x32xf32, #tpu.memory_space<hbm>>
        tpu.wait_dma2 semaphore(%run_scoped3A : memref<!tpu.dma_semaphore, #tpu.memory_space<semaphore_mem>>) src(%dma_wait3A_70 : memref<128x32xf32, #tpu.memory_space<hbm>>) dst(%arg10 : memref<128x32xf32, #tpu.memory_space<vmem>>)
        tpu.yield
      }) : () -> ()
      %scan3A_57 = arith.constant 0 : i32
      %scan3A_58 = arith.constant 0 : i32
      %scan3A_59 = arith.constant 128 : i32
      %scan3A_60 = arith.addi %scan3A_58, %scan3A_59 : i32
      %scan3A_61 = arith.constant 1 : i32
      scf.for %scan3A_63 = %scan3A_58 to %scan3A_60 step %scan3A_61  : i32 {
        %get3A = arith.index_cast %scan3A_63 : i32 to index
        %get3A_64 = arith.constant 0 : index
        %get3A_65 = tpu.vector_load %arg10[%get3A, %get3A_64] {strides = array<i32>} : memref<128x32xf32, #tpu.memory_space<vmem>>, vector<1x16xf32>,
        %get3A_66 = vector.shape_cast %get3A_65 : vector<1x16xf32> to vector<16xf32>
        %get3A_67 = arith.index_cast %scan3A_63 : i32 to index
        %get3A_68 = arith.constant 0 : index
        %get3A_69 = tpu.vector_load %arg9[%get3A_67, %get3A_68] {strides = array<i32>} : memref<128x32xf32, #tpu.memory_space<vmem>>, vector<1x16xf32>,
        %get3A_70 = vector.shape_cast %get3A_69 : vector<1x16xf32> to vector<16xf32>
        %mul3A_71 = arith.mulf %get3A_70, %get3A_66 : vector<16xf32>
        %swap3A = arith.index_cast %scan3A_63 : i32 to index
        %swap3A_72 = arith.constant 0 : index
        %swap3A_73 = tpu.vector_load %arg9[%swap3A, %swap3A_72] {strides = array<i32>} : memref<128x32xf32, #tpu.memory_space<vmem>>, vector<1x16xf32>,
        %swap3A_74 = vector.shape_cast %swap3A_73 : vector<1x16xf32> to vector<16xf32>
        %swap3A_75 = vector.shape_cast %mul3A_71 : vector<16xf32> to vector<1x16xf32>
        tpu.vector_store %arg9[%swap3A, %swap3A_72], %swap3A_75 {strides = array<i32>} : memref<128x32xf32, #tpu.memory_space<vmem>>, vector<1x16xf32>,
        %get3A_76 = arith.index_cast %scan3A_63 : i32 to index
        %get3A_77 = arith.constant 16 : index
        %get3A_78 = tpu.vector_load %arg9[%get3A_76, %get3A_77] {strides = array<i32>} : memref<128x32xf32, #tpu.memory_space<vmem>>, vector<1x16xf32>,
        %get3A_79 = vector.shape_cast %get3A_78 : vector<1x16xf32> to vector<16xf32>
        %mul3A_80 = arith.mulf %get3A_79, %get3A_66 : vector<16xf32>
        %swap3A_81 = arith.index_cast %scan3A_63 : i32 to index
        %swap3A_82 = arith.constant 16 : index
        %swap3A_83 = tpu.vector_load %arg9[%swap3A_81, %swap3A_82] {strides = array<i32>} : memref<128x32xf32, #tpu.memory_space<vmem>>, vector<1x16xf32>,
        %swap3A_84 = vector.shape_cast %swap3A_83 : vector<1x16xf32> to vector<16xf32>
        %swap3A_85 = vector.shape_cast %mul3A_80 : vector<16xf32> to vector<1x16xf32>
        tpu.vector_store %arg9[%swap3A_81, %swap3A_82], %swap3A_85 {strides = array<i32>} : memref<128x32xf32, #tpu.memory_space<vmem>>, vector<1x16xf32>,
      }
      %scan3A_62 = arith.constant 128 : i32
      "tpu.region"() ({
        %run_scoped3A = tpu.sem_alloc : memref<!tpu.dma_semaphore, #tpu.memory_space<semaphore_mem>>
        %dma_start3A_63 = arith.constant 0 : i32
        %dma_start3A_64 = tpu.memref_slice %arg8[%scan3A_43, %dma_start3A_63] : memref<79x128xi32, #tpu.memory_space<vmem>> -> memref<1x128xi32, #tpu.memory_space<vmem>>
        %dma_start3A_65 = tpu.memref_squeeze %dma_start3A_64 : memref<1x128xi32, #tpu.memory_space<vmem>> -> memref<128xi32, #tpu.memory_space<vmem>>
        %dma_start3A_66 = arith.constant 0 : i32
        %dma_start3A_67 = arith.constant 0 : i32
        %dma_start3A_68 = tpu.memref_slice %arg12[%dma_start3A_66, %dma_start3A_67] : memref<10112x32xf32, #tpu.memory_space<vmem_shared>> -> memref<10112x32xf32, #tpu.memory_space<vmem_shared>>
        tpu.enqueue_indirect_dma source(%arg9 : memref<128x32xf32, #tpu.memory_space<vmem>>) target(%dma_start3A_68 : memref<10112x32xf32, #tpu.memory_space<vmem_shared>>) offsets(%dma_start3A_65 : memref<128xi32, #tpu.memory_space<vmem>>) semaphore(%run_scoped3A : memref<!tpu.dma_semaphore, #tpu.memory_space<semaphore_mem>>) {add = true}
        %dma_wait3A_69 = arith.constant 0 : i32
        %dma_wait3A_70 = tpu.memref_slice %arg8[%scan3A_43, %dma_wait3A_69] : memref<79x128xi32, #tpu.memory_space<vmem>> -> memref<1x128xi32, #tpu.memory_space<vmem>>
        %dma_wait3A_71 = tpu.memref_squeeze %dma_wait3A_70 : memref<1x128xi32, #tpu.memory_space<vmem>> -> memref<128xi32, #tpu.memory_space<vmem>>
        %dma_wait3A_72 = arith.constant 0 : i32
        %dma_wait3A_73 = arith.constant 0 : i32
        %dma_wait3A_74 = tpu.memref_slice %arg12[%dma_wait3A_72, %dma_wait3A_73] : memref<10112x32xf32, #tpu.memory_space<vmem_shared>> -> memref<10112x32xf32, #tpu.memory_space<vmem_shared>>
        tpu.wait_indirect_dma semaphore(%run_scoped3A : memref<!tpu.dma_semaphore, #tpu.memory_space<semaphore_mem>>) src(%arg9 : memref<128x32xf32, #tpu.memory_space<vmem>>) dst(%dma_wait3A_74 : memref<10112x32xf32, #tpu.memory_space<vmem_shared>>)
        tpu.yield
      }) : () -> ()
    }
    %scan3A_34 = arith.constant 79 : i32
    %barrier3A_35 = arith.constant 0 : index
    tpu.barrier barrier_id(%barrier3A_35)
    %mul3A_36 = arith.constant 632 : i32
    %mul3A_37 = arith.muli %arg1, %mul3A_36 : i32
    %mul3A_38 = arith.constant 10112 : i32
    %mul3A_39 = arith.muli %arg0, %mul3A_38 : i32
    %mul3A_40 = arith.constant 632 : i32
    %mul3A_41 = arith.muli %arg1, %mul3A_40 : i32
    %add3A_42 = arith.addi %mul3A_39, %mul3A_41 : i32
    "tpu.region"() ({
      %run_scoped3A = tpu.sem_alloc : memref<!tpu.dma_semaphore, #tpu.memory_space<semaphore_mem>>
      %dma_start3A = arith.constant 0 : i32
      %dma_start3A_43 = tpu.memref_slice %arg6[%add3A_42, %dma_start3A] : memref<20224x32xf32, #tpu.memory_space<hbm>> -> memref<632x32xf32, #tpu.memory_space<hbm>>
      %dma_start3A_44 = arith.constant 0 : i32
      %dma_start3A_45 = tpu.memref_slice %arg12[%mul3A_37, %dma_start3A_44] : memref<10112x32xf32, #tpu.memory_space<vmem_shared>> -> memref<632x32xf32, #tpu.memory_space<vmem_shared>>
      tpu.enqueue_dma source(%dma_start3A_45 : memref<632x32xf32, #tpu.memory_space<vmem_shared>>) target(%dma_start3A_43 : memref<632x32xf32, #tpu.memory_space<hbm>>) target_semaphore(%run_scoped3A : memref<!tpu.dma_semaphore, #tpu.memory_space<semaphore_mem>>)
      %dma_wait3A = arith.constant 0 : i32
      %dma_wait3A_46 = tpu.memref_slice %arg6[%add3A_42, %dma_wait3A] : memref<20224x32xf32, #tpu.memory_space<hbm>> -> memref<632x32xf32, #tpu.memory_space<hbm>>
      %dma_wait3A_47 = arith.constant 0 : i32
      %dma_wait3A_48 = tpu.memref_slice %arg12[%mul3A_37, %dma_wait3A_47] : memref<10112x32xf32, #tpu.memory_space<vmem_shared>> -> memref<632x32xf32, #tpu.memory_space<vmem_shared>>
      tpu.wait_dma2 semaphore(%run_scoped3A : memref<!tpu.dma_semaphore, #tpu.memory_space<semaphore_mem>>) src(%dma_wait3A_48 : memref<632x32xf32, #tpu.memory_space<vmem_shared>>) dst(%dma_wait3A_46 : memref<632x32xf32, #tpu.memory_space<hbm>>)
      tpu.yield
    }) : () -> ()
    return
  }
}

module attributes {stable_mosaic.version = 14 : i64} {
  func.func @_pre_kernel(%arg0: memref<2528x512xf32, #tpu.memory_space<vmem>>, %arg1: memref<512x512xf32, #tpu.memory_space<vmem>>, %arg2: memref<1x512xf32, #tpu.memory_space<vmem>>, %arg3: memref<1x512xf32, #tpu.memory_space<vmem>>, %arg4: memref<512x128xf32, #tpu.memory_space<vmem>>, %arg5: memref<1x128xf32, #tpu.memory_space<vmem>>, %arg6: memref<512x128xf32, #tpu.memory_space<vmem>>, %arg7: memref<2528x128xf32, #tpu.memory_space<vmem>>, %arg8: memref<2528x128xf32, #tpu.memory_space<vmem>>) attributes {dimension_semantics = [], scalar_prefetch = 0 : i64, scratch_operands = 0 : i64, tpu.core_type = #tpu.core_type<tc>} {
    %get3A = arith.constant 0 : index
    %get3A_0 = arith.constant 0 : index
    %get3A_1 = vector.load %arg0[%get3A, %get3A_0] : memref<2528x512xf32, #tpu.memory_space<vmem>>, vector<2528x512xf32>
    %get3A_2 = arith.constant 0 : index
    %get3A_3 = arith.constant 0 : index
    %get3A_4 = vector.load %arg1[%get3A_2, %get3A_3] : memref<512x512xf32, #tpu.memory_space<vmem>>, vector<512x512xf32>
    %dot_general3A = arith.constant dense<0.000000e+00> : vector<2528x512xf32>
    %dot_general3A_5 = tpu.matmul %get3A_1, %get3A_4, %dot_general3A {dimension_numbers = #tpu.dot_dimension_numbers<[1], [0], [0], [1], [0, 0, 1, 1], [], []>, precision = #tpu.contract_precision<fp32>, transpose_lhs_hint = false} : vector<2528x512xf32>, vector<512x512xf32>, vector<2528x512xf32> -> vector<2528x512xf32>
    %sub3A = arith.subf %get3A_1, %dot_general3A_5 : vector<2528x512xf32>
    %mul3A = arith.mulf %sub3A, %sub3A : vector<2528x512xf32>
    %get3A_6 = arith.constant 0 : index
    %get3A_7 = arith.constant 0 : index
    %get3A_8 = vector.load %arg1[%get3A_6, %get3A_7] : memref<512x512xf32, #tpu.memory_space<vmem>>, vector<512x512xf32>
    %dot_general3A_9 = arith.constant dense<0.000000e+00> : vector<2528x512xf32>
    %dot_general3A_10 = tpu.matmul %mul3A, %get3A_8, %dot_general3A_9 {dimension_numbers = #tpu.dot_dimension_numbers<[1], [0], [0], [1], [0, 0, 1, 1], [], []>, precision = #tpu.contract_precision<fp32>, transpose_lhs_hint = false} : vector<2528x512xf32>, vector<512x512xf32>, vector<2528x512xf32> -> vector<2528x512xf32>
    %add3A = arith.constant 9.99999974E-6 : f32
    %add3A_11 = vector.broadcast %add3A : f32 to vector<2528x512xf32>
    %add3A_12 = arith.addf %dot_general3A_10, %add3A_11 : vector<2528x512xf32>
    %sqrt3A = math.sqrt %add3A_12 : vector<2528x512xf32>
    %div3A = arith.divf %sub3A, %sqrt3A : vector<2528x512xf32>
    %get3A_13 = arith.constant 0 : index
    %get3A_14 = arith.constant 0 : index
    %get3A_15 = vector.load %arg2[%get3A_13, %get3A_14] : memref<1x512xf32, #tpu.memory_space<vmem>>, vector<1x512xf32>
    %mul3A_16 = vector.broadcast %get3A_15 : vector<1x512xf32> to vector<2528x512xf32>
    %mul3A_17 = arith.mulf %div3A, %mul3A_16 : vector<2528x512xf32>
    %get3A_18 = arith.constant 0 : index
    %get3A_19 = arith.constant 0 : index
    %get3A_20 = vector.load %arg3[%get3A_18, %get3A_19] : memref<1x512xf32, #tpu.memory_space<vmem>>, vector<1x512xf32>
    %add3A_21 = vector.broadcast %get3A_20 : vector<1x512xf32> to vector<2528x512xf32>
    %add3A_22 = arith.addf %mul3A_17, %add3A_21 : vector<2528x512xf32>
    %get3A_23 = arith.constant 0 : index
    %get3A_24 = arith.constant 0 : index
    %get3A_25 = vector.load %arg4[%get3A_23, %get3A_24] : memref<512x128xf32, #tpu.memory_space<vmem>>, vector<512x128xf32>
    %dot_general3A_26 = arith.constant dense<0.000000e+00> : vector<2528x128xf32>
    %dot_general3A_27 = tpu.matmul %add3A_22, %get3A_25, %dot_general3A_26 {dimension_numbers = #tpu.dot_dimension_numbers<[1], [0], [0], [1], [0, 0, 1, 1], [], []>, transpose_lhs_hint = false} : vector<2528x512xf32>, vector<512x128xf32>, vector<2528x128xf32> -> vector<2528x128xf32>
    %swap3A = arith.constant 0 : index
    %swap3A_28 = arith.constant 0 : index
    %swap3A_29 = vector.load %arg7[%swap3A, %swap3A_28] : memref<2528x128xf32, #tpu.memory_space<vmem>>, vector<2528x128xf32>
    tpu.vector_store %arg7[%swap3A, %swap3A_28], %dot_general3A_27 {strides = array<i32>} : memref<2528x128xf32, #tpu.memory_space<vmem>>, vector<2528x128xf32>,
    %get3A_30 = arith.constant 0 : index
    %get3A_31 = arith.constant 0 : index
    %get3A_32 = vector.load %arg6[%get3A_30, %get3A_31] : memref<512x128xf32, #tpu.memory_space<vmem>>, vector<512x128xf32>
    %dot_general3A_33 = arith.constant dense<0.000000e+00> : vector<2528x128xf32>
    %dot_general3A_34 = tpu.matmul %add3A_22, %get3A_32, %dot_general3A_33 {dimension_numbers = #tpu.dot_dimension_numbers<[1], [0], [0], [1], [0, 0, 1, 1], [], []>, transpose_lhs_hint = false} : vector<2528x512xf32>, vector<512x128xf32>, vector<2528x128xf32> -> vector<2528x128xf32>
    %get3A_35 = arith.constant 0 : index
    %get3A_36 = arith.constant 0 : index
    %get3A_37 = vector.load %arg5[%get3A_35, %get3A_36] : memref<1x128xf32, #tpu.memory_space<vmem>>, vector<1x128xf32>
    %add3A_38 = vector.broadcast %get3A_37 : vector<1x128xf32> to vector<2528x128xf32>
    %add3A_39 = arith.addf %dot_general3A_34, %add3A_38 : vector<2528x128xf32>
    %swap3A_40 = arith.constant 0 : index
    %swap3A_41 = arith.constant 0 : index
    %swap3A_42 = vector.load %arg8[%swap3A_40, %swap3A_41] : memref<2528x128xf32, #tpu.memory_space<vmem>>, vector<2528x128xf32>
    tpu.vector_store %arg8[%swap3A_40, %swap3A_41], %add3A_39 {strides = array<i32>} : memref<2528x128xf32, #tpu.memory_space<vmem>>, vector<2528x128xf32>,
    return
  }
}

module attributes {stable_mosaic.version = 14 : i64} {
  func.func @_post1_kernel(%arg0: memref<5056x128xf32, #tpu.memory_space<vmem>>, %arg1: memref<2528x128xf32, #tpu.memory_space<vmem>>, %arg2: memref<2528x4xf32, #tpu.memory_space<vmem>>, %arg3: memref<128x4xf32, #tpu.memory_space<vmem>>, %arg4: memref<4x128xf32, #tpu.memory_space<vmem>>, %arg5: memref<2528x128xf32, #tpu.memory_space<vmem>>, %arg6: memref<2528x4xf32, #tpu.memory_space<vmem>>, %arg7: memref<2x32xf32, #tpu.memory_space<vmem>>) attributes {dimension_semantics = [], scalar_prefetch = 0 : i64, scratch_operands = 0 : i64, tpu.core_type = #tpu.core_type<tc>} {
    %get3A = arith.constant 0 : index
    %get3A_0 = arith.constant 0 : index
    %get3A_1 = vector.load %arg0[%get3A, %get3A_0] : memref<5056x128xf32, #tpu.memory_space<vmem>>, vector<2528x128xf32>
    %get3A_2 = arith.constant 2528 : index
    %get3A_3 = arith.constant 0 : index
    %get3A_4 = vector.load %arg0[%get3A_2, %get3A_3] : memref<5056x128xf32, #tpu.memory_space<vmem>>, vector<2528x128xf32>
    %add3A = arith.addf %get3A_1, %get3A_4 : vector<2528x128xf32>
    %get3A_5 = arith.constant 0 : index
    %get3A_6 = arith.constant 0 : index
    %get3A_7 = vector.load %arg1[%get3A_5, %get3A_6] : memref<2528x128xf32, #tpu.memory_space<vmem>>, vector<2528x128xf32>
    %add3A_8 = arith.addf %add3A, %get3A_7 : vector<2528x128xf32>
    %max3A = arith.constant 0.000000e+00 : f32
    %max3A_9 = vector.broadcast %max3A : f32 to vector<2528x128xf32>
    %max3A_10 = arith.maximumf %add3A_8, %max3A_9 : vector<2528x128xf32>
    %get3A_11 = arith.constant 0 : index
    %get3A_12 = arith.constant 0 : index
    %get3A_13 = vector.load %arg3[%get3A_11, %get3A_12] : memref<128x4xf32, #tpu.memory_space<vmem>>, vector<128x4xf32>
    %mul3A = arith.mulf %get3A_13, %get3A_13 : vector<128x4xf32>
    %reduce_sum3A = vector.shape_cast %mul3A : vector<128x4xf32> to vector<1x128x4xf32>
    %reduce_sum3A_14 = arith.constant dense<0.000000e+00> : vector<1xf32>
    %reduce_sum3A_15 = vector.multi_reduction <add>, %reduce_sum3A, %reduce_sum3A_14 [1, 2] : vector<1x128x4xf32> to vector<1xf32>
    %reduce_sum3A_16 = vector.shape_cast %reduce_sum3A_15 : vector<1xf32> to vector<1x1x1xf32>
    %reduce_sum3A_17 = vector.extract %reduce_sum3A_16[0, 0, 0] : f32 from vector<1x1x1xf32>
    %mul3A_18 = arith.constant 2.500000e-01 : f32
    %mul3A_19 = arith.mulf %reduce_sum3A_17, %mul3A_18 : f32
    %sqrt3A = math.sqrt %mul3A_19 : f32
    %get3A_20 = arith.constant 0 : index
    %get3A_21 = arith.constant 0 : index
    %get3A_22 = vector.load %arg3[%get3A_20, %get3A_21] : memref<128x4xf32, #tpu.memory_space<vmem>>, vector<128x4xf32>
    %dot_general3A = arith.constant dense<0.000000e+00> : vector<2528x4xf32>
    %dot_general3A_23 = tpu.matmul %max3A_10, %get3A_22, %dot_general3A {dimension_numbers = #tpu.dot_dimension_numbers<[1], [0], [0], [1], [0, 0, 1, 1], [], []>, transpose_lhs_hint = false} : vector<2528x128xf32>, vector<128x4xf32>, vector<2528x4xf32> -> vector<2528x4xf32>
    %add3A_24 = arith.constant 1.000000e-16 : f32
    %add3A_25 = arith.addf %sqrt3A, %add3A_24 : f32
    %div3A = vector.broadcast %add3A_25 : f32 to vector<2528x4xf32>
    %div3A_26 = arith.divf %dot_general3A_23, %div3A : vector<2528x4xf32>
    %tanh3A = math.tanh %div3A_26 : vector<2528x4xf32>
    %get3A_27 = arith.constant 0 : index
    %get3A_28 = arith.constant 0 : index
    %get3A_29 = vector.load %arg2[%get3A_27, %get3A_28] : memref<2528x4xf32, #tpu.memory_space<vmem>>, vector<2528x4xf32>
    %gt3A = arith.constant 5.000000e-01 : f32
    %gt3A_30 = vector.broadcast %gt3A : f32 to vector<2528x4xf32>
    %gt3A_31 = arith.cmpf ogt, %get3A_29, %gt3A_30 : vector<2528x4xf32>
    %jit3A = arith.constant -3.000000e+38 : f32
    %broadcast_in_dim3A = vector.broadcast %jit3A : f32 to vector<2528x4xf32>
    %select_n3A = arith.select %gt3A_31, %div3A_26, %broadcast_in_dim3A : vector<2528x4xi1>, vector<2528x4xf32>
    %bitcast_convert_type3A = tpu.bitcast %select_n3A : vector<2528x4xf32> -> vector<2528x4xi32>
    %ge3A = arith.constant 0 : i32
    %ge3A_32 = vector.broadcast %ge3A : i32 to vector<2528x4xi32>
    %ge3A_33 = arith.cmpi sge, %bitcast_convert_type3A, %ge3A_32 : vector<2528x4xi32>
    %xor3A = arith.constant 2147483647 : i32
    %xor3A_34 = vector.broadcast %xor3A : i32 to vector<2528x4xi32>
    %xor3A_35 = arith.xori %bitcast_convert_type3A, %xor3A_34 : vector<2528x4xi32>
    %select_n3A_36 = arith.select %ge3A_33, %bitcast_convert_type3A, %xor3A_35 : vector<2528x4xi1>, vector<2528x4xi32>
    %scan3A = arith.constant -2147483648 : i32
    %scan3A_37 = arith.constant 2147483647 : i32
    %scan3A_38 = arith.constant 0 : i32
    %scan3A_39 = arith.constant 32 : i32
    %scan3A_40 = arith.addi %scan3A_38, %scan3A_39 : i32
    %scan3A_41 = arith.constant 1 : i32
    %scan3A_42:2 = scf.for %scan3A_118 = %scan3A_38 to %scan3A_40 step %scan3A_41 iter_args(%scan3A_119 = %scan3A, %scan3A_120 = %scan3A_37) -> (i32, i32)  : i32 {
      %shift_right_arithmetic3A = arith.constant 1 : i32
      %shift_right_arithmetic3A_121 = arith.shrsi %scan3A_119, %shift_right_arithmetic3A : i32
      %shift_right_arithmetic3A_122 = arith.constant 1 : i32
      %shift_right_arithmetic3A_123 = arith.shrsi %scan3A_120, %shift_right_arithmetic3A_122 : i32
      %add3A_124 = arith.addi %shift_right_arithmetic3A_121, %shift_right_arithmetic3A_123 : i32
      %and3A_125 = arith.andi %scan3A_119, %scan3A_120 : i32
      %and3A_126 = arith.constant 1 : i32
      %and3A_127 = arith.andi %and3A_125, %and3A_126 : i32
      %add3A_128 = arith.addi %add3A_124, %and3A_127 : i32
      %ge3A_129 = vector.broadcast %add3A_128 : i32 to vector<2528x4xi32>
      %ge3A_130 = arith.cmpi sge, %select_n3A_36, %ge3A_129 : vector<2528x4xi32>
      %convert_element_type3A_131 = arith.extui %ge3A_130 : vector<2528x4xi1> to vector<2528x4xi32>
      %reduce_sum3A_132 = vector.shape_cast %convert_element_type3A_131 : vector<2528x4xi32> to vector<1x2528x4xi32>
      %reduce_sum3A_133 = arith.constant dense<0> : vector<1xi32>
      %reduce_sum3A_134 = vector.multi_reduction <add>, %reduce_sum3A_132, %reduce_sum3A_133 [1, 2] : vector<1x2528x4xi32> to vector<1xi32>
      %reduce_sum3A_135 = vector.shape_cast %reduce_sum3A_134 : vector<1xi32> to vector<1x1x1xi32>
      %reduce_sum3A_136 = vector.extract %reduce_sum3A_135[0, 0, 0] : i32 from vector<1x1x1xi32>
      %ge3A_137 = arith.constant 9000 : i32
      %ge3A_138 = arith.cmpi sge, %reduce_sum3A_136, %ge3A_137 : i32
      %select_n3A_139 = arith.select %ge3A_138, %add3A_128, %scan3A_119 : i32
      %ge3A_140 = arith.constant 9000 : i32
      %ge3A_141 = arith.cmpi sge, %reduce_sum3A_136, %ge3A_140 : i32
      %select_n3A_142 = arith.select %ge3A_141, %scan3A_120, %add3A_128 : i32
      scf.yield %select_n3A_139, %select_n3A_142 : i32, i32
    }
    %gt3A_43 = vector.broadcast %scan3A_42#0 : i32 to vector<2528x4xi32>
    %gt3A_44 = arith.cmpi sgt, %select_n3A_36, %gt3A_43 : vector<2528x4xi32>
    %convert_element_type3A = arith.extui %gt3A_44 : vector<2528x4xi1> to vector<2528x4xi32>
    %reduce_sum3A_45 = vector.shape_cast %convert_element_type3A : vector<2528x4xi32> to vector<1x2528x4xi32>
    %reduce_sum3A_46 = arith.constant dense<0> : vector<1xi32>
    %reduce_sum3A_47 = vector.multi_reduction <add>, %reduce_sum3A_45, %reduce_sum3A_46 [1, 2] : vector<1x2528x4xi32> to vector<1xi32>
    %reduce_sum3A_48 = vector.shape_cast %reduce_sum3A_47 : vector<1xi32> to vector<1x1x1xi32>
    %reduce_sum3A_49 = vector.extract %reduce_sum3A_48[0, 0, 0] : i32 from vector<1x1x1xi32>
    %eq3A = vector.broadcast %scan3A_42#0 : i32 to vector<2528x4xi32>
    %eq3A_50 = arith.cmpi eq, %select_n3A_36, %eq3A : vector<2528x4xi32>
    %iota3A = tpu.iota {dimensions = array<i32: 0>} : vector<2528x4xi32>
    %mul3A_51 = arith.constant 4 : i32
    %mul3A_52 = vector.broadcast %mul3A_51 : i32 to vector<2528x4xi32>
    %mul3A_53 = arith.muli %iota3A, %mul3A_52 : vector<2528x4xi32>
    %iota3A_54 = tpu.iota {dimensions = array<i32: 1>} : vector<2528x4xi32>
    %add3A_55 = arith.addi %mul3A_53, %iota3A_54 : vector<2528x4xi32>
    %scan3A_56 = arith.constant -1 : i32
    %scan3A_57 = arith.constant 16384 : i32
    %scan3A_58 = arith.constant 0 : i32
    %scan3A_59 = arith.constant 15 : i32
    %scan3A_60 = arith.addi %scan3A_58, %scan3A_59 : i32
    %scan3A_61 = arith.constant 1 : i32
    %scan3A_62:2 = scf.for %scan3A_118 = %scan3A_58 to %scan3A_60 step %scan3A_61 iter_args(%scan3A_119 = %scan3A_56, %scan3A_120 = %scan3A_57) -> (i32, i32)  : i32 {
      %sub3A = arith.subi %scan3A_120, %scan3A_119 : i32
      %jit3A_121 = arith.constant 2 : i32
      %div3A_122 = arith.divsi %sub3A, %jit3A_121 : i32
      %sign3A = arith.constant 0 : i32
      %sign3A_123 = arith.cmpi sgt, %sub3A, %sign3A : i32
      %sign3A_124 = arith.extui %sign3A_123 : i1 to i32
      %sign3A_125 = arith.constant 0 : i32
      %sign3A_126 = arith.cmpi slt, %sub3A, %sign3A_125 : i32
      %sign3A_127 = arith.extui %sign3A_126 : i1 to i32
      %sign3A_128 = arith.subi %sign3A_124, %sign3A_127 : i32
      %sign3A_129 = arith.constant 0 : i32
      %sign3A_130 = arith.cmpi sgt, %jit3A_121, %sign3A_129 : i32
      %sign3A_131 = arith.extui %sign3A_130 : i1 to i32
      %sign3A_132 = arith.constant 0 : i32
      %sign3A_133 = arith.cmpi slt, %jit3A_121, %sign3A_132 : i32
      %sign3A_134 = arith.extui %sign3A_133 : i1 to i32
      %sign3A_135 = arith.subi %sign3A_131, %sign3A_134 : i32
      %ne3A = arith.cmpi ne, %sign3A_128, %sign3A_135 : i32
      %rem3A = arith.remsi %sub3A, %jit3A_121 : i32
      %ne3A_136 = arith.constant 0 : i32
      %ne3A_137 = arith.cmpi ne, %rem3A, %ne3A_136 : i32
      %and3A_138 = arith.andi %ne3A, %ne3A_137 : i1
      %sub3A_139 = arith.constant 1 : i32
      %sub3A_140 = arith.subi %div3A_122, %sub3A_139 : i32
      %select_n3A_141 = arith.select %and3A_138, %sub3A_140, %div3A_122 : i32
      %add3A_142 = arith.addi %scan3A_119, %select_n3A_141 : i32
      %lt3A_143 = vector.broadcast %add3A_142 : i32 to vector<2528x4xi32>
      %lt3A_144 = arith.cmpi slt, %add3A_55, %lt3A_143 : vector<2528x4xi32>
      %and3A_145 = arith.andi %eq3A_50, %lt3A_144 : vector<2528x4xi1>
      %convert_element_type3A_146 = arith.extui %and3A_145 : vector<2528x4xi1> to vector<2528x4xi32>
      %reduce_sum3A_147 = vector.shape_cast %convert_element_type3A_146 : vector<2528x4xi32> to vector<1x2528x4xi32>
      %reduce_sum3A_148 = arith.constant dense<0> : vector<1xi32>
      %reduce_sum3A_149 = vector.multi_reduction <add>, %reduce_sum3A_147, %reduce_sum3A_148 [1, 2] : vector<1x2528x4xi32> to vector<1xi32>
      %reduce_sum3A_150 = vector.shape_cast %reduce_sum3A_149 : vector<1xi32> to vector<1x1x1xi32>
      %reduce_sum3A_151 = vector.extract %reduce_sum3A_150[0, 0, 0] : i32 from vector<1x1x1xi32>
      %add3A_152 = arith.addi %reduce_sum3A_49, %reduce_sum3A_151 : i32
      %ge3A_153 = arith.constant 9000 : i32
      %ge3A_154 = arith.cmpi sge, %add3A_152, %ge3A_153 : i32
      %select_n3A_155 = arith.select %ge3A_154, %scan3A_119, %add3A_142 : i32
      %ge3A_156 = arith.constant 9000 : i32
      %ge3A_157 = arith.cmpi sge, %add3A_152, %ge3A_156 : i32
      %select_n3A_158 = arith.select %ge3A_157, %add3A_142, %scan3A_120 : i32
      scf.yield %select_n3A_155, %select_n3A_158 : i32, i32
    }
    %gt3A_63 = vector.broadcast %scan3A_42#0 : i32 to vector<2528x4xi32>
    %gt3A_64 = arith.cmpi sgt, %select_n3A_36, %gt3A_63 : vector<2528x4xi32>
    %lt3A = vector.broadcast %scan3A_62#1 : i32 to vector<2528x4xi32>
    %lt3A_65 = arith.cmpi slt, %add3A_55, %lt3A : vector<2528x4xi32>
    %and3A = arith.andi %eq3A_50, %lt3A_65 : vector<2528x4xi1>
    %or3A = arith.ori %gt3A_64, %and3A : vector<2528x4xi1>
    %convert_element_type3A_66 = arith.extui %or3A : vector<2528x4xi1> to vector<2528x4xi32>
    %convert_element_type3A_67 = arith.sitofp %convert_element_type3A_66 : vector<2528x4xi32> to vector<2528x4xf32>
    %get3A_68 = arith.constant 0 : index
    %get3A_69 = arith.constant 0 : index
    %get3A_70 = vector.load %arg4[%get3A_68, %get3A_69] : memref<4x128xf32, #tpu.memory_space<vmem>>, vector<4x128xf32>
    %dot_general3A_71 = arith.constant dense<0.000000e+00> : vector<2528x128xf32>
    %dot_general3A_72 = tpu.matmul %tanh3A, %get3A_70, %dot_general3A_71 {dimension_numbers = #tpu.dot_dimension_numbers<[1], [0], [0], [1], [0, 0, 1, 1], [], []>, precision = #tpu.contract_precision<fp32>, transpose_lhs_hint = false} : vector<2528x4xf32>, vector<4x128xf32>, vector<2528x128xf32> -> vector<2528x128xf32>
    %get3A_73 = arith.constant 0 : index
    %get3A_74 = arith.constant 0 : index
    %get3A_75 = vector.load %arg4[%get3A_73, %get3A_74] : memref<4x128xf32, #tpu.memory_space<vmem>>, vector<4x128xf32>
    %dot_general3A_76 = arith.constant dense<0.000000e+00> : vector<2528x128xf32>
    %dot_general3A_77 = tpu.matmul %convert_element_type3A_67, %get3A_75, %dot_general3A_76 {dimension_numbers = #tpu.dot_dimension_numbers<[1], [0], [0], [1], [0, 0, 1, 1], [], []>, precision = #tpu.contract_precision<fp32>, transpose_lhs_hint = false} : vector<2528x4xf32>, vector<4x128xf32>, vector<2528x128xf32> -> vector<2528x128xf32>
    %mul3A_78 = arith.mulf %max3A_10, %dot_general3A_72 : vector<2528x128xf32>
    %mul3A_79 = arith.mulf %mul3A_78, %dot_general3A_77 : vector<2528x128xf32>
    %gt3A_80 = arith.constant 5.000000e-01 : f32
    %gt3A_81 = vector.broadcast %gt3A_80 : f32 to vector<2528x128xf32>
    %gt3A_82 = arith.cmpf ogt, %dot_general3A_77, %gt3A_81 : vector<2528x128xf32>
    %jit3A_83 = arith.constant -3.000000e+38 : f32
    %broadcast_in_dim3A_84 = vector.broadcast %jit3A_83 : f32 to vector<2528x128xf32>
    %select_n3A_85 = arith.select %gt3A_82, %mul3A_79, %broadcast_in_dim3A_84 : vector<2528x128xi1>, vector<2528x128xf32>
    %reduce_max3A = arith.constant dense<0xFF800000> : vector<128xf32>
    %reduce_max3A_86 = vector.multi_reduction <maximumf>, %select_n3A_85, %reduce_max3A [0] : vector<2528x128xf32> to vector<128xf32>
    %broadcast_in_dim3A_87 = vector.shape_cast %reduce_max3A_86 : vector<128xf32> to vector<1x128xf32>
    %reduce_sum3A_88 = arith.constant dense<0.000000e+00> : vector<128xf32>
    %reduce_sum3A_89 = vector.multi_reduction <add>, %mul3A_79, %reduce_sum3A_88 [0] : vector<2528x128xf32> to vector<128xf32>
    %broadcast_in_dim3A_90 = vector.shape_cast %reduce_sum3A_89 : vector<128xf32> to vector<1x128xf32>
    %slice3A = vector.extract_strided_slice %broadcast_in_dim3A_87 {offsets = [0, 0], sizes = [1, 32], strides = [1, 1]} : vector<1x128xf32> to vector<1x32xf32>
    %slice3A_91 = vector.extract_strided_slice %broadcast_in_dim3A_90 {offsets = [0, 0], sizes = [1, 32], strides = [1, 1]} : vector<1x128xf32> to vector<1x32xf32>
    %slice3A_92 = vector.extract_strided_slice %broadcast_in_dim3A_87 {offsets = [0, 32], sizes = [1, 32], strides = [1, 1]} : vector<1x128xf32> to vector<1x32xf32>
    %max3A_93 = arith.maximumf %slice3A, %slice3A_92 : vector<1x32xf32>
    %slice3A_94 = vector.extract_strided_slice %broadcast_in_dim3A_90 {offsets = [0, 32], sizes = [1, 32], strides = [1, 1]} : vector<1x128xf32> to vector<1x32xf32>
    %add3A_95 = arith.addf %slice3A_91, %slice3A_94 : vector<1x32xf32>
    %slice3A_96 = vector.extract_strided_slice %broadcast_in_dim3A_87 {offsets = [0, 64], sizes = [1, 32], strides = [1, 1]} : vector<1x128xf32> to vector<1x32xf32>
    %max3A_97 = arith.maximumf %max3A_93, %slice3A_96 : vector<1x32xf32>
    %slice3A_98 = vector.extract_strided_slice %broadcast_in_dim3A_90 {offsets = [0, 64], sizes = [1, 32], strides = [1, 1]} : vector<1x128xf32> to vector<1x32xf32>
    %add3A_99 = arith.addf %add3A_95, %slice3A_98 : vector<1x32xf32>
    %slice3A_100 = vector.extract_strided_slice %broadcast_in_dim3A_87 {offsets = [0, 96], sizes = [1, 32], strides = [1, 1]} : vector<1x128xf32> to vector<1x32xf32>
    %max3A_101 = arith.maximumf %max3A_97, %slice3A_100 : vector<1x32xf32>
    %slice3A_102 = vector.extract_strided_slice %broadcast_in_dim3A_90 {offsets = [0, 96], sizes = [1, 32], strides = [1, 1]} : vector<1x128xf32> to vector<1x32xf32>
    %add3A_103 = arith.addf %add3A_99, %slice3A_102 : vector<1x32xf32>
    %mul3A_104 = arith.constant 1.11111112E-4 : f32
    %mul3A_105 = vector.broadcast %mul3A_104 : f32 to vector<1x32xf32>
    %mul3A_106 = arith.mulf %add3A_103, %mul3A_105 : vector<1x32xf32>
    %swap3A = arith.constant 0 : index
    %swap3A_107 = arith.constant 0 : index
    %swap3A_108 = vector.load %arg5[%swap3A, %swap3A_107] : memref<2528x128xf32, #tpu.memory_space<vmem>>, vector<2528x128xf32>
    tpu.vector_store %arg5[%swap3A, %swap3A_107], %mul3A_79 {strides = array<i32>} : memref<2528x128xf32, #tpu.memory_space<vmem>>, vector<2528x128xf32>,
    %swap3A_109 = arith.constant 0 : index
    %swap3A_110 = arith.constant 0 : index
    %swap3A_111 = vector.load %arg6[%swap3A_109, %swap3A_110] : memref<2528x4xf32, #tpu.memory_space<vmem>>, vector<2528x4xf32>
    tpu.vector_store %arg6[%swap3A_109, %swap3A_110], %convert_element_type3A_67 {strides = array<i32>} : memref<2528x4xf32, #tpu.memory_space<vmem>>, vector<2528x4xf32>,
    %swap3A_112 = arith.constant 0 : index
    %swap3A_113 = arith.constant 0 : index
    %swap3A_114 = vector.load %arg7[%swap3A_112, %swap3A_113] : memref<2x32xf32, #tpu.memory_space<vmem>>, vector<1x32xf32>
    tpu.vector_store %arg7[%swap3A_112, %swap3A_113], %max3A_101 {strides = array<i32>} : memref<2x32xf32, #tpu.memory_space<vmem>>, vector<1x32xf32>,
    %swap3A_115 = arith.constant 1 : index
    %swap3A_116 = arith.constant 0 : index
    %swap3A_117 = vector.load %arg7[%swap3A_115, %swap3A_116] : memref<2x32xf32, #tpu.memory_space<vmem>>, vector<1x32xf32>
    tpu.vector_store %arg7[%swap3A_115, %swap3A_116], %mul3A_106 {strides = array<i32>} : memref<2x32xf32, #tpu.memory_space<vmem>>, vector<1x32xf32>,
    return
  }
}

module attributes {stable_mosaic.version = 14 : i64} {
  func.func @_post_kernel(%arg0: memref<5056x128xf32, #tpu.memory_space<vmem>>, %arg1: memref<2528x128xf32, #tpu.memory_space<vmem>>, %arg2: memref<2528x4xf32, #tpu.memory_space<vmem>>, %arg3: memref<128x128xf32, #tpu.memory_space<vmem>>, %arg4: memref<1x128xf32, #tpu.memory_space<vmem>>, %arg5: memref<128x128xf32, #tpu.memory_space<vmem>>, %arg6: memref<128x4xf32, #tpu.memory_space<vmem>>, %arg7: memref<4x128xf32, #tpu.memory_space<vmem>>, %arg8: memref<2528x128xf32, #tpu.memory_space<vmem>>, %arg9: memref<2528x4xf32, #tpu.memory_space<vmem>>, %arg10: memref<2x32xf32, #tpu.memory_space<vmem>>) attributes {dimension_semantics = [], scalar_prefetch = 0 : i64, scratch_operands = 0 : i64, tpu.core_type = #tpu.core_type<tc>} {
    %get3A = arith.constant 0 : index
    %get3A_0 = arith.constant 0 : index
    %get3A_1 = vector.load %arg0[%get3A, %get3A_0] : memref<5056x128xf32, #tpu.memory_space<vmem>>, vector<2528x128xf32>
    %get3A_2 = arith.constant 2528 : index
    %get3A_3 = arith.constant 0 : index
    %get3A_4 = vector.load %arg0[%get3A_2, %get3A_3] : memref<5056x128xf32, #tpu.memory_space<vmem>>, vector<2528x128xf32>
    %add3A = arith.addf %get3A_1, %get3A_4 : vector<2528x128xf32>
    %get3A_5 = arith.constant 0 : index
    %get3A_6 = arith.constant 0 : index
    %get3A_7 = vector.load %arg3[%get3A_5, %get3A_6] : memref<128x128xf32, #tpu.memory_space<vmem>>, vector<128x128xf32>
    %dot_general3A = arith.constant dense<0.000000e+00> : vector<2528x128xf32>
    %dot_general3A_8 = tpu.matmul %add3A, %get3A_7, %dot_general3A {dimension_numbers = #tpu.dot_dimension_numbers<[1], [0], [0], [1], [0, 0, 1, 1], [], []>, transpose_lhs_hint = false} : vector<2528x128xf32>, vector<128x128xf32>, vector<2528x128xf32> -> vector<2528x128xf32>
    %get3A_9 = arith.constant 0 : index
    %get3A_10 = arith.constant 0 : index
    %get3A_11 = vector.load %arg4[%get3A_9, %get3A_10] : memref<1x128xf32, #tpu.memory_space<vmem>>, vector<1x128xf32>
    %add3A_12 = vector.broadcast %get3A_11 : vector<1x128xf32> to vector<2528x128xf32>
    %add3A_13 = arith.addf %dot_general3A_8, %add3A_12 : vector<2528x128xf32>
    %get3A_14 = arith.constant 0 : index
    %get3A_15 = arith.constant 0 : index
    %get3A_16 = vector.load %arg1[%get3A_14, %get3A_15] : memref<2528x128xf32, #tpu.memory_space<vmem>>, vector<2528x128xf32>
    %get3A_17 = arith.constant 0 : index
    %get3A_18 = arith.constant 0 : index
    %get3A_19 = vector.load %arg5[%get3A_17, %get3A_18] : memref<128x128xf32, #tpu.memory_space<vmem>>, vector<128x128xf32>
    %dot_general3A_20 = arith.constant dense<0.000000e+00> : vector<2528x128xf32>
    %dot_general3A_21 = tpu.matmul %get3A_16, %get3A_19, %dot_general3A_20 {dimension_numbers = #tpu.dot_dimension_numbers<[1], [0], [0], [1], [0, 0, 1, 1], [], []>, transpose_lhs_hint = false} : vector<2528x128xf32>, vector<128x128xf32>, vector<2528x128xf32> -> vector<2528x128xf32>
    %add3A_22 = arith.addf %add3A_13, %dot_general3A_21 : vector<2528x128xf32>
    %max3A = arith.constant 0.000000e+00 : f32
    %max3A_23 = vector.broadcast %max3A : f32 to vector<2528x128xf32>
    %max3A_24 = arith.maximumf %add3A_22, %max3A_23 : vector<2528x128xf32>
    %get3A_25 = arith.constant 0 : index
    %get3A_26 = arith.constant 0 : index
    %get3A_27 = vector.load %arg6[%get3A_25, %get3A_26] : memref<128x4xf32, #tpu.memory_space<vmem>>, vector<128x4xf32>
    %mul3A = arith.mulf %get3A_27, %get3A_27 : vector<128x4xf32>
    %reduce_sum3A = vector.shape_cast %mul3A : vector<128x4xf32> to vector<1x128x4xf32>
    %reduce_sum3A_28 = arith.constant dense<0.000000e+00> : vector<1xf32>
    %reduce_sum3A_29 = vector.multi_reduction <add>, %reduce_sum3A, %reduce_sum3A_28 [1, 2] : vector<1x128x4xf32> to vector<1xf32>
    %reduce_sum3A_30 = vector.shape_cast %reduce_sum3A_29 : vector<1xf32> to vector<1x1x1xf32>
    %reduce_sum3A_31 = vector.extract %reduce_sum3A_30[0, 0, 0] : f32 from vector<1x1x1xf32>
    %mul3A_32 = arith.constant 2.500000e-01 : f32
    %mul3A_33 = arith.mulf %reduce_sum3A_31, %mul3A_32 : f32
    %sqrt3A = math.sqrt %mul3A_33 : f32
    %get3A_34 = arith.constant 0 : index
    %get3A_35 = arith.constant 0 : index
    %get3A_36 = vector.load %arg6[%get3A_34, %get3A_35] : memref<128x4xf32, #tpu.memory_space<vmem>>, vector<128x4xf32>
    %dot_general3A_37 = arith.constant dense<0.000000e+00> : vector<2528x4xf32>
    %dot_general3A_38 = tpu.matmul %max3A_24, %get3A_36, %dot_general3A_37 {dimension_numbers = #tpu.dot_dimension_numbers<[1], [0], [0], [1], [0, 0, 1, 1], [], []>, transpose_lhs_hint = false} : vector<2528x128xf32>, vector<128x4xf32>, vector<2528x4xf32> -> vector<2528x4xf32>
    %add3A_39 = arith.constant 1.000000e-16 : f32
    %add3A_40 = arith.addf %sqrt3A, %add3A_39 : f32
    %div3A = vector.broadcast %add3A_40 : f32 to vector<2528x4xf32>
    %div3A_41 = arith.divf %dot_general3A_38, %div3A : vector<2528x4xf32>
    %tanh3A = math.tanh %div3A_41 : vector<2528x4xf32>
    %get3A_42 = arith.constant 0 : index
    %get3A_43 = arith.constant 0 : index
    %get3A_44 = vector.load %arg2[%get3A_42, %get3A_43] : memref<2528x4xf32, #tpu.memory_space<vmem>>, vector<2528x4xf32>
    %gt3A = arith.constant 5.000000e-01 : f32
    %gt3A_45 = vector.broadcast %gt3A : f32 to vector<2528x4xf32>
    %gt3A_46 = arith.cmpf ogt, %get3A_44, %gt3A_45 : vector<2528x4xf32>
    %jit3A = arith.constant -3.000000e+38 : f32
    %broadcast_in_dim3A = vector.broadcast %jit3A : f32 to vector<2528x4xf32>
    %select_n3A = arith.select %gt3A_46, %div3A_41, %broadcast_in_dim3A : vector<2528x4xi1>, vector<2528x4xf32>
    %bitcast_convert_type3A = tpu.bitcast %select_n3A : vector<2528x4xf32> -> vector<2528x4xi32>
    %ge3A = arith.constant 0 : i32
    %ge3A_47 = vector.broadcast %ge3A : i32 to vector<2528x4xi32>
    %ge3A_48 = arith.cmpi sge, %bitcast_convert_type3A, %ge3A_47 : vector<2528x4xi32>
    %xor3A = arith.constant 2147483647 : i32
    %xor3A_49 = vector.broadcast %xor3A : i32 to vector<2528x4xi32>
    %xor3A_50 = arith.xori %bitcast_convert_type3A, %xor3A_49 : vector<2528x4xi32>
    %select_n3A_51 = arith.select %ge3A_48, %bitcast_convert_type3A, %xor3A_50 : vector<2528x4xi1>, vector<2528x4xi32>
    %scan3A = arith.constant -2147483648 : i32
    %scan3A_52 = arith.constant 2147483647 : i32
    %scan3A_53 = arith.constant 0 : i32
    %scan3A_54 = arith.constant 32 : i32
    %scan3A_55 = arith.addi %scan3A_53, %scan3A_54 : i32
    %scan3A_56 = arith.constant 1 : i32
    %scan3A_57:2 = scf.for %scan3A_133 = %scan3A_53 to %scan3A_55 step %scan3A_56 iter_args(%scan3A_134 = %scan3A, %scan3A_135 = %scan3A_52) -> (i32, i32)  : i32 {
      %shift_right_arithmetic3A = arith.constant 1 : i32
      %shift_right_arithmetic3A_136 = arith.shrsi %scan3A_134, %shift_right_arithmetic3A : i32
      %shift_right_arithmetic3A_137 = arith.constant 1 : i32
      %shift_right_arithmetic3A_138 = arith.shrsi %scan3A_135, %shift_right_arithmetic3A_137 : i32
      %add3A_139 = arith.addi %shift_right_arithmetic3A_136, %shift_right_arithmetic3A_138 : i32
      %and3A_140 = arith.andi %scan3A_134, %scan3A_135 : i32
      %and3A_141 = arith.constant 1 : i32
      %and3A_142 = arith.andi %and3A_140, %and3A_141 : i32
      %add3A_143 = arith.addi %add3A_139, %and3A_142 : i32
      %ge3A_144 = vector.broadcast %add3A_143 : i32 to vector<2528x4xi32>
      %ge3A_145 = arith.cmpi sge, %select_n3A_51, %ge3A_144 : vector<2528x4xi32>
      %convert_element_type3A_146 = arith.extui %ge3A_145 : vector<2528x4xi1> to vector<2528x4xi32>
      %reduce_sum3A_147 = vector.shape_cast %convert_element_type3A_146 : vector<2528x4xi32> to vector<1x2528x4xi32>
      %reduce_sum3A_148 = arith.constant dense<0> : vector<1xi32>
      %reduce_sum3A_149 = vector.multi_reduction <add>, %reduce_sum3A_147, %reduce_sum3A_148 [1, 2] : vector<1x2528x4xi32> to vector<1xi32>
      %reduce_sum3A_150 = vector.shape_cast %reduce_sum3A_149 : vector<1xi32> to vector<1x1x1xi32>
      %reduce_sum3A_151 = vector.extract %reduce_sum3A_150[0, 0, 0] : i32 from vector<1x1x1xi32>
      %ge3A_152 = arith.constant 8100 : i32
      %ge3A_153 = arith.cmpi sge, %reduce_sum3A_151, %ge3A_152 : i32
      %select_n3A_154 = arith.select %ge3A_153, %add3A_143, %scan3A_134 : i32
      %ge3A_155 = arith.constant 8100 : i32
      %ge3A_156 = arith.cmpi sge, %reduce_sum3A_151, %ge3A_155 : i32
      %select_n3A_157 = arith.select %ge3A_156, %scan3A_135, %add3A_143 : i32
      scf.yield %select_n3A_154, %select_n3A_157 : i32, i32
    }
    %gt3A_58 = vector.broadcast %scan3A_57#0 : i32 to vector<2528x4xi32>
    %gt3A_59 = arith.cmpi sgt, %select_n3A_51, %gt3A_58 : vector<2528x4xi32>
    %convert_element_type3A = arith.extui %gt3A_59 : vector<2528x4xi1> to vector<2528x4xi32>
    %reduce_sum3A_60 = vector.shape_cast %convert_element_type3A : vector<2528x4xi32> to vector<1x2528x4xi32>
    %reduce_sum3A_61 = arith.constant dense<0> : vector<1xi32>
    %reduce_sum3A_62 = vector.multi_reduction <add>, %reduce_sum3A_60, %reduce_sum3A_61 [1, 2] : vector<1x2528x4xi32> to vector<1xi32>
    %reduce_sum3A_63 = vector.shape_cast %reduce_sum3A_62 : vector<1xi32> to vector<1x1x1xi32>
    %reduce_sum3A_64 = vector.extract %reduce_sum3A_63[0, 0, 0] : i32 from vector<1x1x1xi32>
    %eq3A = vector.broadcast %scan3A_57#0 : i32 to vector<2528x4xi32>
    %eq3A_65 = arith.cmpi eq, %select_n3A_51, %eq3A : vector<2528x4xi32>
    %iota3A = tpu.iota {dimensions = array<i32: 0>} : vector<2528x4xi32>
    %mul3A_66 = arith.constant 4 : i32
    %mul3A_67 = vector.broadcast %mul3A_66 : i32 to vector<2528x4xi32>
    %mul3A_68 = arith.muli %iota3A, %mul3A_67 : vector<2528x4xi32>
    %iota3A_69 = tpu.iota {dimensions = array<i32: 1>} : vector<2528x4xi32>
    %add3A_70 = arith.addi %mul3A_68, %iota3A_69 : vector<2528x4xi32>
    %scan3A_71 = arith.constant -1 : i32
    %scan3A_72 = arith.constant 16384 : i32
    %scan3A_73 = arith.constant 0 : i32
    %scan3A_74 = arith.constant 15 : i32
    %scan3A_75 = arith.addi %scan3A_73, %scan3A_74 : i32
    %scan3A_76 = arith.constant 1 : i32
    %scan3A_77:2 = scf.for %scan3A_133 = %scan3A_73 to %scan3A_75 step %scan3A_76 iter_args(%scan3A_134 = %scan3A_71, %scan3A_135 = %scan3A_72) -> (i32, i32)  : i32 {
      %sub3A = arith.subi %scan3A_135, %scan3A_134 : i32
      %jit3A_136 = arith.constant 2 : i32
      %div3A_137 = arith.divsi %sub3A, %jit3A_136 : i32
      %sign3A = arith.constant 0 : i32
      %sign3A_138 = arith.cmpi sgt, %sub3A, %sign3A : i32
      %sign3A_139 = arith.extui %sign3A_138 : i1 to i32
      %sign3A_140 = arith.constant 0 : i32
      %sign3A_141 = arith.cmpi slt, %sub3A, %sign3A_140 : i32
      %sign3A_142 = arith.extui %sign3A_141 : i1 to i32
      %sign3A_143 = arith.subi %sign3A_139, %sign3A_142 : i32
      %sign3A_144 = arith.constant 0 : i32
      %sign3A_145 = arith.cmpi sgt, %jit3A_136, %sign3A_144 : i32
      %sign3A_146 = arith.extui %sign3A_145 : i1 to i32
      %sign3A_147 = arith.constant 0 : i32
      %sign3A_148 = arith.cmpi slt, %jit3A_136, %sign3A_147 : i32
      %sign3A_149 = arith.extui %sign3A_148 : i1 to i32
      %sign3A_150 = arith.subi %sign3A_146, %sign3A_149 : i32
      %ne3A = arith.cmpi ne, %sign3A_143, %sign3A_150 : i32
      %rem3A = arith.remsi %sub3A, %jit3A_136 : i32
      %ne3A_151 = arith.constant 0 : i32
      %ne3A_152 = arith.cmpi ne, %rem3A, %ne3A_151 : i32
      %and3A_153 = arith.andi %ne3A, %ne3A_152 : i1
      %sub3A_154 = arith.constant 1 : i32
      %sub3A_155 = arith.subi %div3A_137, %sub3A_154 : i32
      %select_n3A_156 = arith.select %and3A_153, %sub3A_155, %div3A_137 : i32
      %add3A_157 = arith.addi %scan3A_134, %select_n3A_156 : i32
      %lt3A_158 = vector.broadcast %add3A_157 : i32 to vector<2528x4xi32>
      %lt3A_159 = arith.cmpi slt, %add3A_70, %lt3A_158 : vector<2528x4xi32>
      %and3A_160 = arith.andi %eq3A_65, %lt3A_159 : vector<2528x4xi1>
      %convert_element_type3A_161 = arith.extui %and3A_160 : vector<2528x4xi1> to vector<2528x4xi32>
      %reduce_sum3A_162 = vector.shape_cast %convert_element_type3A_161 : vector<2528x4xi32> to vector<1x2528x4xi32>
      %reduce_sum3A_163 = arith.constant dense<0> : vector<1xi32>
      %reduce_sum3A_164 = vector.multi_reduction <add>, %reduce_sum3A_162, %reduce_sum3A_163 [1, 2] : vector<1x2528x4xi32> to vector<1xi32>
      %reduce_sum3A_165 = vector.shape_cast %reduce_sum3A_164 : vector<1xi32> to vector<1x1x1xi32>
      %reduce_sum3A_166 = vector.extract %reduce_sum3A_165[0, 0, 0] : i32 from vector<1x1x1xi32>
      %add3A_167 = arith.addi %reduce_sum3A_64, %reduce_sum3A_166 : i32
      %ge3A_168 = arith.constant 8100 : i32
      %ge3A_169 = arith.cmpi sge, %add3A_167, %ge3A_168 : i32
      %select_n3A_170 = arith.select %ge3A_169, %scan3A_134, %add3A_157 : i32
      %ge3A_171 = arith.constant 8100 : i32
      %ge3A_172 = arith.cmpi sge, %add3A_167, %ge3A_171 : i32
      %select_n3A_173 = arith.select %ge3A_172, %add3A_157, %scan3A_135 : i32
      scf.yield %select_n3A_170, %select_n3A_173 : i32, i32
    }
    %gt3A_78 = vector.broadcast %scan3A_57#0 : i32 to vector<2528x4xi32>
    %gt3A_79 = arith.cmpi sgt, %select_n3A_51, %gt3A_78 : vector<2528x4xi32>
    %lt3A = vector.broadcast %scan3A_77#1 : i32 to vector<2528x4xi32>
    %lt3A_80 = arith.cmpi slt, %add3A_70, %lt3A : vector<2528x4xi32>
    %and3A = arith.andi %eq3A_65, %lt3A_80 : vector<2528x4xi1>
    %or3A = arith.ori %gt3A_79, %and3A : vector<2528x4xi1>
    %convert_element_type3A_81 = arith.extui %or3A : vector<2528x4xi1> to vector<2528x4xi32>
    %convert_element_type3A_82 = arith.sitofp %convert_element_type3A_81 : vector<2528x4xi32> to vector<2528x4xf32>
    %get3A_83 = arith.constant 0 : index
    %get3A_84 = arith.constant 0 : index
    %get3A_85 = vector.load %arg7[%get3A_83, %get3A_84] : memref<4x128xf32, #tpu.memory_space<vmem>>, vector<4x128xf32>
    %dot_general3A_86 = arith.constant dense<0.000000e+00> : vector<2528x128xf32>
    %dot_general3A_87 = tpu.matmul %tanh3A, %get3A_85, %dot_general3A_86 {dimension_numbers = #tpu.dot_dimension_numbers<[1], [0], [0], [1], [0, 0, 1, 1], [], []>, precision = #tpu.contract_precision<fp32>, transpose_lhs_hint = false} : vector<2528x4xf32>, vector<4x128xf32>, vector<2528x128xf32> -> vector<2528x128xf32>
    %get3A_88 = arith.constant 0 : index
    %get3A_89 = arith.constant 0 : index
    %get3A_90 = vector.load %arg7[%get3A_88, %get3A_89] : memref<4x128xf32, #tpu.memory_space<vmem>>, vector<4x128xf32>
    %dot_general3A_91 = arith.constant dense<0.000000e+00> : vector<2528x128xf32>
    %dot_general3A_92 = tpu.matmul %convert_element_type3A_82, %get3A_90, %dot_general3A_91 {dimension_numbers = #tpu.dot_dimension_numbers<[1], [0], [0], [1], [0, 0, 1, 1], [], []>, precision = #tpu.contract_precision<fp32>, transpose_lhs_hint = false} : vector<2528x4xf32>, vector<4x128xf32>, vector<2528x128xf32> -> vector<2528x128xf32>
    %mul3A_93 = arith.mulf %max3A_24, %dot_general3A_87 : vector<2528x128xf32>
    %mul3A_94 = arith.mulf %mul3A_93, %dot_general3A_92 : vector<2528x128xf32>
    %gt3A_95 = arith.constant 5.000000e-01 : f32
    %gt3A_96 = vector.broadcast %gt3A_95 : f32 to vector<2528x128xf32>
    %gt3A_97 = arith.cmpf ogt, %dot_general3A_92, %gt3A_96 : vector<2528x128xf32>
    %jit3A_98 = arith.constant -3.000000e+38 : f32
    %broadcast_in_dim3A_99 = vector.broadcast %jit3A_98 : f32 to vector<2528x128xf32>
    %select_n3A_100 = arith.select %gt3A_97, %mul3A_94, %broadcast_in_dim3A_99 : vector<2528x128xi1>, vector<2528x128xf32>
    %reduce_max3A = arith.constant dense<0xFF800000> : vector<128xf32>
    %reduce_max3A_101 = vector.multi_reduction <maximumf>, %select_n3A_100, %reduce_max3A [0] : vector<2528x128xf32> to vector<128xf32>
    %broadcast_in_dim3A_102 = vector.shape_cast %reduce_max3A_101 : vector<128xf32> to vector<1x128xf32>
    %reduce_sum3A_103 = arith.constant dense<0.000000e+00> : vector<128xf32>
    %reduce_sum3A_104 = vector.multi_reduction <add>, %mul3A_94, %reduce_sum3A_103 [0] : vector<2528x128xf32> to vector<128xf32>
    %broadcast_in_dim3A_105 = vector.shape_cast %reduce_sum3A_104 : vector<128xf32> to vector<1x128xf32>
    %slice3A = vector.extract_strided_slice %broadcast_in_dim3A_102 {offsets = [0, 0], sizes = [1, 32], strides = [1, 1]} : vector<1x128xf32> to vector<1x32xf32>
    %slice3A_106 = vector.extract_strided_slice %broadcast_in_dim3A_105 {offsets = [0, 0], sizes = [1, 32], strides = [1, 1]} : vector<1x128xf32> to vector<1x32xf32>
    %slice3A_107 = vector.extract_strided_slice %broadcast_in_dim3A_102 {offsets = [0, 32], sizes = [1, 32], strides = [1, 1]} : vector<1x128xf32> to vector<1x32xf32>
    %max3A_108 = arith.maximumf %slice3A, %slice3A_107 : vector<1x32xf32>
    %slice3A_109 = vector.extract_strided_slice %broadcast_in_dim3A_105 {offsets = [0, 32], sizes = [1, 32], strides = [1, 1]} : vector<1x128xf32> to vector<1x32xf32>
    %add3A_110 = arith.addf %slice3A_106, %slice3A_109 : vector<1x32xf32>
    %slice3A_111 = vector.extract_strided_slice %broadcast_in_dim3A_102 {offsets = [0, 64], sizes = [1, 32], strides = [1, 1]} : vector<1x128xf32> to vector<1x32xf32>
    %max3A_112 = arith.maximumf %max3A_108, %slice3A_111 : vector<1x32xf32>
    %slice3A_113 = vector.extract_strided_slice %broadcast_in_dim3A_105 {offsets = [0, 64], sizes = [1, 32], strides = [1, 1]} : vector<1x128xf32> to vector<1x32xf32>
    %add3A_114 = arith.addf %add3A_110, %slice3A_113 : vector<1x32xf32>
    %slice3A_115 = vector.extract_strided_slice %broadcast_in_dim3A_102 {offsets = [0, 96], sizes = [1, 32], strides = [1, 1]} : vector<1x128xf32> to vector<1x32xf32>
    %max3A_116 = arith.maximumf %max3A_112, %slice3A_115 : vector<1x32xf32>
    %slice3A_117 = vector.extract_strided_slice %broadcast_in_dim3A_105 {offsets = [0, 96], sizes = [1, 32], strides = [1, 1]} : vector<1x128xf32> to vector<1x32xf32>
    %add3A_118 = arith.addf %add3A_114, %slice3A_117 : vector<1x32xf32>
    %mul3A_119 = arith.constant 1.2345679E-4 : f32
    %mul3A_120 = vector.broadcast %mul3A_119 : f32 to vector<1x32xf32>
    %mul3A_121 = arith.mulf %add3A_118, %mul3A_120 : vector<1x32xf32>
    %swap3A = arith.constant 0 : index
    %swap3A_122 = arith.constant 0 : index
    %swap3A_123 = vector.load %arg8[%swap3A, %swap3A_122] : memref<2528x128xf32, #tpu.memory_space<vmem>>, vector<2528x128xf32>
    tpu.vector_store %arg8[%swap3A, %swap3A_122], %mul3A_94 {strides = array<i32>} : memref<2528x128xf32, #tpu.memory_space<vmem>>, vector<2528x128xf32>,
    %swap3A_124 = arith.constant 0 : index
    %swap3A_125 = arith.constant 0 : index
    %swap3A_126 = vector.load %arg9[%swap3A_124, %swap3A_125] : memref<2528x4xf32, #tpu.memory_space<vmem>>, vector<2528x4xf32>
    tpu.vector_store %arg9[%swap3A_124, %swap3A_125], %convert_element_type3A_82 {strides = array<i32>} : memref<2528x4xf32, #tpu.memory_space<vmem>>, vector<2528x4xf32>,
    %swap3A_127 = arith.constant 0 : index
    %swap3A_128 = arith.constant 0 : index
    %swap3A_129 = vector.load %arg10[%swap3A_127, %swap3A_128] : memref<2x32xf32, #tpu.memory_space<vmem>>, vector<1x32xf32>
    tpu.vector_store %arg10[%swap3A_127, %swap3A_128], %max3A_116 {strides = array<i32>} : memref<2x32xf32, #tpu.memory_space<vmem>>, vector<1x32xf32>,
    %swap3A_130 = arith.constant 1 : index
    %swap3A_131 = arith.constant 0 : index
    %swap3A_132 = vector.load %arg10[%swap3A_130, %swap3A_131] : memref<2x32xf32, #tpu.memory_space<vmem>>, vector<1x32xf32>
    tpu.vector_store %arg10[%swap3A_130, %swap3A_131], %mul3A_121 {strides = array<i32>} : memref<2x32xf32, #tpu.memory_space<vmem>>, vector<1x32xf32>,
    return
  }
}

module attributes {stable_mosaic.version = 14 : i64} {
  func.func @_final_kernel(%arg0: memref<5056x128xf32, #tpu.memory_space<vmem>>, %arg1: memref<2528x128xf32, #tpu.memory_space<vmem>>, %arg2: memref<2528x4xf32, #tpu.memory_space<vmem>>, %arg3: memref<128x128xf32, #tpu.memory_space<vmem>>, %arg4: memref<1x128xf32, #tpu.memory_space<vmem>>, %arg5: memref<128x128xf32, #tpu.memory_space<vmem>>, %arg6: memref<128x4xf32, #tpu.memory_space<vmem>>, %arg7: memref<4x128xf32, #tpu.memory_space<vmem>>, %arg8: memref<2x32xf32, #tpu.memory_space<vmem>>, %arg9: memref<2x32xf32, #tpu.memory_space<vmem>>, %arg10: memref<11x60x240xf32, #tpu.memory_space<vmem>>, %arg11: memref<11x240xf32, #tpu.memory_space<vmem>>, %arg12: memref<11x240x960xf32, #tpu.memory_space<vmem>>, %arg13: memref<11x960xf32, #tpu.memory_space<vmem>>, %arg14: memref<11x960x4xf32, #tpu.memory_space<vmem>>, %arg15: memref<11x4xf32, #tpu.memory_space<vmem>>, %arg16: memref<11x4xf32, #tpu.memory_space<vmem>>) attributes {dimension_semantics = [], scalar_prefetch = 0 : i64, scratch_operands = 0 : i64, tpu.core_type = #tpu.core_type<tc>} {
    %get3A = arith.constant 0 : index
    %get3A_0 = arith.constant 0 : index
    %get3A_1 = vector.load %arg0[%get3A, %get3A_0] : memref<5056x128xf32, #tpu.memory_space<vmem>>, vector<2528x128xf32>
    %get3A_2 = arith.constant 2528 : index
    %get3A_3 = arith.constant 0 : index
    %get3A_4 = vector.load %arg0[%get3A_2, %get3A_3] : memref<5056x128xf32, #tpu.memory_space<vmem>>, vector<2528x128xf32>
    %add3A = arith.addf %get3A_1, %get3A_4 : vector<2528x128xf32>
    %get3A_5 = arith.constant 0 : index
    %get3A_6 = arith.constant 0 : index
    %get3A_7 = vector.load %arg3[%get3A_5, %get3A_6] : memref<128x128xf32, #tpu.memory_space<vmem>>, vector<128x128xf32>
    %dot_general3A = arith.constant dense<0.000000e+00> : vector<2528x128xf32>
    %dot_general3A_8 = tpu.matmul %add3A, %get3A_7, %dot_general3A {dimension_numbers = #tpu.dot_dimension_numbers<[1], [0], [0], [1], [0, 0, 1, 1], [], []>, transpose_lhs_hint = false} : vector<2528x128xf32>, vector<128x128xf32>, vector<2528x128xf32> -> vector<2528x128xf32>
    %get3A_9 = arith.constant 0 : index
    %get3A_10 = arith.constant 0 : index
    %get3A_11 = vector.load %arg4[%get3A_9, %get3A_10] : memref<1x128xf32, #tpu.memory_space<vmem>>, vector<1x128xf32>
    %add3A_12 = vector.broadcast %get3A_11 : vector<1x128xf32> to vector<2528x128xf32>
    %add3A_13 = arith.addf %dot_general3A_8, %add3A_12 : vector<2528x128xf32>
    %get3A_14 = arith.constant 0 : index
    %get3A_15 = arith.constant 0 : index
    %get3A_16 = vector.load %arg1[%get3A_14, %get3A_15] : memref<2528x128xf32, #tpu.memory_space<vmem>>, vector<2528x128xf32>
    %get3A_17 = arith.constant 0 : index
    %get3A_18 = arith.constant 0 : index
    %get3A_19 = vector.load %arg5[%get3A_17, %get3A_18] : memref<128x128xf32, #tpu.memory_space<vmem>>, vector<128x128xf32>
    %dot_general3A_20 = arith.constant dense<0.000000e+00> : vector<2528x128xf32>
    %dot_general3A_21 = tpu.matmul %get3A_16, %get3A_19, %dot_general3A_20 {dimension_numbers = #tpu.dot_dimension_numbers<[1], [0], [0], [1], [0, 0, 1, 1], [], []>, transpose_lhs_hint = false} : vector<2528x128xf32>, vector<128x128xf32>, vector<2528x128xf32> -> vector<2528x128xf32>
    %add3A_22 = arith.addf %add3A_13, %dot_general3A_21 : vector<2528x128xf32>
    %max3A = arith.constant 0.000000e+00 : f32
    %max3A_23 = vector.broadcast %max3A : f32 to vector<2528x128xf32>
    %max3A_24 = arith.maximumf %add3A_22, %max3A_23 : vector<2528x128xf32>
    %get3A_25 = arith.constant 0 : index
    %get3A_26 = arith.constant 0 : index
    %get3A_27 = vector.load %arg6[%get3A_25, %get3A_26] : memref<128x4xf32, #tpu.memory_space<vmem>>, vector<128x4xf32>
    %mul3A = arith.mulf %get3A_27, %get3A_27 : vector<128x4xf32>
    %reduce_sum3A = vector.shape_cast %mul3A : vector<128x4xf32> to vector<1x128x4xf32>
    %reduce_sum3A_28 = arith.constant dense<0.000000e+00> : vector<1xf32>
    %reduce_sum3A_29 = vector.multi_reduction <add>, %reduce_sum3A, %reduce_sum3A_28 [1, 2] : vector<1x128x4xf32> to vector<1xf32>
    %reduce_sum3A_30 = vector.shape_cast %reduce_sum3A_29 : vector<1xf32> to vector<1x1x1xf32>
    %reduce_sum3A_31 = vector.extract %reduce_sum3A_30[0, 0, 0] : f32 from vector<1x1x1xf32>
    %mul3A_32 = arith.constant 2.500000e-01 : f32
    %mul3A_33 = arith.mulf %reduce_sum3A_31, %mul3A_32 : f32
    %sqrt3A = math.sqrt %mul3A_33 : f32
    %get3A_34 = arith.constant 0 : index
    %get3A_35 = arith.constant 0 : index
    %get3A_36 = vector.load %arg6[%get3A_34, %get3A_35] : memref<128x4xf32, #tpu.memory_space<vmem>>, vector<128x4xf32>
    %dot_general3A_37 = arith.constant dense<0.000000e+00> : vector<2528x4xf32>
    %dot_general3A_38 = tpu.matmul %max3A_24, %get3A_36, %dot_general3A_37 {dimension_numbers = #tpu.dot_dimension_numbers<[1], [0], [0], [1], [0, 0, 1, 1], [], []>, transpose_lhs_hint = false} : vector<2528x128xf32>, vector<128x4xf32>, vector<2528x4xf32> -> vector<2528x4xf32>
    %add3A_39 = arith.constant 1.000000e-16 : f32
    %add3A_40 = arith.addf %sqrt3A, %add3A_39 : f32
    %div3A = vector.broadcast %add3A_40 : f32 to vector<2528x4xf32>
    %div3A_41 = arith.divf %dot_general3A_38, %div3A : vector<2528x4xf32>
    %tanh3A = math.tanh %div3A_41 : vector<2528x4xf32>
    %get3A_42 = arith.constant 0 : index
    %get3A_43 = arith.constant 0 : index
    %get3A_44 = vector.load %arg2[%get3A_42, %get3A_43] : memref<2528x4xf32, #tpu.memory_space<vmem>>, vector<2528x4xf32>
    %gt3A = arith.constant 5.000000e-01 : f32
    %gt3A_45 = vector.broadcast %gt3A : f32 to vector<2528x4xf32>
    %gt3A_46 = arith.cmpf ogt, %get3A_44, %gt3A_45 : vector<2528x4xf32>
    %jit3A = arith.constant -3.000000e+38 : f32
    %broadcast_in_dim3A = vector.broadcast %jit3A : f32 to vector<2528x4xf32>
    %select_n3A = arith.select %gt3A_46, %div3A_41, %broadcast_in_dim3A : vector<2528x4xi1>, vector<2528x4xf32>
    %bitcast_convert_type3A = tpu.bitcast %select_n3A : vector<2528x4xf32> -> vector<2528x4xi32>
    %ge3A = arith.constant 0 : i32
    %ge3A_47 = vector.broadcast %ge3A : i32 to vector<2528x4xi32>
    %ge3A_48 = arith.cmpi sge, %bitcast_convert_type3A, %ge3A_47 : vector<2528x4xi32>
    %xor3A = arith.constant 2147483647 : i32
    %xor3A_49 = vector.broadcast %xor3A : i32 to vector<2528x4xi32>
    %xor3A_50 = arith.xori %bitcast_convert_type3A, %xor3A_49 : vector<2528x4xi32>
    %select_n3A_51 = arith.select %ge3A_48, %bitcast_convert_type3A, %xor3A_50 : vector<2528x4xi1>, vector<2528x4xi32>
    %scan3A = arith.constant -2147483648 : i32
    %scan3A_52 = arith.constant 2147483647 : i32
    %scan3A_53 = arith.constant 0 : i32
    %scan3A_54 = arith.constant 32 : i32
    %scan3A_55 = arith.addi %scan3A_53, %scan3A_54 : i32
    %scan3A_56 = arith.constant 1 : i32
    %scan3A_57:2 = scf.for %scan3A_604 = %scan3A_53 to %scan3A_55 step %scan3A_56 iter_args(%scan3A_605 = %scan3A, %scan3A_606 = %scan3A_52) -> (i32, i32)  : i32 {
      %shift_right_arithmetic3A = arith.constant 1 : i32
      %shift_right_arithmetic3A_607 = arith.shrsi %scan3A_605, %shift_right_arithmetic3A : i32
      %shift_right_arithmetic3A_608 = arith.constant 1 : i32
      %shift_right_arithmetic3A_609 = arith.shrsi %scan3A_606, %shift_right_arithmetic3A_608 : i32
      %add3A_610 = arith.addi %shift_right_arithmetic3A_607, %shift_right_arithmetic3A_609 : i32
      %and3A_611 = arith.andi %scan3A_605, %scan3A_606 : i32
      %and3A_612 = arith.constant 1 : i32
      %and3A_613 = arith.andi %and3A_611, %and3A_612 : i32
      %add3A_614 = arith.addi %add3A_610, %and3A_613 : i32
      %ge3A_615 = vector.broadcast %add3A_614 : i32 to vector<2528x4xi32>
      %ge3A_616 = arith.cmpi sge, %select_n3A_51, %ge3A_615 : vector<2528x4xi32>
      %convert_element_type3A_617 = arith.extui %ge3A_616 : vector<2528x4xi1> to vector<2528x4xi32>
      %reduce_sum3A_618 = vector.shape_cast %convert_element_type3A_617 : vector<2528x4xi32> to vector<1x2528x4xi32>
      %reduce_sum3A_619 = arith.constant dense<0> : vector<1xi32>
      %reduce_sum3A_620 = vector.multi_reduction <add>, %reduce_sum3A_618, %reduce_sum3A_619 [1, 2] : vector<1x2528x4xi32> to vector<1xi32>
      %reduce_sum3A_621 = vector.shape_cast %reduce_sum3A_620 : vector<1xi32> to vector<1x1x1xi32>
      %reduce_sum3A_622 = vector.extract %reduce_sum3A_621[0, 0, 0] : i32 from vector<1x1x1xi32>
      %ge3A_623 = arith.constant 7290 : i32
      %ge3A_624 = arith.cmpi sge, %reduce_sum3A_622, %ge3A_623 : i32
      %select_n3A_625 = arith.select %ge3A_624, %add3A_614, %scan3A_605 : i32
      %ge3A_626 = arith.constant 7290 : i32
      %ge3A_627 = arith.cmpi sge, %reduce_sum3A_622, %ge3A_626 : i32
      %select_n3A_628 = arith.select %ge3A_627, %scan3A_606, %add3A_614 : i32
      scf.yield %select_n3A_625, %select_n3A_628 : i32, i32
    }
    %gt3A_58 = vector.broadcast %scan3A_57#0 : i32 to vector<2528x4xi32>
    %gt3A_59 = arith.cmpi sgt, %select_n3A_51, %gt3A_58 : vector<2528x4xi32>
    %convert_element_type3A = arith.extui %gt3A_59 : vector<2528x4xi1> to vector<2528x4xi32>
    %reduce_sum3A_60 = vector.shape_cast %convert_element_type3A : vector<2528x4xi32> to vector<1x2528x4xi32>
    %reduce_sum3A_61 = arith.constant dense<0> : vector<1xi32>
    %reduce_sum3A_62 = vector.multi_reduction <add>, %reduce_sum3A_60, %reduce_sum3A_61 [1, 2] : vector<1x2528x4xi32> to vector<1xi32>
    %reduce_sum3A_63 = vector.shape_cast %reduce_sum3A_62 : vector<1xi32> to vector<1x1x1xi32>
    %reduce_sum3A_64 = vector.extract %reduce_sum3A_63[0, 0, 0] : i32 from vector<1x1x1xi32>
    %eq3A = vector.broadcast %scan3A_57#0 : i32 to vector<2528x4xi32>
    %eq3A_65 = arith.cmpi eq, %select_n3A_51, %eq3A : vector<2528x4xi32>
    %iota3A = tpu.iota {dimensions = array<i32: 0>} : vector<2528x4xi32>
    %mul3A_66 = arith.constant 4 : i32
    %mul3A_67 = vector.broadcast %mul3A_66 : i32 to vector<2528x4xi32>
    %mul3A_68 = arith.muli %iota3A, %mul3A_67 : vector<2528x4xi32>
    %iota3A_69 = tpu.iota {dimensions = array<i32: 1>} : vector<2528x4xi32>
    %add3A_70 = arith.addi %mul3A_68, %iota3A_69 : vector<2528x4xi32>
    %scan3A_71 = arith.constant -1 : i32
    %scan3A_72 = arith.constant 16384 : i32
    %scan3A_73 = arith.constant 0 : i32
    %scan3A_74 = arith.constant 15 : i32
    %scan3A_75 = arith.addi %scan3A_73, %scan3A_74 : i32
    %scan3A_76 = arith.constant 1 : i32
    %scan3A_77:2 = scf.for %scan3A_604 = %scan3A_73 to %scan3A_75 step %scan3A_76 iter_args(%scan3A_605 = %scan3A_71, %scan3A_606 = %scan3A_72) -> (i32, i32)  : i32 {
      %sub3A = arith.subi %scan3A_606, %scan3A_605 : i32
      %jit3A_607 = arith.constant 2 : i32
      %div3A_608 = arith.divsi %sub3A, %jit3A_607 : i32
      %sign3A = arith.constant 0 : i32
      %sign3A_609 = arith.cmpi sgt, %sub3A, %sign3A : i32
      %sign3A_610 = arith.extui %sign3A_609 : i1 to i32
      %sign3A_611 = arith.constant 0 : i32
      %sign3A_612 = arith.cmpi slt, %sub3A, %sign3A_611 : i32
      %sign3A_613 = arith.extui %sign3A_612 : i1 to i32
      %sign3A_614 = arith.subi %sign3A_610, %sign3A_613 : i32
      %sign3A_615 = arith.constant 0 : i32
      %sign3A_616 = arith.cmpi sgt, %jit3A_607, %sign3A_615 : i32
      %sign3A_617 = arith.extui %sign3A_616 : i1 to i32
      %sign3A_618 = arith.constant 0 : i32
      %sign3A_619 = arith.cmpi slt, %jit3A_607, %sign3A_618 : i32
      %sign3A_620 = arith.extui %sign3A_619 : i1 to i32
      %sign3A_621 = arith.subi %sign3A_617, %sign3A_620 : i32
      %ne3A = arith.cmpi ne, %sign3A_614, %sign3A_621 : i32
      %rem3A = arith.remsi %sub3A, %jit3A_607 : i32
      %ne3A_622 = arith.constant 0 : i32
      %ne3A_623 = arith.cmpi ne, %rem3A, %ne3A_622 : i32
      %and3A_624 = arith.andi %ne3A, %ne3A_623 : i1
      %sub3A_625 = arith.constant 1 : i32
      %sub3A_626 = arith.subi %div3A_608, %sub3A_625 : i32
      %select_n3A_627 = arith.select %and3A_624, %sub3A_626, %div3A_608 : i32
      %add3A_628 = arith.addi %scan3A_605, %select_n3A_627 : i32
      %lt3A_629 = vector.broadcast %add3A_628 : i32 to vector<2528x4xi32>
      %lt3A_630 = arith.cmpi slt, %add3A_70, %lt3A_629 : vector<2528x4xi32>
      %and3A_631 = arith.andi %eq3A_65, %lt3A_630 : vector<2528x4xi1>
      %convert_element_type3A_632 = arith.extui %and3A_631 : vector<2528x4xi1> to vector<2528x4xi32>
      %reduce_sum3A_633 = vector.shape_cast %convert_element_type3A_632 : vector<2528x4xi32> to vector<1x2528x4xi32>
      %reduce_sum3A_634 = arith.constant dense<0> : vector<1xi32>
      %reduce_sum3A_635 = vector.multi_reduction <add>, %reduce_sum3A_633, %reduce_sum3A_634 [1, 2] : vector<1x2528x4xi32> to vector<1xi32>
      %reduce_sum3A_636 = vector.shape_cast %reduce_sum3A_635 : vector<1xi32> to vector<1x1x1xi32>
      %reduce_sum3A_637 = vector.extract %reduce_sum3A_636[0, 0, 0] : i32 from vector<1x1x1xi32>
      %add3A_638 = arith.addi %reduce_sum3A_64, %reduce_sum3A_637 : i32
      %ge3A_639 = arith.constant 7290 : i32
      %ge3A_640 = arith.cmpi sge, %add3A_638, %ge3A_639 : i32
      %select_n3A_641 = arith.select %ge3A_640, %scan3A_605, %add3A_628 : i32
      %ge3A_642 = arith.constant 7290 : i32
      %ge3A_643 = arith.cmpi sge, %add3A_638, %ge3A_642 : i32
      %select_n3A_644 = arith.select %ge3A_643, %add3A_628, %scan3A_606 : i32
      scf.yield %select_n3A_641, %select_n3A_644 : i32, i32
    }
    %gt3A_78 = vector.broadcast %scan3A_57#0 : i32 to vector<2528x4xi32>
    %gt3A_79 = arith.cmpi sgt, %select_n3A_51, %gt3A_78 : vector<2528x4xi32>
    %lt3A = vector.broadcast %scan3A_77#1 : i32 to vector<2528x4xi32>
    %lt3A_80 = arith.cmpi slt, %add3A_70, %lt3A : vector<2528x4xi32>
    %and3A = arith.andi %eq3A_65, %lt3A_80 : vector<2528x4xi1>
    %or3A = arith.ori %gt3A_79, %and3A : vector<2528x4xi1>
    %convert_element_type3A_81 = arith.extui %or3A : vector<2528x4xi1> to vector<2528x4xi32>
    %convert_element_type3A_82 = arith.sitofp %convert_element_type3A_81 : vector<2528x4xi32> to vector<2528x4xf32>
    %get3A_83 = arith.constant 0 : index
    %get3A_84 = arith.constant 0 : index
    %get3A_85 = vector.load %arg7[%get3A_83, %get3A_84] : memref<4x128xf32, #tpu.memory_space<vmem>>, vector<4x128xf32>
    %dot_general3A_86 = arith.constant dense<0.000000e+00> : vector<2528x128xf32>
    %dot_general3A_87 = tpu.matmul %tanh3A, %get3A_85, %dot_general3A_86 {dimension_numbers = #tpu.dot_dimension_numbers<[1], [0], [0], [1], [0, 0, 1, 1], [], []>, precision = #tpu.contract_precision<fp32>, transpose_lhs_hint = false} : vector<2528x4xf32>, vector<4x128xf32>, vector<2528x128xf32> -> vector<2528x128xf32>
    %get3A_88 = arith.constant 0 : index
    %get3A_89 = arith.constant 0 : index
    %get3A_90 = vector.load %arg7[%get3A_88, %get3A_89] : memref<4x128xf32, #tpu.memory_space<vmem>>, vector<4x128xf32>
    %dot_general3A_91 = arith.constant dense<0.000000e+00> : vector<2528x128xf32>
    %dot_general3A_92 = tpu.matmul %convert_element_type3A_82, %get3A_90, %dot_general3A_91 {dimension_numbers = #tpu.dot_dimension_numbers<[1], [0], [0], [1], [0, 0, 1, 1], [], []>, precision = #tpu.contract_precision<fp32>, transpose_lhs_hint = false} : vector<2528x4xf32>, vector<4x128xf32>, vector<2528x128xf32> -> vector<2528x128xf32>
    %mul3A_93 = arith.mulf %max3A_24, %dot_general3A_87 : vector<2528x128xf32>
    %mul3A_94 = arith.mulf %mul3A_93, %dot_general3A_92 : vector<2528x128xf32>
    %gt3A_95 = arith.constant 5.000000e-01 : f32
    %gt3A_96 = vector.broadcast %gt3A_95 : f32 to vector<2528x128xf32>
    %gt3A_97 = arith.cmpf ogt, %dot_general3A_92, %gt3A_96 : vector<2528x128xf32>
    %jit3A_98 = arith.constant -3.000000e+38 : f32
    %broadcast_in_dim3A_99 = vector.broadcast %jit3A_98 : f32 to vector<2528x128xf32>
    %select_n3A_100 = arith.select %gt3A_97, %mul3A_94, %broadcast_in_dim3A_99 : vector<2528x128xi1>, vector<2528x128xf32>
    %reduce_max3A = arith.constant dense<0xFF800000> : vector<128xf32>
    %reduce_max3A_101 = vector.multi_reduction <maximumf>, %select_n3A_100, %reduce_max3A [0] : vector<2528x128xf32> to vector<128xf32>
    %broadcast_in_dim3A_102 = vector.shape_cast %reduce_max3A_101 : vector<128xf32> to vector<1x128xf32>
    %reduce_sum3A_103 = arith.constant dense<0.000000e+00> : vector<128xf32>
    %reduce_sum3A_104 = vector.multi_reduction <add>, %mul3A_94, %reduce_sum3A_103 [0] : vector<2528x128xf32> to vector<128xf32>
    %broadcast_in_dim3A_105 = vector.shape_cast %reduce_sum3A_104 : vector<128xf32> to vector<1x128xf32>
    %slice3A = vector.extract_strided_slice %broadcast_in_dim3A_102 {offsets = [0, 0], sizes = [1, 32], strides = [1, 1]} : vector<1x128xf32> to vector<1x32xf32>
    %slice3A_106 = vector.extract_strided_slice %broadcast_in_dim3A_105 {offsets = [0, 0], sizes = [1, 32], strides = [1, 1]} : vector<1x128xf32> to vector<1x32xf32>
    %slice3A_107 = vector.extract_strided_slice %broadcast_in_dim3A_102 {offsets = [0, 32], sizes = [1, 32], strides = [1, 1]} : vector<1x128xf32> to vector<1x32xf32>
    %max3A_108 = arith.maximumf %slice3A, %slice3A_107 : vector<1x32xf32>
    %slice3A_109 = vector.extract_strided_slice %broadcast_in_dim3A_105 {offsets = [0, 32], sizes = [1, 32], strides = [1, 1]} : vector<1x128xf32> to vector<1x32xf32>
    %add3A_110 = arith.addf %slice3A_106, %slice3A_109 : vector<1x32xf32>
    %slice3A_111 = vector.extract_strided_slice %broadcast_in_dim3A_102 {offsets = [0, 64], sizes = [1, 32], strides = [1, 1]} : vector<1x128xf32> to vector<1x32xf32>
    %max3A_112 = arith.maximumf %max3A_108, %slice3A_111 : vector<1x32xf32>
    %slice3A_113 = vector.extract_strided_slice %broadcast_in_dim3A_105 {offsets = [0, 64], sizes = [1, 32], strides = [1, 1]} : vector<1x128xf32> to vector<1x32xf32>
    %add3A_114 = arith.addf %add3A_110, %slice3A_113 : vector<1x32xf32>
    %slice3A_115 = vector.extract_strided_slice %broadcast_in_dim3A_102 {offsets = [0, 96], sizes = [1, 32], strides = [1, 1]} : vector<1x128xf32> to vector<1x32xf32>
    %max3A_116 = arith.maximumf %max3A_112, %slice3A_115 : vector<1x32xf32>
    %slice3A_117 = vector.extract_strided_slice %broadcast_in_dim3A_105 {offsets = [0, 96], sizes = [1, 32], strides = [1, 1]} : vector<1x128xf32> to vector<1x32xf32>
    %add3A_118 = arith.addf %add3A_114, %slice3A_117 : vector<1x32xf32>
    %mul3A_119 = arith.constant 1.37174211E-4 : f32
    %mul3A_120 = vector.broadcast %mul3A_119 : f32 to vector<1x32xf32>
    %mul3A_121 = arith.mulf %add3A_118, %mul3A_120 : vector<1x32xf32>
    %slice3A_122 = vector.extract_strided_slice %max3A_116 {offsets = [0, 0], sizes = [1, 30], strides = [1, 1]} : vector<1x32xf32> to vector<1x30xf32>
    %slice3A_123 = vector.extract_strided_slice %mul3A_121 {offsets = [0, 0], sizes = [1, 30], strides = [1, 1]} : vector<1x32xf32> to vector<1x30xf32>
    %concatenate3A = tpu.concatenate %slice3A_122, %slice3A_123 in 1 : vector<1x30xf32>, vector<1x30xf32> -> vector<1x60xf32>
    %get3A_124 = arith.constant 0 : index
    %get3A_125 = arith.constant 0 : index
    %get3A_126 = vector.load %arg8[%get3A_124, %get3A_125] : memref<2x32xf32, #tpu.memory_space<vmem>>, vector<1x30xf32>
    %get3A_127 = arith.constant 1 : index
    %get3A_128 = arith.constant 0 : index
    %get3A_129 = vector.load %arg8[%get3A_127, %get3A_128] : memref<2x32xf32, #tpu.memory_space<vmem>>, vector<1x30xf32>
    %concatenate3A_130 = tpu.concatenate %get3A_126, %get3A_129 in 1 : vector<1x30xf32>, vector<1x30xf32> -> vector<1x60xf32>
    %get3A_131 = arith.constant 0 : index
    %get3A_132 = arith.constant 0 : index
    %get3A_133 = vector.load %arg9[%get3A_131, %get3A_132] : memref<2x32xf32, #tpu.memory_space<vmem>>, vector<1x30xf32>
    %get3A_134 = arith.constant 1 : index
    %get3A_135 = arith.constant 0 : index
    %get3A_136 = vector.load %arg9[%get3A_134, %get3A_135] : memref<2x32xf32, #tpu.memory_space<vmem>>, vector<1x30xf32>
    %concatenate3A_137 = tpu.concatenate %get3A_133, %get3A_136 in 1 : vector<1x30xf32>, vector<1x30xf32> -> vector<1x60xf32>
    %add3A_138 = arith.addf %concatenate3A_130, %concatenate3A_137 : vector<1x60xf32>
    %add3A_139 = arith.addf %add3A_138, %concatenate3A : vector<1x60xf32>
    %max3A_140 = arith.constant 0.000000e+00 : f32
    %max3A_141 = vector.broadcast %max3A_140 : f32 to vector<1x60xf32>
    %max3A_142 = arith.maximumf %add3A_139, %max3A_141 : vector<1x60xf32>
    %get3A_143 = arith.constant 0 : index
    %get3A_144 = arith.constant 0 : index
    %get3A_145 = arith.constant 0 : index
    %get3A_146 = vector.load %arg10[%get3A_143, %get3A_144, %get3A_145] : memref<11x60x240xf32, #tpu.memory_space<vmem>>, vector<1x60x240xf32>
    %get3A_147 = vector.shape_cast %get3A_146 : vector<1x60x240xf32> to vector<60x240xf32>
    %dot_general3A_148 = arith.constant dense<0.000000e+00> : vector<1x240xf32>
    %dot_general3A_149 = tpu.matmul %max3A_142, %get3A_147, %dot_general3A_148 {dimension_numbers = #tpu.dot_dimension_numbers<[1], [0], [0], [1], [0, 0, 1, 1], [], []>, transpose_lhs_hint = false} : vector<1x60xf32>, vector<60x240xf32>, vector<1x240xf32> -> vector<1x240xf32>
    %get3A_150 = arith.constant 0 : index
    %get3A_151 = arith.constant 0 : index
    %get3A_152 = vector.load %arg11[%get3A_150, %get3A_151] : memref<11x240xf32, #tpu.memory_space<vmem>>, vector<1x240xf32>
    %add3A_153 = arith.addf %dot_general3A_149, %get3A_152 : vector<1x240xf32>
    %max3A_154 = arith.constant 0.000000e+00 : f32
    %max3A_155 = vector.broadcast %max3A_154 : f32 to vector<1x240xf32>
    %max3A_156 = arith.maximumf %add3A_153, %max3A_155 : vector<1x240xf32>
    %get3A_157 = arith.constant 0 : index
    %get3A_158 = arith.constant 0 : index
    %get3A_159 = arith.constant 0 : index
    %get3A_160 = vector.load %arg12[%get3A_157, %get3A_158, %get3A_159] : memref<11x240x960xf32, #tpu.memory_space<vmem>>, vector<1x240x960xf32>
    %get3A_161 = vector.shape_cast %get3A_160 : vector<1x240x960xf32> to vector<240x960xf32>
    %dot_general3A_162 = arith.constant dense<0.000000e+00> : vector<1x960xf32>
    %dot_general3A_163 = tpu.matmul %max3A_156, %get3A_161, %dot_general3A_162 {dimension_numbers = #tpu.dot_dimension_numbers<[1], [0], [0], [1], [0, 0, 1, 1], [], []>, transpose_lhs_hint = false} : vector<1x240xf32>, vector<240x960xf32>, vector<1x960xf32> -> vector<1x960xf32>
    %get3A_164 = arith.constant 0 : index
    %get3A_165 = arith.constant 0 : index
    %get3A_166 = vector.load %arg13[%get3A_164, %get3A_165] : memref<11x960xf32, #tpu.memory_space<vmem>>, vector<1x960xf32>
    %add3A_167 = arith.addf %dot_general3A_163, %get3A_166 : vector<1x960xf32>
    %max3A_168 = arith.constant 0.000000e+00 : f32
    %max3A_169 = vector.broadcast %max3A_168 : f32 to vector<1x960xf32>
    %max3A_170 = arith.maximumf %add3A_167, %max3A_169 : vector<1x960xf32>
    %get3A_171 = arith.constant 0 : index
    %get3A_172 = arith.constant 0 : index
    %get3A_173 = arith.constant 0 : index
    %get3A_174 = vector.load %arg14[%get3A_171, %get3A_172, %get3A_173] : memref<11x960x4xf32, #tpu.memory_space<vmem>>, vector<1x960x4xf32>
    %get3A_175 = vector.shape_cast %get3A_174 : vector<1x960x4xf32> to vector<960x4xf32>
    %dot_general3A_176 = arith.constant dense<0.000000e+00> : vector<1x4xf32>
    %dot_general3A_177 = tpu.matmul %max3A_170, %get3A_175, %dot_general3A_176 {dimension_numbers = #tpu.dot_dimension_numbers<[1], [0], [0], [1], [0, 0, 1, 1], [], []>, transpose_lhs_hint = false} : vector<1x960xf32>, vector<960x4xf32>, vector<1x4xf32> -> vector<1x4xf32>
    %get3A_178 = arith.constant 0 : index
    %get3A_179 = arith.constant 0 : index
    %get3A_180 = vector.load %arg15[%get3A_178, %get3A_179] : memref<11x4xf32, #tpu.memory_space<vmem>>, vector<1x4xf32>
    %add3A_181 = arith.addf %dot_general3A_177, %get3A_180 : vector<1x4xf32>
    %swap3A = arith.constant 0 : index
    %swap3A_182 = arith.constant 0 : index
    %swap3A_183 = vector.load %arg16[%swap3A, %swap3A_182] : memref<11x4xf32, #tpu.memory_space<vmem>>, vector<1x4xf32>
    tpu.vector_store %arg16[%swap3A, %swap3A_182], %add3A_181 {strides = array<i32>} : memref<11x4xf32, #tpu.memory_space<vmem>>, vector<1x4xf32>,
    %get3A_184 = arith.constant 1 : index
    %get3A_185 = arith.constant 0 : index
    %get3A_186 = arith.constant 0 : index
    %get3A_187 = vector.load %arg10[%get3A_184, %get3A_185, %get3A_186] : memref<11x60x240xf32, #tpu.memory_space<vmem>>, vector<1x60x240xf32>
    %get3A_188 = vector.shape_cast %get3A_187 : vector<1x60x240xf32> to vector<60x240xf32>
    %dot_general3A_189 = arith.constant dense<0.000000e+00> : vector<1x240xf32>
    %dot_general3A_190 = tpu.matmul %max3A_142, %get3A_188, %dot_general3A_189 {dimension_numbers = #tpu.dot_dimension_numbers<[1], [0], [0], [1], [0, 0, 1, 1], [], []>, transpose_lhs_hint = false} : vector<1x60xf32>, vector<60x240xf32>, vector<1x240xf32> -> vector<1x240xf32>
    %get3A_191 = arith.constant 1 : index
    %get3A_192 = arith.constant 0 : index
    %get3A_193 = vector.load %arg11[%get3A_191, %get3A_192] : memref<11x240xf32, #tpu.memory_space<vmem>>, vector<1x240xf32>
    %add3A_194 = arith.addf %dot_general3A_190, %get3A_193 : vector<1x240xf32>
    %max3A_195 = arith.constant 0.000000e+00 : f32
    %max3A_196 = vector.broadcast %max3A_195 : f32 to vector<1x240xf32>
    %max3A_197 = arith.maximumf %add3A_194, %max3A_196 : vector<1x240xf32>
    %get3A_198 = arith.constant 1 : index
    %get3A_199 = arith.constant 0 : index
    %get3A_200 = arith.constant 0 : index
    %get3A_201 = vector.load %arg12[%get3A_198, %get3A_199, %get3A_200] : memref<11x240x960xf32, #tpu.memory_space<vmem>>, vector<1x240x960xf32>
    %get3A_202 = vector.shape_cast %get3A_201 : vector<1x240x960xf32> to vector<240x960xf32>
    %dot_general3A_203 = arith.constant dense<0.000000e+00> : vector<1x960xf32>
    %dot_general3A_204 = tpu.matmul %max3A_197, %get3A_202, %dot_general3A_203 {dimension_numbers = #tpu.dot_dimension_numbers<[1], [0], [0], [1], [0, 0, 1, 1], [], []>, transpose_lhs_hint = false} : vector<1x240xf32>, vector<240x960xf32>, vector<1x960xf32> -> vector<1x960xf32>
    %get3A_205 = arith.constant 1 : index
    %get3A_206 = arith.constant 0 : index
    %get3A_207 = vector.load %arg13[%get3A_205, %get3A_206] : memref<11x960xf32, #tpu.memory_space<vmem>>, vector<1x960xf32>
    %add3A_208 = arith.addf %dot_general3A_204, %get3A_207 : vector<1x960xf32>
    %max3A_209 = arith.constant 0.000000e+00 : f32
    %max3A_210 = vector.broadcast %max3A_209 : f32 to vector<1x960xf32>
    %max3A_211 = arith.maximumf %add3A_208, %max3A_210 : vector<1x960xf32>
    %get3A_212 = arith.constant 1 : index
    %get3A_213 = arith.constant 0 : index
    %get3A_214 = arith.constant 0 : index
    %get3A_215 = vector.load %arg14[%get3A_212, %get3A_213, %get3A_214] : memref<11x960x4xf32, #tpu.memory_space<vmem>>, vector<1x960x4xf32>
    %get3A_216 = vector.shape_cast %get3A_215 : vector<1x960x4xf32> to vector<960x4xf32>
    %dot_general3A_217 = arith.constant dense<0.000000e+00> : vector<1x4xf32>
    %dot_general3A_218 = tpu.matmul %max3A_211, %get3A_216, %dot_general3A_217 {dimension_numbers = #tpu.dot_dimension_numbers<[1], [0], [0], [1], [0, 0, 1, 1], [], []>, transpose_lhs_hint = false} : vector<1x960xf32>, vector<960x4xf32>, vector<1x4xf32> -> vector<1x4xf32>
    %get3A_219 = arith.constant 1 : index
    %get3A_220 = arith.constant 0 : index
    %get3A_221 = vector.load %arg15[%get3A_219, %get3A_220] : memref<11x4xf32, #tpu.memory_space<vmem>>, vector<1x4xf32>
    %add3A_222 = arith.addf %dot_general3A_218, %get3A_221 : vector<1x4xf32>
    %swap3A_223 = arith.constant 1 : index
    %swap3A_224 = arith.constant 0 : index
    %swap3A_225 = vector.load %arg16[%swap3A_223, %swap3A_224] : memref<11x4xf32, #tpu.memory_space<vmem>>, vector<1x4xf32>
    tpu.vector_store %arg16[%swap3A_223, %swap3A_224], %add3A_222 {strides = array<i32>} : memref<11x4xf32, #tpu.memory_space<vmem>>, vector<1x4xf32>,
    %get3A_226 = arith.constant 2 : index
    %get3A_227 = arith.constant 0 : index
    %get3A_228 = arith.constant 0 : index
    %get3A_229 = vector.load %arg10[%get3A_226, %get3A_227, %get3A_228] : memref<11x60x240xf32, #tpu.memory_space<vmem>>, vector<1x60x240xf32>
    %get3A_230 = vector.shape_cast %get3A_229 : vector<1x60x240xf32> to vector<60x240xf32>
    %dot_general3A_231 = arith.constant dense<0.000000e+00> : vector<1x240xf32>
    %dot_general3A_232 = tpu.matmul %max3A_142, %get3A_230, %dot_general3A_231 {dimension_numbers = #tpu.dot_dimension_numbers<[1], [0], [0], [1], [0, 0, 1, 1], [], []>, transpose_lhs_hint = false} : vector<1x60xf32>, vector<60x240xf32>, vector<1x240xf32> -> vector<1x240xf32>
    %get3A_233 = arith.constant 2 : index
    %get3A_234 = arith.constant 0 : index
    %get3A_235 = vector.load %arg11[%get3A_233, %get3A_234] : memref<11x240xf32, #tpu.memory_space<vmem>>, vector<1x240xf32>
    %add3A_236 = arith.addf %dot_general3A_232, %get3A_235 : vector<1x240xf32>
    %max3A_237 = arith.constant 0.000000e+00 : f32
    %max3A_238 = vector.broadcast %max3A_237 : f32 to vector<1x240xf32>
    %max3A_239 = arith.maximumf %add3A_236, %max3A_238 : vector<1x240xf32>
    %get3A_240 = arith.constant 2 : index
    %get3A_241 = arith.constant 0 : index
    %get3A_242 = arith.constant 0 : index
    %get3A_243 = vector.load %arg12[%get3A_240, %get3A_241, %get3A_242] : memref<11x240x960xf32, #tpu.memory_space<vmem>>, vector<1x240x960xf32>
    %get3A_244 = vector.shape_cast %get3A_243 : vector<1x240x960xf32> to vector<240x960xf32>
    %dot_general3A_245 = arith.constant dense<0.000000e+00> : vector<1x960xf32>
    %dot_general3A_246 = tpu.matmul %max3A_239, %get3A_244, %dot_general3A_245 {dimension_numbers = #tpu.dot_dimension_numbers<[1], [0], [0], [1], [0, 0, 1, 1], [], []>, transpose_lhs_hint = false} : vector<1x240xf32>, vector<240x960xf32>, vector<1x960xf32> -> vector<1x960xf32>
    %get3A_247 = arith.constant 2 : index
    %get3A_248 = arith.constant 0 : index
    %get3A_249 = vector.load %arg13[%get3A_247, %get3A_248] : memref<11x960xf32, #tpu.memory_space<vmem>>, vector<1x960xf32>
    %add3A_250 = arith.addf %dot_general3A_246, %get3A_249 : vector<1x960xf32>
    %max3A_251 = arith.constant 0.000000e+00 : f32
    %max3A_252 = vector.broadcast %max3A_251 : f32 to vector<1x960xf32>
    %max3A_253 = arith.maximumf %add3A_250, %max3A_252 : vector<1x960xf32>
    %get3A_254 = arith.constant 2 : index
    %get3A_255 = arith.constant 0 : index
    %get3A_256 = arith.constant 0 : index
    %get3A_257 = vector.load %arg14[%get3A_254, %get3A_255, %get3A_256] : memref<11x960x4xf32, #tpu.memory_space<vmem>>, vector<1x960x4xf32>
    %get3A_258 = vector.shape_cast %get3A_257 : vector<1x960x4xf32> to vector<960x4xf32>
    %dot_general3A_259 = arith.constant dense<0.000000e+00> : vector<1x4xf32>
    %dot_general3A_260 = tpu.matmul %max3A_253, %get3A_258, %dot_general3A_259 {dimension_numbers = #tpu.dot_dimension_numbers<[1], [0], [0], [1], [0, 0, 1, 1], [], []>, transpose_lhs_hint = false} : vector<1x960xf32>, vector<960x4xf32>, vector<1x4xf32> -> vector<1x4xf32>
    %get3A_261 = arith.constant 2 : index
    %get3A_262 = arith.constant 0 : index
    %get3A_263 = vector.load %arg15[%get3A_261, %get3A_262] : memref<11x4xf32, #tpu.memory_space<vmem>>, vector<1x4xf32>
    %add3A_264 = arith.addf %dot_general3A_260, %get3A_263 : vector<1x4xf32>
    %swap3A_265 = arith.constant 2 : index
    %swap3A_266 = arith.constant 0 : index
    %swap3A_267 = vector.load %arg16[%swap3A_265, %swap3A_266] : memref<11x4xf32, #tpu.memory_space<vmem>>, vector<1x4xf32>
    tpu.vector_store %arg16[%swap3A_265, %swap3A_266], %add3A_264 {strides = array<i32>} : memref<11x4xf32, #tpu.memory_space<vmem>>, vector<1x4xf32>,
    %get3A_268 = arith.constant 3 : index
    %get3A_269 = arith.constant 0 : index
    %get3A_270 = arith.constant 0 : index
    %get3A_271 = vector.load %arg10[%get3A_268, %get3A_269, %get3A_270] : memref<11x60x240xf32, #tpu.memory_space<vmem>>, vector<1x60x240xf32>
    %get3A_272 = vector.shape_cast %get3A_271 : vector<1x60x240xf32> to vector<60x240xf32>
    %dot_general3A_273 = arith.constant dense<0.000000e+00> : vector<1x240xf32>
    %dot_general3A_274 = tpu.matmul %max3A_142, %get3A_272, %dot_general3A_273 {dimension_numbers = #tpu.dot_dimension_numbers<[1], [0], [0], [1], [0, 0, 1, 1], [], []>, transpose_lhs_hint = false} : vector<1x60xf32>, vector<60x240xf32>, vector<1x240xf32> -> vector<1x240xf32>
    %get3A_275 = arith.constant 3 : index
    %get3A_276 = arith.constant 0 : index
    %get3A_277 = vector.load %arg11[%get3A_275, %get3A_276] : memref<11x240xf32, #tpu.memory_space<vmem>>, vector<1x240xf32>
    %add3A_278 = arith.addf %dot_general3A_274, %get3A_277 : vector<1x240xf32>
    %max3A_279 = arith.constant 0.000000e+00 : f32
    %max3A_280 = vector.broadcast %max3A_279 : f32 to vector<1x240xf32>
    %max3A_281 = arith.maximumf %add3A_278, %max3A_280 : vector<1x240xf32>
    %get3A_282 = arith.constant 3 : index
    %get3A_283 = arith.constant 0 : index
    %get3A_284 = arith.constant 0 : index
    %get3A_285 = vector.load %arg12[%get3A_282, %get3A_283, %get3A_284] : memref<11x240x960xf32, #tpu.memory_space<vmem>>, vector<1x240x960xf32>
    %get3A_286 = vector.shape_cast %get3A_285 : vector<1x240x960xf32> to vector<240x960xf32>
    %dot_general3A_287 = arith.constant dense<0.000000e+00> : vector<1x960xf32>
    %dot_general3A_288 = tpu.matmul %max3A_281, %get3A_286, %dot_general3A_287 {dimension_numbers = #tpu.dot_dimension_numbers<[1], [0], [0], [1], [0, 0, 1, 1], [], []>, transpose_lhs_hint = false} : vector<1x240xf32>, vector<240x960xf32>, vector<1x960xf32> -> vector<1x960xf32>
    %get3A_289 = arith.constant 3 : index
    %get3A_290 = arith.constant 0 : index
    %get3A_291 = vector.load %arg13[%get3A_289, %get3A_290] : memref<11x960xf32, #tpu.memory_space<vmem>>, vector<1x960xf32>
    %add3A_292 = arith.addf %dot_general3A_288, %get3A_291 : vector<1x960xf32>
    %max3A_293 = arith.constant 0.000000e+00 : f32
    %max3A_294 = vector.broadcast %max3A_293 : f32 to vector<1x960xf32>
    %max3A_295 = arith.maximumf %add3A_292, %max3A_294 : vector<1x960xf32>
    %get3A_296 = arith.constant 3 : index
    %get3A_297 = arith.constant 0 : index
    %get3A_298 = arith.constant 0 : index
    %get3A_299 = vector.load %arg14[%get3A_296, %get3A_297, %get3A_298] : memref<11x960x4xf32, #tpu.memory_space<vmem>>, vector<1x960x4xf32>
    %get3A_300 = vector.shape_cast %get3A_299 : vector<1x960x4xf32> to vector<960x4xf32>
    %dot_general3A_301 = arith.constant dense<0.000000e+00> : vector<1x4xf32>
    %dot_general3A_302 = tpu.matmul %max3A_295, %get3A_300, %dot_general3A_301 {dimension_numbers = #tpu.dot_dimension_numbers<[1], [0], [0], [1], [0, 0, 1, 1], [], []>, transpose_lhs_hint = false} : vector<1x960xf32>, vector<960x4xf32>, vector<1x4xf32> -> vector<1x4xf32>
    %get3A_303 = arith.constant 3 : index
    %get3A_304 = arith.constant 0 : index
    %get3A_305 = vector.load %arg15[%get3A_303, %get3A_304] : memref<11x4xf32, #tpu.memory_space<vmem>>, vector<1x4xf32>
    %add3A_306 = arith.addf %dot_general3A_302, %get3A_305 : vector<1x4xf32>
    %swap3A_307 = arith.constant 3 : index
    %swap3A_308 = arith.constant 0 : index
    %swap3A_309 = vector.load %arg16[%swap3A_307, %swap3A_308] : memref<11x4xf32, #tpu.memory_space<vmem>>, vector<1x4xf32>
    tpu.vector_store %arg16[%swap3A_307, %swap3A_308], %add3A_306 {strides = array<i32>} : memref<11x4xf32, #tpu.memory_space<vmem>>, vector<1x4xf32>,
    %get3A_310 = arith.constant 4 : index
    %get3A_311 = arith.constant 0 : index
    %get3A_312 = arith.constant 0 : index
    %get3A_313 = vector.load %arg10[%get3A_310, %get3A_311, %get3A_312] : memref<11x60x240xf32, #tpu.memory_space<vmem>>, vector<1x60x240xf32>
    %get3A_314 = vector.shape_cast %get3A_313 : vector<1x60x240xf32> to vector<60x240xf32>
    %dot_general3A_315 = arith.constant dense<0.000000e+00> : vector<1x240xf32>
    %dot_general3A_316 = tpu.matmul %max3A_142, %get3A_314, %dot_general3A_315 {dimension_numbers = #tpu.dot_dimension_numbers<[1], [0], [0], [1], [0, 0, 1, 1], [], []>, transpose_lhs_hint = false} : vector<1x60xf32>, vector<60x240xf32>, vector<1x240xf32> -> vector<1x240xf32>
    %get3A_317 = arith.constant 4 : index
    %get3A_318 = arith.constant 0 : index
    %get3A_319 = vector.load %arg11[%get3A_317, %get3A_318] : memref<11x240xf32, #tpu.memory_space<vmem>>, vector<1x240xf32>
    %add3A_320 = arith.addf %dot_general3A_316, %get3A_319 : vector<1x240xf32>
    %max3A_321 = arith.constant 0.000000e+00 : f32
    %max3A_322 = vector.broadcast %max3A_321 : f32 to vector<1x240xf32>
    %max3A_323 = arith.maximumf %add3A_320, %max3A_322 : vector<1x240xf32>
    %get3A_324 = arith.constant 4 : index
    %get3A_325 = arith.constant 0 : index
    %get3A_326 = arith.constant 0 : index
    %get3A_327 = vector.load %arg12[%get3A_324, %get3A_325, %get3A_326] : memref<11x240x960xf32, #tpu.memory_space<vmem>>, vector<1x240x960xf32>
    %get3A_328 = vector.shape_cast %get3A_327 : vector<1x240x960xf32> to vector<240x960xf32>
    %dot_general3A_329 = arith.constant dense<0.000000e+00> : vector<1x960xf32>
    %dot_general3A_330 = tpu.matmul %max3A_323, %get3A_328, %dot_general3A_329 {dimension_numbers = #tpu.dot_dimension_numbers<[1], [0], [0], [1], [0, 0, 1, 1], [], []>, transpose_lhs_hint = false} : vector<1x240xf32>, vector<240x960xf32>, vector<1x960xf32> -> vector<1x960xf32>
    %get3A_331 = arith.constant 4 : index
    %get3A_332 = arith.constant 0 : index
    %get3A_333 = vector.load %arg13[%get3A_331, %get3A_332] : memref<11x960xf32, #tpu.memory_space<vmem>>, vector<1x960xf32>
    %add3A_334 = arith.addf %dot_general3A_330, %get3A_333 : vector<1x960xf32>
    %max3A_335 = arith.constant 0.000000e+00 : f32
    %max3A_336 = vector.broadcast %max3A_335 : f32 to vector<1x960xf32>
    %max3A_337 = arith.maximumf %add3A_334, %max3A_336 : vector<1x960xf32>
    %get3A_338 = arith.constant 4 : index
    %get3A_339 = arith.constant 0 : index
    %get3A_340 = arith.constant 0 : index
    %get3A_341 = vector.load %arg14[%get3A_338, %get3A_339, %get3A_340] : memref<11x960x4xf32, #tpu.memory_space<vmem>>, vector<1x960x4xf32>
    %get3A_342 = vector.shape_cast %get3A_341 : vector<1x960x4xf32> to vector<960x4xf32>
    %dot_general3A_343 = arith.constant dense<0.000000e+00> : vector<1x4xf32>
    %dot_general3A_344 = tpu.matmul %max3A_337, %get3A_342, %dot_general3A_343 {dimension_numbers = #tpu.dot_dimension_numbers<[1], [0], [0], [1], [0, 0, 1, 1], [], []>, transpose_lhs_hint = false} : vector<1x960xf32>, vector<960x4xf32>, vector<1x4xf32> -> vector<1x4xf32>
    %get3A_345 = arith.constant 4 : index
    %get3A_346 = arith.constant 0 : index
    %get3A_347 = vector.load %arg15[%get3A_345, %get3A_346] : memref<11x4xf32, #tpu.memory_space<vmem>>, vector<1x4xf32>
    %add3A_348 = arith.addf %dot_general3A_344, %get3A_347 : vector<1x4xf32>
    %swap3A_349 = arith.constant 4 : index
    %swap3A_350 = arith.constant 0 : index
    %swap3A_351 = vector.load %arg16[%swap3A_349, %swap3A_350] : memref<11x4xf32, #tpu.memory_space<vmem>>, vector<1x4xf32>
    tpu.vector_store %arg16[%swap3A_349, %swap3A_350], %add3A_348 {strides = array<i32>} : memref<11x4xf32, #tpu.memory_space<vmem>>, vector<1x4xf32>,
    %get3A_352 = arith.constant 5 : index
    %get3A_353 = arith.constant 0 : index
    %get3A_354 = arith.constant 0 : index
    %get3A_355 = vector.load %arg10[%get3A_352, %get3A_353, %get3A_354] : memref<11x60x240xf32, #tpu.memory_space<vmem>>, vector<1x60x240xf32>
    %get3A_356 = vector.shape_cast %get3A_355 : vector<1x60x240xf32> to vector<60x240xf32>
    %dot_general3A_357 = arith.constant dense<0.000000e+00> : vector<1x240xf32>
    %dot_general3A_358 = tpu.matmul %max3A_142, %get3A_356, %dot_general3A_357 {dimension_numbers = #tpu.dot_dimension_numbers<[1], [0], [0], [1], [0, 0, 1, 1], [], []>, transpose_lhs_hint = false} : vector<1x60xf32>, vector<60x240xf32>, vector<1x240xf32> -> vector<1x240xf32>
    %get3A_359 = arith.constant 5 : index
    %get3A_360 = arith.constant 0 : index
    %get3A_361 = vector.load %arg11[%get3A_359, %get3A_360] : memref<11x240xf32, #tpu.memory_space<vmem>>, vector<1x240xf32>
    %add3A_362 = arith.addf %dot_general3A_358, %get3A_361 : vector<1x240xf32>
    %max3A_363 = arith.constant 0.000000e+00 : f32
    %max3A_364 = vector.broadcast %max3A_363 : f32 to vector<1x240xf32>
    %max3A_365 = arith.maximumf %add3A_362, %max3A_364 : vector<1x240xf32>
    %get3A_366 = arith.constant 5 : index
    %get3A_367 = arith.constant 0 : index
    %get3A_368 = arith.constant 0 : index
    %get3A_369 = vector.load %arg12[%get3A_366, %get3A_367, %get3A_368] : memref<11x240x960xf32, #tpu.memory_space<vmem>>, vector<1x240x960xf32>
    %get3A_370 = vector.shape_cast %get3A_369 : vector<1x240x960xf32> to vector<240x960xf32>
    %dot_general3A_371 = arith.constant dense<0.000000e+00> : vector<1x960xf32>
    %dot_general3A_372 = tpu.matmul %max3A_365, %get3A_370, %dot_general3A_371 {dimension_numbers = #tpu.dot_dimension_numbers<[1], [0], [0], [1], [0, 0, 1, 1], [], []>, transpose_lhs_hint = false} : vector<1x240xf32>, vector<240x960xf32>, vector<1x960xf32> -> vector<1x960xf32>
    %get3A_373 = arith.constant 5 : index
    %get3A_374 = arith.constant 0 : index
    %get3A_375 = vector.load %arg13[%get3A_373, %get3A_374] : memref<11x960xf32, #tpu.memory_space<vmem>>, vector<1x960xf32>
    %add3A_376 = arith.addf %dot_general3A_372, %get3A_375 : vector<1x960xf32>
    %max3A_377 = arith.constant 0.000000e+00 : f32
    %max3A_378 = vector.broadcast %max3A_377 : f32 to vector<1x960xf32>
    %max3A_379 = arith.maximumf %add3A_376, %max3A_378 : vector<1x960xf32>
    %get3A_380 = arith.constant 5 : index
    %get3A_381 = arith.constant 0 : index
    %get3A_382 = arith.constant 0 : index
    %get3A_383 = vector.load %arg14[%get3A_380, %get3A_381, %get3A_382] : memref<11x960x4xf32, #tpu.memory_space<vmem>>, vector<1x960x4xf32>
    %get3A_384 = vector.shape_cast %get3A_383 : vector<1x960x4xf32> to vector<960x4xf32>
    %dot_general3A_385 = arith.constant dense<0.000000e+00> : vector<1x4xf32>
    %dot_general3A_386 = tpu.matmul %max3A_379, %get3A_384, %dot_general3A_385 {dimension_numbers = #tpu.dot_dimension_numbers<[1], [0], [0], [1], [0, 0, 1, 1], [], []>, transpose_lhs_hint = false} : vector<1x960xf32>, vector<960x4xf32>, vector<1x4xf32> -> vector<1x4xf32>
    %get3A_387 = arith.constant 5 : index
    %get3A_388 = arith.constant 0 : index
    %get3A_389 = vector.load %arg15[%get3A_387, %get3A_388] : memref<11x4xf32, #tpu.memory_space<vmem>>, vector<1x4xf32>
    %add3A_390 = arith.addf %dot_general3A_386, %get3A_389 : vector<1x4xf32>
    %swap3A_391 = arith.constant 5 : index
    %swap3A_392 = arith.constant 0 : index
    %swap3A_393 = vector.load %arg16[%swap3A_391, %swap3A_392] : memref<11x4xf32, #tpu.memory_space<vmem>>, vector<1x4xf32>
    tpu.vector_store %arg16[%swap3A_391, %swap3A_392], %add3A_390 {strides = array<i32>} : memref<11x4xf32, #tpu.memory_space<vmem>>, vector<1x4xf32>,
    %get3A_394 = arith.constant 6 : index
    %get3A_395 = arith.constant 0 : index
    %get3A_396 = arith.constant 0 : index
    %get3A_397 = vector.load %arg10[%get3A_394, %get3A_395, %get3A_396] : memref<11x60x240xf32, #tpu.memory_space<vmem>>, vector<1x60x240xf32>
    %get3A_398 = vector.shape_cast %get3A_397 : vector<1x60x240xf32> to vector<60x240xf32>
    %dot_general3A_399 = arith.constant dense<0.000000e+00> : vector<1x240xf32>
    %dot_general3A_400 = tpu.matmul %max3A_142, %get3A_398, %dot_general3A_399 {dimension_numbers = #tpu.dot_dimension_numbers<[1], [0], [0], [1], [0, 0, 1, 1], [], []>, transpose_lhs_hint = false} : vector<1x60xf32>, vector<60x240xf32>, vector<1x240xf32> -> vector<1x240xf32>
    %get3A_401 = arith.constant 6 : index
    %get3A_402 = arith.constant 0 : index
    %get3A_403 = vector.load %arg11[%get3A_401, %get3A_402] : memref<11x240xf32, #tpu.memory_space<vmem>>, vector<1x240xf32>
    %add3A_404 = arith.addf %dot_general3A_400, %get3A_403 : vector<1x240xf32>
    %max3A_405 = arith.constant 0.000000e+00 : f32
    %max3A_406 = vector.broadcast %max3A_405 : f32 to vector<1x240xf32>
    %max3A_407 = arith.maximumf %add3A_404, %max3A_406 : vector<1x240xf32>
    %get3A_408 = arith.constant 6 : index
    %get3A_409 = arith.constant 0 : index
    %get3A_410 = arith.constant 0 : index
    %get3A_411 = vector.load %arg12[%get3A_408, %get3A_409, %get3A_410] : memref<11x240x960xf32, #tpu.memory_space<vmem>>, vector<1x240x960xf32>
    %get3A_412 = vector.shape_cast %get3A_411 : vector<1x240x960xf32> to vector<240x960xf32>
    %dot_general3A_413 = arith.constant dense<0.000000e+00> : vector<1x960xf32>
    %dot_general3A_414 = tpu.matmul %max3A_407, %get3A_412, %dot_general3A_413 {dimension_numbers = #tpu.dot_dimension_numbers<[1], [0], [0], [1], [0, 0, 1, 1], [], []>, transpose_lhs_hint = false} : vector<1x240xf32>, vector<240x960xf32>, vector<1x960xf32> -> vector<1x960xf32>
    %get3A_415 = arith.constant 6 : index
    %get3A_416 = arith.constant 0 : index
    %get3A_417 = vector.load %arg13[%get3A_415, %get3A_416] : memref<11x960xf32, #tpu.memory_space<vmem>>, vector<1x960xf32>
    %add3A_418 = arith.addf %dot_general3A_414, %get3A_417 : vector<1x960xf32>
    %max3A_419 = arith.constant 0.000000e+00 : f32
    %max3A_420 = vector.broadcast %max3A_419 : f32 to vector<1x960xf32>
    %max3A_421 = arith.maximumf %add3A_418, %max3A_420 : vector<1x960xf32>
    %get3A_422 = arith.constant 6 : index
    %get3A_423 = arith.constant 0 : index
    %get3A_424 = arith.constant 0 : index
    %get3A_425 = vector.load %arg14[%get3A_422, %get3A_423, %get3A_424] : memref<11x960x4xf32, #tpu.memory_space<vmem>>, vector<1x960x4xf32>
    %get3A_426 = vector.shape_cast %get3A_425 : vector<1x960x4xf32> to vector<960x4xf32>
    %dot_general3A_427 = arith.constant dense<0.000000e+00> : vector<1x4xf32>
    %dot_general3A_428 = tpu.matmul %max3A_421, %get3A_426, %dot_general3A_427 {dimension_numbers = #tpu.dot_dimension_numbers<[1], [0], [0], [1], [0, 0, 1, 1], [], []>, transpose_lhs_hint = false} : vector<1x960xf32>, vector<960x4xf32>, vector<1x4xf32> -> vector<1x4xf32>
    %get3A_429 = arith.constant 6 : index
    %get3A_430 = arith.constant 0 : index
    %get3A_431 = vector.load %arg15[%get3A_429, %get3A_430] : memref<11x4xf32, #tpu.memory_space<vmem>>, vector<1x4xf32>
    %add3A_432 = arith.addf %dot_general3A_428, %get3A_431 : vector<1x4xf32>
    %swap3A_433 = arith.constant 6 : index
    %swap3A_434 = arith.constant 0 : index
    %swap3A_435 = vector.load %arg16[%swap3A_433, %swap3A_434] : memref<11x4xf32, #tpu.memory_space<vmem>>, vector<1x4xf32>
    tpu.vector_store %arg16[%swap3A_433, %swap3A_434], %add3A_432 {strides = array<i32>} : memref<11x4xf32, #tpu.memory_space<vmem>>, vector<1x4xf32>,
    %get3A_436 = arith.constant 7 : index
    %get3A_437 = arith.constant 0 : index
    %get3A_438 = arith.constant 0 : index
    %get3A_439 = vector.load %arg10[%get3A_436, %get3A_437, %get3A_438] : memref<11x60x240xf32, #tpu.memory_space<vmem>>, vector<1x60x240xf32>
    %get3A_440 = vector.shape_cast %get3A_439 : vector<1x60x240xf32> to vector<60x240xf32>
    %dot_general3A_441 = arith.constant dense<0.000000e+00> : vector<1x240xf32>
    %dot_general3A_442 = tpu.matmul %max3A_142, %get3A_440, %dot_general3A_441 {dimension_numbers = #tpu.dot_dimension_numbers<[1], [0], [0], [1], [0, 0, 1, 1], [], []>, transpose_lhs_hint = false} : vector<1x60xf32>, vector<60x240xf32>, vector<1x240xf32> -> vector<1x240xf32>
    %get3A_443 = arith.constant 7 : index
    %get3A_444 = arith.constant 0 : index
    %get3A_445 = vector.load %arg11[%get3A_443, %get3A_444] : memref<11x240xf32, #tpu.memory_space<vmem>>, vector<1x240xf32>
    %add3A_446 = arith.addf %dot_general3A_442, %get3A_445 : vector<1x240xf32>
    %max3A_447 = arith.constant 0.000000e+00 : f32
    %max3A_448 = vector.broadcast %max3A_447 : f32 to vector<1x240xf32>
    %max3A_449 = arith.maximumf %add3A_446, %max3A_448 : vector<1x240xf32>
    %get3A_450 = arith.constant 7 : index
    %get3A_451 = arith.constant 0 : index
    %get3A_452 = arith.constant 0 : index
    %get3A_453 = vector.load %arg12[%get3A_450, %get3A_451, %get3A_452] : memref<11x240x960xf32, #tpu.memory_space<vmem>>, vector<1x240x960xf32>
    %get3A_454 = vector.shape_cast %get3A_453 : vector<1x240x960xf32> to vector<240x960xf32>
    %dot_general3A_455 = arith.constant dense<0.000000e+00> : vector<1x960xf32>
    %dot_general3A_456 = tpu.matmul %max3A_449, %get3A_454, %dot_general3A_455 {dimension_numbers = #tpu.dot_dimension_numbers<[1], [0], [0], [1], [0, 0, 1, 1], [], []>, transpose_lhs_hint = false} : vector<1x240xf32>, vector<240x960xf32>, vector<1x960xf32> -> vector<1x960xf32>
    %get3A_457 = arith.constant 7 : index
    %get3A_458 = arith.constant 0 : index
    %get3A_459 = vector.load %arg13[%get3A_457, %get3A_458] : memref<11x960xf32, #tpu.memory_space<vmem>>, vector<1x960xf32>
    %add3A_460 = arith.addf %dot_general3A_456, %get3A_459 : vector<1x960xf32>
    %max3A_461 = arith.constant 0.000000e+00 : f32
    %max3A_462 = vector.broadcast %max3A_461 : f32 to vector<1x960xf32>
    %max3A_463 = arith.maximumf %add3A_460, %max3A_462 : vector<1x960xf32>
    %get3A_464 = arith.constant 7 : index
    %get3A_465 = arith.constant 0 : index
    %get3A_466 = arith.constant 0 : index
    %get3A_467 = vector.load %arg14[%get3A_464, %get3A_465, %get3A_466] : memref<11x960x4xf32, #tpu.memory_space<vmem>>, vector<1x960x4xf32>
    %get3A_468 = vector.shape_cast %get3A_467 : vector<1x960x4xf32> to vector<960x4xf32>
    %dot_general3A_469 = arith.constant dense<0.000000e+00> : vector<1x4xf32>
    %dot_general3A_470 = tpu.matmul %max3A_463, %get3A_468, %dot_general3A_469 {dimension_numbers = #tpu.dot_dimension_numbers<[1], [0], [0], [1], [0, 0, 1, 1], [], []>, transpose_lhs_hint = false} : vector<1x960xf32>, vector<960x4xf32>, vector<1x4xf32> -> vector<1x4xf32>
    %get3A_471 = arith.constant 7 : index
    %get3A_472 = arith.constant 0 : index
    %get3A_473 = vector.load %arg15[%get3A_471, %get3A_472] : memref<11x4xf32, #tpu.memory_space<vmem>>, vector<1x4xf32>
    %add3A_474 = arith.addf %dot_general3A_470, %get3A_473 : vector<1x4xf32>
    %swap3A_475 = arith.constant 7 : index
    %swap3A_476 = arith.constant 0 : index
    %swap3A_477 = vector.load %arg16[%swap3A_475, %swap3A_476] : memref<11x4xf32, #tpu.memory_space<vmem>>, vector<1x4xf32>
    tpu.vector_store %arg16[%swap3A_475, %swap3A_476], %add3A_474 {strides = array<i32>} : memref<11x4xf32, #tpu.memory_space<vmem>>, vector<1x4xf32>,
    %get3A_478 = arith.constant 8 : index
    %get3A_479 = arith.constant 0 : index
    %get3A_480 = arith.constant 0 : index
    %get3A_481 = vector.load %arg10[%get3A_478, %get3A_479, %get3A_480] : memref<11x60x240xf32, #tpu.memory_space<vmem>>, vector<1x60x240xf32>
    %get3A_482 = vector.shape_cast %get3A_481 : vector<1x60x240xf32> to vector<60x240xf32>
    %dot_general3A_483 = arith.constant dense<0.000000e+00> : vector<1x240xf32>
    %dot_general3A_484 = tpu.matmul %max3A_142, %get3A_482, %dot_general3A_483 {dimension_numbers = #tpu.dot_dimension_numbers<[1], [0], [0], [1], [0, 0, 1, 1], [], []>, transpose_lhs_hint = false} : vector<1x60xf32>, vector<60x240xf32>, vector<1x240xf32> -> vector<1x240xf32>
    %get3A_485 = arith.constant 8 : index
    %get3A_486 = arith.constant 0 : index
    %get3A_487 = vector.load %arg11[%get3A_485, %get3A_486] : memref<11x240xf32, #tpu.memory_space<vmem>>, vector<1x240xf32>
    %add3A_488 = arith.addf %dot_general3A_484, %get3A_487 : vector<1x240xf32>
    %max3A_489 = arith.constant 0.000000e+00 : f32
    %max3A_490 = vector.broadcast %max3A_489 : f32 to vector<1x240xf32>
    %max3A_491 = arith.maximumf %add3A_488, %max3A_490 : vector<1x240xf32>
    %get3A_492 = arith.constant 8 : index
    %get3A_493 = arith.constant 0 : index
    %get3A_494 = arith.constant 0 : index
    %get3A_495 = vector.load %arg12[%get3A_492, %get3A_493, %get3A_494] : memref<11x240x960xf32, #tpu.memory_space<vmem>>, vector<1x240x960xf32>
    %get3A_496 = vector.shape_cast %get3A_495 : vector<1x240x960xf32> to vector<240x960xf32>
    %dot_general3A_497 = arith.constant dense<0.000000e+00> : vector<1x960xf32>
    %dot_general3A_498 = tpu.matmul %max3A_491, %get3A_496, %dot_general3A_497 {dimension_numbers = #tpu.dot_dimension_numbers<[1], [0], [0], [1], [0, 0, 1, 1], [], []>, transpose_lhs_hint = false} : vector<1x240xf32>, vector<240x960xf32>, vector<1x960xf32> -> vector<1x960xf32>
    %get3A_499 = arith.constant 8 : index
    %get3A_500 = arith.constant 0 : index
    %get3A_501 = vector.load %arg13[%get3A_499, %get3A_500] : memref<11x960xf32, #tpu.memory_space<vmem>>, vector<1x960xf32>
    %add3A_502 = arith.addf %dot_general3A_498, %get3A_501 : vector<1x960xf32>
    %max3A_503 = arith.constant 0.000000e+00 : f32
    %max3A_504 = vector.broadcast %max3A_503 : f32 to vector<1x960xf32>
    %max3A_505 = arith.maximumf %add3A_502, %max3A_504 : vector<1x960xf32>
    %get3A_506 = arith.constant 8 : index
    %get3A_507 = arith.constant 0 : index
    %get3A_508 = arith.constant 0 : index
    %get3A_509 = vector.load %arg14[%get3A_506, %get3A_507, %get3A_508] : memref<11x960x4xf32, #tpu.memory_space<vmem>>, vector<1x960x4xf32>
    %get3A_510 = vector.shape_cast %get3A_509 : vector<1x960x4xf32> to vector<960x4xf32>
    %dot_general3A_511 = arith.constant dense<0.000000e+00> : vector<1x4xf32>
    %dot_general3A_512 = tpu.matmul %max3A_505, %get3A_510, %dot_general3A_511 {dimension_numbers = #tpu.dot_dimension_numbers<[1], [0], [0], [1], [0, 0, 1, 1], [], []>, transpose_lhs_hint = false} : vector<1x960xf32>, vector<960x4xf32>, vector<1x4xf32> -> vector<1x4xf32>
    %get3A_513 = arith.constant 8 : index
    %get3A_514 = arith.constant 0 : index
    %get3A_515 = vector.load %arg15[%get3A_513, %get3A_514] : memref<11x4xf32, #tpu.memory_space<vmem>>, vector<1x4xf32>
    %add3A_516 = arith.addf %dot_general3A_512, %get3A_515 : vector<1x4xf32>
    %swap3A_517 = arith.constant 8 : index
    %swap3A_518 = arith.constant 0 : index
    %swap3A_519 = vector.load %arg16[%swap3A_517, %swap3A_518] : memref<11x4xf32, #tpu.memory_space<vmem>>, vector<1x4xf32>
    tpu.vector_store %arg16[%swap3A_517, %swap3A_518], %add3A_516 {strides = array<i32>} : memref<11x4xf32, #tpu.memory_space<vmem>>, vector<1x4xf32>,
    %get3A_520 = arith.constant 9 : index
    %get3A_521 = arith.constant 0 : index
    %get3A_522 = arith.constant 0 : index
    %get3A_523 = vector.load %arg10[%get3A_520, %get3A_521, %get3A_522] : memref<11x60x240xf32, #tpu.memory_space<vmem>>, vector<1x60x240xf32>
    %get3A_524 = vector.shape_cast %get3A_523 : vector<1x60x240xf32> to vector<60x240xf32>
    %dot_general3A_525 = arith.constant dense<0.000000e+00> : vector<1x240xf32>
    %dot_general3A_526 = tpu.matmul %max3A_142, %get3A_524, %dot_general3A_525 {dimension_numbers = #tpu.dot_dimension_numbers<[1], [0], [0], [1], [0, 0, 1, 1], [], []>, transpose_lhs_hint = false} : vector<1x60xf32>, vector<60x240xf32>, vector<1x240xf32> -> vector<1x240xf32>
    %get3A_527 = arith.constant 9 : index
    %get3A_528 = arith.constant 0 : index
    %get3A_529 = vector.load %arg11[%get3A_527, %get3A_528] : memref<11x240xf32, #tpu.memory_space<vmem>>, vector<1x240xf32>
    %add3A_530 = arith.addf %dot_general3A_526, %get3A_529 : vector<1x240xf32>
    %max3A_531 = arith.constant 0.000000e+00 : f32
    %max3A_532 = vector.broadcast %max3A_531 : f32 to vector<1x240xf32>
    %max3A_533 = arith.maximumf %add3A_530, %max3A_532 : vector<1x240xf32>
    %get3A_534 = arith.constant 9 : index
    %get3A_535 = arith.constant 0 : index
    %get3A_536 = arith.constant 0 : index
    %get3A_537 = vector.load %arg12[%get3A_534, %get3A_535, %get3A_536] : memref<11x240x960xf32, #tpu.memory_space<vmem>>, vector<1x240x960xf32>
    %get3A_538 = vector.shape_cast %get3A_537 : vector<1x240x960xf32> to vector<240x960xf32>
    %dot_general3A_539 = arith.constant dense<0.000000e+00> : vector<1x960xf32>
    %dot_general3A_540 = tpu.matmul %max3A_533, %get3A_538, %dot_general3A_539 {dimension_numbers = #tpu.dot_dimension_numbers<[1], [0], [0], [1], [0, 0, 1, 1], [], []>, transpose_lhs_hint = false} : vector<1x240xf32>, vector<240x960xf32>, vector<1x960xf32> -> vector<1x960xf32>
    %get3A_541 = arith.constant 9 : index
    %get3A_542 = arith.constant 0 : index
    %get3A_543 = vector.load %arg13[%get3A_541, %get3A_542] : memref<11x960xf32, #tpu.memory_space<vmem>>, vector<1x960xf32>
    %add3A_544 = arith.addf %dot_general3A_540, %get3A_543 : vector<1x960xf32>
    %max3A_545 = arith.constant 0.000000e+00 : f32
    %max3A_546 = vector.broadcast %max3A_545 : f32 to vector<1x960xf32>
    %max3A_547 = arith.maximumf %add3A_544, %max3A_546 : vector<1x960xf32>
    %get3A_548 = arith.constant 9 : index
    %get3A_549 = arith.constant 0 : index
    %get3A_550 = arith.constant 0 : index
    %get3A_551 = vector.load %arg14[%get3A_548, %get3A_549, %get3A_550] : memref<11x960x4xf32, #tpu.memory_space<vmem>>, vector<1x960x4xf32>
    %get3A_552 = vector.shape_cast %get3A_551 : vector<1x960x4xf32> to vector<960x4xf32>
    %dot_general3A_553 = arith.constant dense<0.000000e+00> : vector<1x4xf32>
    %dot_general3A_554 = tpu.matmul %max3A_547, %get3A_552, %dot_general3A_553 {dimension_numbers = #tpu.dot_dimension_numbers<[1], [0], [0], [1], [0, 0, 1, 1], [], []>, transpose_lhs_hint = false} : vector<1x960xf32>, vector<960x4xf32>, vector<1x4xf32> -> vector<1x4xf32>
    %get3A_555 = arith.constant 9 : index
    %get3A_556 = arith.constant 0 : index
    %get3A_557 = vector.load %arg15[%get3A_555, %get3A_556] : memref<11x4xf32, #tpu.memory_space<vmem>>, vector<1x4xf32>
    %add3A_558 = arith.addf %dot_general3A_554, %get3A_557 : vector<1x4xf32>
    %swap3A_559 = arith.constant 9 : index
    %swap3A_560 = arith.constant 0 : index
    %swap3A_561 = vector.load %arg16[%swap3A_559, %swap3A_560] : memref<11x4xf32, #tpu.memory_space<vmem>>, vector<1x4xf32>
    tpu.vector_store %arg16[%swap3A_559, %swap3A_560], %add3A_558 {strides = array<i32>} : memref<11x4xf32, #tpu.memory_space<vmem>>, vector<1x4xf32>,
    %get3A_562 = arith.constant 10 : index
    %get3A_563 = arith.constant 0 : index
    %get3A_564 = arith.constant 0 : index
    %get3A_565 = vector.load %arg10[%get3A_562, %get3A_563, %get3A_564] : memref<11x60x240xf32, #tpu.memory_space<vmem>>, vector<1x60x240xf32>
    %get3A_566 = vector.shape_cast %get3A_565 : vector<1x60x240xf32> to vector<60x240xf32>
    %dot_general3A_567 = arith.constant dense<0.000000e+00> : vector<1x240xf32>
    %dot_general3A_568 = tpu.matmul %max3A_142, %get3A_566, %dot_general3A_567 {dimension_numbers = #tpu.dot_dimension_numbers<[1], [0], [0], [1], [0, 0, 1, 1], [], []>, transpose_lhs_hint = false} : vector<1x60xf32>, vector<60x240xf32>, vector<1x240xf32> -> vector<1x240xf32>
    %get3A_569 = arith.constant 10 : index
    %get3A_570 = arith.constant 0 : index
    %get3A_571 = vector.load %arg11[%get3A_569, %get3A_570] : memref<11x240xf32, #tpu.memory_space<vmem>>, vector<1x240xf32>
    %add3A_572 = arith.addf %dot_general3A_568, %get3A_571 : vector<1x240xf32>
    %max3A_573 = arith.constant 0.000000e+00 : f32
    %max3A_574 = vector.broadcast %max3A_573 : f32 to vector<1x240xf32>
    %max3A_575 = arith.maximumf %add3A_572, %max3A_574 : vector<1x240xf32>
    %get3A_576 = arith.constant 10 : index
    %get3A_577 = arith.constant 0 : index
    %get3A_578 = arith.constant 0 : index
    %get3A_579 = vector.load %arg12[%get3A_576, %get3A_577, %get3A_578] : memref<11x240x960xf32, #tpu.memory_space<vmem>>, vector<1x240x960xf32>
    %get3A_580 = vector.shape_cast %get3A_579 : vector<1x240x960xf32> to vector<240x960xf32>
    %dot_general3A_581 = arith.constant dense<0.000000e+00> : vector<1x960xf32>
    %dot_general3A_582 = tpu.matmul %max3A_575, %get3A_580, %dot_general3A_581 {dimension_numbers = #tpu.dot_dimension_numbers<[1], [0], [0], [1], [0, 0, 1, 1], [], []>, transpose_lhs_hint = false} : vector<1x240xf32>, vector<240x960xf32>, vector<1x960xf32> -> vector<1x960xf32>
    %get3A_583 = arith.constant 10 : index
    %get3A_584 = arith.constant 0 : index
    %get3A_585 = vector.load %arg13[%get3A_583, %get3A_584] : memref<11x960xf32, #tpu.memory_space<vmem>>, vector<1x960xf32>
    %add3A_586 = arith.addf %dot_general3A_582, %get3A_585 : vector<1x960xf32>
    %max3A_587 = arith.constant 0.000000e+00 : f32
    %max3A_588 = vector.broadcast %max3A_587 : f32 to vector<1x960xf32>
    %max3A_589 = arith.maximumf %add3A_586, %max3A_588 : vector<1x960xf32>
    %get3A_590 = arith.constant 10 : index
    %get3A_591 = arith.constant 0 : index
    %get3A_592 = arith.constant 0 : index
    %get3A_593 = vector.load %arg14[%get3A_590, %get3A_591, %get3A_592] : memref<11x960x4xf32, #tpu.memory_space<vmem>>, vector<1x960x4xf32>
    %get3A_594 = vector.shape_cast %get3A_593 : vector<1x960x4xf32> to vector<960x4xf32>
    %dot_general3A_595 = arith.constant dense<0.000000e+00> : vector<1x4xf32>
    %dot_general3A_596 = tpu.matmul %max3A_589, %get3A_594, %dot_general3A_595 {dimension_numbers = #tpu.dot_dimension_numbers<[1], [0], [0], [1], [0, 0, 1, 1], [], []>, transpose_lhs_hint = false} : vector<1x960xf32>, vector<960x4xf32>, vector<1x4xf32> -> vector<1x4xf32>
    %get3A_597 = arith.constant 10 : index
    %get3A_598 = arith.constant 0 : index
    %get3A_599 = vector.load %arg15[%get3A_597, %get3A_598] : memref<11x4xf32, #tpu.memory_space<vmem>>, vector<1x4xf32>
    %add3A_600 = arith.addf %dot_general3A_596, %get3A_599 : vector<1x4xf32>
    %swap3A_601 = arith.constant 10 : index
    %swap3A_602 = arith.constant 0 : index
    %swap3A_603 = vector.load %arg16[%swap3A_601, %swap3A_602] : memref<11x4xf32, #tpu.memory_space<vmem>>, vector<1x4xf32>
    tpu.vector_store %arg16[%swap3A_601, %swap3A_602], %add3A_600 {strides = array<i32>} : memref<11x4xf32, #tpu.memory_space<vmem>>, vector<1x4xf32>,
    return
  }
}

</mosaic_0001>

<sc_bundles>
// kernel: kernel.12.cloned.1.call-start
scs
__scs_entry_jumppad:
0x0: {  	(pc) =	sbr.rel $0x88, $3  }
0x1: {  	(tag) =	ssettag $0x0;
	lr =	simm.s32 $0x1  }
0x2: {  	[smem:$0x3F8A] =	sst lr;
	_ =	strace $0xD0000000  }
0x3: {  	_ = 	snop  }
0x4: {  	_ = 	snop  }
0x5: {  	_ = 	snop  }
0x6: {  	_ = 	snop  }
0x7: {  	_ = 	snop  }
__scs_overlays_trampoline_lowered:
0x8: {  	[smem:$0x3F99] =	sst s0  }
0x9: {  	[smem:$0x3F9A] =	sst s1  }
0xa: {  	[smem:$0x3F9B] =	sst s2  }
0xb: {  	[smem:$0x3F9C] =	sst s3  }
0xc: {  	[smem:$0x3F9D] =	sst s4  }
0xd: {  	[smem:$0x3F9E] =	sst s5  }
0xe: {  	[smem:$0x3F9F] =	sst s6  }
0xf: {  	[smem:$0x3FA0] =	sst s7  }
0x10: {  	[smem:$0x3FA1] =	sst s8  }
0x11: {  	[smem:$0x3FA2] =	sst s9;
	s0 =	simm.s32 @!p0 $0x0  }
0x12: {  	s1 =	sld [smem:$0x3F88];
	s0 =	simm.s32 @p0 $0x1  }
0x13: {  	[smem:$0x3FA3] =	sst s0;
	s0 =	simm.s32 @!p1 $0x0  }
0x14: {  	s2 =	sld [smem:$0x3F87];
	s0 =	simm.s32 @p1 $0x1  }
0x15: {  	[smem:$0x3FA4] =	sst s0;
	s0 =	simm.s32 @!p2 $0x0  }
0x16: {  	s3 =	sld [smem:$0x3FDB];
	s0 =	simm.s32 @p2 $0x1  }
0x17: {  	s4 =	simm.s32 $0x1BF5;
	[smem:$0x3FA6] =	sst s0  }
0x18: {  	s0 =	sld [smem:$0x3F89];
	_ =	swait.ge [sflag:s4], $0x0  }
0x19: {  	s7 =	sld [smem:$0x3F8A]  }
0x1a: {  	s8 =	sadd.s32 $0xFFFFE003, lr  }
0x1b: {  	s9 =	sadd.s32 $0xFFFFFEF7, lr;
	s5 =	simm.s32 $0xFFFFFFFF;
	p2 =	slt.u32 s8, $0xFFFFF086  }
0x1c: {  	p1 =	slt.u32 s9, $0xF7A;
	s5 =	simm.s32 @!p2 $0x0  }
0x1d: {  	s5 =	simm.s32 @p1 $0x1;
	p0 =	seq.s32 s7, s2  }
0x1e: {  	s7 =	smul.u32 @!p0 $0xF7A, s2;
	p2 =	seq.s32 @!p0 s5, $0x0  }
0x1f: {  	s9 =	smul.u32 $0xF7A, s1;
	s8 =	simm.s32 @!p0 $0x1BF5;
	p2 =	por !p2, p0  }
0x20: {  	[sflag:s8] =	ssyncset.s32 @!p0 $0xFFFFF086;
	s6 =	sadd.s32 @!p0 s3, s7;
	s7 =	simm.s32 @!p0 $0x108  }
0x21: {  	s3 =	sadd.s32 s3, s9;
	s6 =	sadd.s32 @!p0 $0x88, s6;
	s7 =	simm.s32 @p2 $0x1082  }
0x22: {  	[simem:s7], [sflag:s8] =	dma.local @!p0 [hbm:s6], $0xF7A  }
0x23: {  	s9 =	sor.u32 $0xD0000000, s2;
	s6 =	simm.s32 $0x108;
	_ =	swait.ge @!p0 [sflag:s8], $0x0  }
0x24: {  	s3 =	sadd.s32 $0x88, s3;
	s6 =	simm.s32 @!p1 $0x1082;
	[sflag:s4] =	ssyncset.s32 $0xFFFFF086  }
0x25: {  	[simem:s6], [sflag:s4] =	dma.local [hbm:s3], $0xF7A  }
0x26: {  	[smem:$0x3F8A] =	sst s1;
	(tag) =	ssettag s2;
	_ =	strace s9  }
0x27: {  	s1 =	sld [smem:$0x3F9A]  }
0x28: {  	s2 =	sld [smem:$0x3F9B]  }
0x29: {  	s4 =	sld [smem:$0x3F9D]  }
0x2a: {  	p0 =	seq.s32 s5, $0x0;
	s5 =	sld [smem:$0x3F9E]  }
0x2b: {  	s6 =	sld [smem:$0x3F9F]  }
0x2c: {  	s7 =	sld [smem:$0x3FA0]  }
0x2d: {  	s3 =	simm.s32 $0x108;
	s8 =	sld [smem:$0x3FA1]  }
0x2e: {  	s3 =	simm.s32 @!p0 $0x1082;
	s9 =	sld [smem:$0x3FA2]  }
0x2f: {  	lr =	sadd.s32 s0, s3;
	s0 =	sld [smem:$0x3F99]  }
0x30: {  	s3 =	sld [smem:$0x3F9C]  }
0x31: {  	[smem:$0x3FA5] =	sst s10  }
0x32: {  	s10 =	sld [smem:$0x3FA3];
	_ =	sdelay $0x3  }
0x33: {  	p0 =	seq.s32 s10, $0x1;
	s10 =	sld [smem:$0x3FA5];
	_ =	sdelay $0x3  }
0x34: {  	[smem:$0x3FA5] =	sst s10  }
0x35: {  	s10 =	sld [smem:$0x3FA4];
	_ =	sdelay $0x3  }
0x36: {  	p1 =	seq.s32 s10, $0x1;
	s10 =	sld [smem:$0x3FA5];
	_ =	sdelay $0x3  }
0x37: {  	[smem:$0x3FA5] =	sst s10  }
0x38: {  	s10 =	sld [smem:$0x3FA6]  }
0x39: {  	_ = 	snop;
	(pc) =	sbr.ind lr, $3  }
0x3a: {  	_ = 	snop  }
0x3b: {  	_ = 	snop  }
0x3c: {  	p2 =	seq.s32 s10, $0x1;
	s10 =	sld [smem:$0x3FA5]  }
0x3d: {  	_ =	shalt  }
0x3e: {  	_ =	shalt  }
0x3f: {  	_ =	shalt  }
0x40: {  	_ =	shalt  }
0x41: {  	_ =	shalt  }
0x42: {  	_ =	shalt  }
0x43: {  	_ =	shalt  }
0x44: {  	_ =	shalt  }
0x45: {  	_ =	shalt  }
0x46: {  	_ =	shalt  }
0x47: {  	_ =	shalt  }
0x48: {  	_ =	shalt  }
0x49: {  	_ =	shalt  }
0x4a: {  	_ =	shalt  }
0x4b: {  	_ =	shalt  }
0x4c: {  	_ =	shalt  }
0x4d: {  	_ =	shalt  }
0x4e: {  	_ =	shalt  }
0x4f: {  	_ =	shalt  }
0x50: {  	_ =	shalt  }
0x51: {  	_ =	shalt  }
0x52: {  	_ =	shalt  }
0x53: {  	_ =	shalt  }
0x54: {  	_ =	shalt  }
0x55: {  	_ =	shalt  }
0x56: {  	_ =	shalt  }
0x57: {  	_ =	shalt  }
0x58: {  	_ =	shalt  }
0x59: {  	_ =	shalt  }
0x5a: {  	_ =	shalt  }
0x5b: {  	_ =	shalt  }
0x5c: {  	_ =	shalt  }
0x5d: {  	_ =	shalt  }
0x5e: {  	_ =	shalt  }
0x5f: {  	_ =	shalt  }
0x60: {  	_ =	shalt  }
0x61: {  	_ =	shalt  }
0x62: {  	_ =	shalt  }
0x63: {  	_ =	shalt  }
0x64: {  	_ =	shalt  }
0x65: {  	_ =	shalt  }
0x66: {  	_ =	shalt  }
0x67: {  	_ =	shalt  }
0x68: {  	_ =	shalt  }
0x69: {  	_ =	shalt  }
0x6a: {  	_ =	shalt  }
0x6b: {  	_ =	shalt  }
0x6c: {  	_ =	shalt  }
0x6d: {  	_ =	shalt  }
0x6e: {  	_ =	shalt  }
0x6f: {  	_ =	shalt  }
0x70: {  	_ =	shalt  }
0x71: {  	_ =	shalt  }
0x72: {  	_ =	shalt  }
0x73: {  	_ =	shalt  }
0x74: {  	_ =	shalt  }
0x75: {  	_ =	shalt  }
0x76: {  	_ =	shalt  }
0x77: {  	_ =	shalt  }
0x78: {  	_ =	shalt  }
0x79: {  	_ =	shalt  }
0x7a: {  	_ =	shalt  }
0x7b: {  	_ =	shalt  }
0x7c: {  	_ =	shalt  }
0x7d: {  	_ =	shalt  }
0x7e: {  	_ =	shalt  }
0x7f: {  	_ =	shalt  }
0x80: {  	_ =	shalt  }
0x81: {  	_ =	shalt  }
0x82: {  	_ =	shalt  }
0x83: {  	_ =	shalt  }
0x84: {  	_ =	shalt  }
0x85: {  	_ =	shalt  }
0x86: {  	_ =	shalt  }
0x87: {  	_ =	shalt  }
.Lfunc_end0:
.L_simem_size_0:
called_computation.1_lowered:
.L_overlay_start_0:
0x88: {  	s2 =	sld [smem:$0x3FD9]  }
0x89: {  	s3 =	sld [smem:$0x3FFE];
	_ =	sdelay $0x1  }
0x8a: {  	s1 =	srdreg.scid  }
0x8b: {  	s0 =	sand.u32 $0x1, s1  }
0x8c: {  	s16 =	sshll.u32 s0, $0xA;
	s2 =	sadd.s32 s3, s2  }
0x8d: {  	s2 =	sadd.s32 s2, s16  }
0x8e: {  	[smem:$0x3FB1] =	sst s2  }
0x8f: {  	_ = 	snop  }
0x90: {  	(tm) =	ssettm $0x1  }
0x91: {  	s17 =	sld [smem:$0x3FFB];
	_ =	sdelay $0x3  }
0x92: {  	_ =	strace s17  }
0x93: {  	s2 =	sld [smem:$0x3FFC];
	_ =	sdelay $0x3  }
0x94: {  	_ =	strace s2  }
0x95: {  	s2 =	sld [smem:$0x3FFD];
	_ =	sdelay $0x3  }
0x96: {  	_ =	strace s2  }
0x97: {  	_ =	strace $0x8FFFFFFF  }
0x98: {  	s18 =	sld [smem:$0x3FDB];
	_ =	sdelay $0x1  }
0x99: {  	s19 =	simm.s32 $_scs_section_size  }
0x9a: {  	s4 =	simm.s32 $_size__tile_overlayer_lowered;
	s5 =	simm.s32 $_tile_overlayer_lowered  }
0x9b: {  	s22 =	simm.s32 $0x1BFF;
	s21 =	sshll.u32 s5, $0x1;
	s2 =	sadd.s32 s19, s18  }
0x9c: {  	s6 =	simm.s32 $0x0;
	s20 =	sshll.u32 s4, $0x1;
	s4 =	sadd.s32 s21, s2  }
0x9d: {  	[timem:s6], [sflag:s22] =	dma.local [hbm:s4], s20  }
0x9e: {  	_ =	swait.ge [sflag:s22], s20  }
0x9f: {  	s3 =	ssub.s32 $0x0, s20;
	[sflag:s22] =	ssyncset.done $0x0  }
0xa0: {  	[sflag:s22] =	ssyncadd.s32 s3;
	_ =	sdelay $0x1  }
0xa1: {  	s23 =	simm.s32 $0x1B8B  }
0xa2: {  	_ =	swait.ge [sflag:s23], $0x1  }
0xa3: {  	[sflag:s23] =	ssyncset.done $0x0  }
0xa4: {  	s25 =	simm.s32 $0x1B8E;
	s24 =	sld [smem:$0x3FFE];
	[sflag:s23] =	ssyncadd.s32 $0xFFFFFFFF  }
0xa5: {  	s26 =	simm.s32 $execute0_lowered;
	[smem:$0x3FD2] =	sst s25  }
0xa6: {  	s4 =	sshll.u32 s26, $0x1;
	_ =	strace $0x80000049;
	[dreg:$0x1] =	wrdreg $0xFFFFFFFF  }
0xa7: {  	s28 =	simm.s32 $_size_execute0_lowered;
	s2 =	sadd.s32 s2, s4;
	[dreg:$0x0] =	wrdreg $0x0  }
0xa8: {  	s4 =	sshll.u32 s28, $0x1;
	[dreg:$0x2] =	wrdreg s2  }
0xa9: {  	[dreg:$0x3] =	wrdreg s4  }
0xaa: {  	[dreg:$0x4] =	wrdreg $0xC0  }
0xab: {  	_ =	task [dreg:s6], $0x5FFFF  }
0xac: {  	[dreg:$0x1] =	wrdreg $0xFFFFFFFF  }
0xad: {  	[dreg:$0x0] =	wrdreg $0x60  }
0xae: {  	[dreg:$0x2] =	wrdreg s24  }
0xaf: {  	[dreg:$0x3] =	wrdreg $0x7F000  }
0xb0: {  	[dreg:$0x4] =	wrdreg $0x9  }
0xb1: {  	_ =	task.clear_ibuf [dreg:s6], $0x5FFFF;
	_ =	strace $0x90000049  }
0xb2: {  	s29 =	simm.s32 $0x9;
	_ =	strace $0x8000004B  }
0xb3: {  	_ =	swait.ge [sflag:s29], $0x1  }
0xb4: {  	[sflag:s29] =	ssyncadd.s32 $0xFFFFFFFF  }
0xb5: {  	_ =	strace $0x9000004B  }
0xb6: {  	_ =	sfence  }
0xb7: {  	s30 =	sld [smem:$0x0];
	_ =	sdelay $0x2  }
0xb8: {  	s31 =	sshll.u32 s1, $0xD;
	s1 =	sshrl.u32 s1, $0x2  }
0xb9: {  	s3 =	sand.u32 $0x4000, s31;
	s1 =	sadd.s32 s1, s30  }
0xba: {  	s0 =	sor.u32 s3, s0;
	s1 =	sshll.u32 s1, $0x11  }
0xbb: {  	s0 =	sor.u32 s1, s0  }
0xbc: {  	s0 =	sadd.s32 $0x8F2B, s0  }
0xbd: {  	[sflag:s0] =	ssyncadd.remote.s32 $0x1  }
0xbe: {  	_ =	sfence.sel $0xFFFF  }
0xbf: {  	[dreg:$0x0] =	wrdreg $0xFFFFFFFF;
	(pc) =	sbr.abs _section_cstart, $3  }
0xc0: {  	[dreg:$0x1] =	wrdreg $0xFFFFFFFF  }
0xc1: {  	_ =	task.clear_ibuf [dreg:s6], $0x2FFFF;
	_ =	strace $0x9FFFFFFF  }
0xc2: {  	(tm) =	ssettm $0x7FFFFFFF  }
0xc3: {  	_ =	shalt  }
tec
execute0_lowered:
.L_overlay_start_1:
0x0: {  	(tag) =	ssettag $0x1  }
0x1: {  	s1 =	srdreg.scid;
	s7 =	rddreg [dreg:$0x0]  }
0x2: {  	s0 =	stileid.u32;
	s2 =	rddreg [dreg:$0x1];
	s3 =	simm.s32 $0x0  }
0x3: {  	s16 =	simm.s32 $0x6F00;
	s17 =	simm.s32 $0x2;
	s18 =	simm.s32 $0x2780  }
0x4: {  	s19 =	simm.s32 $0x80;
	s20 =	simm.s32 $0x4F00;
	s21 =	simm.s32 $0x1  }
0x5: {  	s22 =	simm.s32 $0x5F00;
	s8 =	sand.u32 $0x1, s1;
	s9 =	smul.u32 $0x9E0, s0  }
0x6: {  	s30 =	sshll.u32 s0, $0x1;
	s1 =	rddreg [dreg:$0x2];
	s11 =	smul.u32 $0x13C00, s0  }
0x7: {  	[smem:$0x7FF] =	sst s3;
	s4 =	sor.u32 s8, s30;
	s10 =	smul.u32 $0x9E00, s8  }
0x8: {  	s5 =	sadd.s32 $0x4B600, s7;
	s8 =	ssub.s32 $0x2, s8;
	s4 =	smul.u32 $0x2780, s4  }
0x9: {  	_ =	strace $0x8000004A;
	s31 =	sshrl.u32 s8, $0x1;
	s11 =	sshrl.u32 s11, $0x2  }
0xa: {  	s9 =	sadd.s32 s9, s10;
	s15 =	ssub.s32 s8, s31;
	s6 =	sshrl.u32 s4, $0x3  }
0xb: {  	s14 =	sadd.s32 s9, s7;
	s15 =	smax.u32 s15, $0x1;
	s13 =	sadd.s32 s6, s7  }
0xc: {  	s6 =	sadd.s32 $0x53B400, s7;
	s7 =	sadd.s32 s11, s2;
	s14 =	sadd.s32 $0x4000, s14  }
0xd: {  	s8 =	sadd.s32 $0x1000, s7;
	s9 =	sadd.s32 $0x2000, s7;
	s10 =	sadd.s32 $0x3000, s7  }
0xe: {  	v0 =	vimm.f32 $0.0e+00;
	s11 =	sadd.s32 $0x4000, s7;
	s12 =	sadd.s32 $0x41600, s13;
	s13 =	sadd.s32 $0x37800, s13  }
.LBB2_1:
0xf: {  	s23 =	simm.s32 $0x80;
	s24 =	simm.s32 $0x0  }
.LBB2_2:
0x10: {  	p0 =	sne.s32 s23, $0x3F80;
	[tilespmem:s24+$0x6F00] =	vst v0;
	s25 =	smov.u32 s23;
	s23 =	sadd.s32 $0x80, s23  }
.Ltmp0:
0x11: {  	[tilespmem:s24+$0x6F10] =	vst v0;
	(pc) =	sbr.rel @p0 .LBB2_2-.Ltmp0, $2  }
0x12: {  	_ =	sdelay $0x2  }
0x13: {  	s24 =	sshra.s32 s25, $0x2  }
0x14: {  	[tilespmem:s24+$0x6F00] =	vst v0  }
0x15: {  	[tilespmem:s24+$0x6F10] =	vst v0  }
0x16: {  	[spmem:s7] =	stream.linear.scatter [tilespmem:s16], [sflag:$0x2], $0x1000, $0x38;
	[tilespmem:$0xCE00] =	vst v63  }
0x17: {  	_ =	swait.ge [sflag:s17], $0x1000  }
0x18: {  	[sflag:s17] =	ssyncset.done $0x0  }
0x19: {  	[sflag:s17] =	ssyncadd.s32 $0xFFFFF000  }
0x1a: {  	[spmem:s8] =	stream.linear.scatter [tilespmem:s16], [sflag:$0x2], $0x1000, $0x38;
	[tilespmem:$0xCE00] =	vst v63  }
0x1b: {  	_ =	swait.ge [sflag:s17], $0x1000  }
0x1c: {  	[sflag:s17] =	ssyncset.done $0x0  }
0x1d: {  	[sflag:s17] =	ssyncadd.s32 $0xFFFFF000  }
0x1e: {  	[spmem:s9] =	stream.linear.scatter [tilespmem:s16], [sflag:$0x2], $0x1000, $0x38;
	[tilespmem:$0xCE00] =	vst v63  }
0x1f: {  	_ =	swait.ge [sflag:s17], $0x1000  }
0x20: {  	[sflag:s17] =	ssyncset.done $0x0  }
0x21: {  	[sflag:s17] =	ssyncadd.s32 $0xFFFFF000  }
0x22: {  	[spmem:s10] =	stream.linear.scatter [tilespmem:s16], [sflag:$0x2], $0x1000, $0x38;
	[tilespmem:$0xCE00] =	vst v63  }
0x23: {  	_ =	swait.ge [sflag:s17], $0x1000  }
0x24: {  	[sflag:s17] =	ssyncset.done $0x0  }
0x25: {  	[sflag:s17] =	ssyncadd.s32 $0xFFFFF000  }
0x26: {  	[spmem:s11] =	stream.linear.scatter [tilespmem:s16], [sflag:$0x2], $0xF00, $0x38;
	[tilespmem:$0xCE00] =	vst v63  }
0x27: {  	_ =	swait.ge [sflag:s17], $0xF00  }
0x28: {  	[sflag:s17] =	ssyncset.done $0x0  }
0x29: {  	s23 =	simm.s32 $0x0;
	[sflag:s17] =	ssyncadd.s32 $0xFFFFF100  }
0x2a: {  	[tilespmem:s23], [sflag:$0x2] =	stream.linear.gather [hbm4b:s12+s23], $0x2780, $0x38;
	[tilespmem:$0xCE00] =	vst v63  }
0x2b: {  	_ =	swait.ge [sflag:s17], $0x2780  }
0x2c: {  	[sflag:s17] =	ssyncset.done $0x0  }
0x2d: {  	[sflag:s17] =	ssyncadd.s32 $0xFFFFD880  }
0x2e: {  	[tilespmem:s18], [sflag:$0x2] =	stream.linear.gather [hbm4b:s13+s23], $0x2780, $0x38;
	[tilespmem:$0xCE00] =	vst v63  }
0x2f: {  	_ =	swait.ge [sflag:s17], $0x2780  }
0x30: {  	[sflag:s17] =	ssyncset.done $0x0  }
0x31: {  	[sflag:s17] =	ssyncadd.s32 $0xFFFFD880  }
0x32: {  	s24 =	simm.s32 $0x0;
	[bflag:$0x0] =	sbarrier.arrive $0xFFFF  }
.LBB2_4:
0x33: {  	s25 =	sshll.u32 s24, $0x7  }
0x34: {  	[tilespmem:s20], [sflag:$0x1] =	stream.indirect.gather [hbm4b:s5+s19], $0x20, s25, s19, $0xb8;
	[tilespmem:$0xCE00] =	vst v63  }
0x35: {  	s26 =	sadd.s32 s4, s25;
	_ =	swait.ge [sflag:s21], $0x1000  }
0x36: {  	s26 =	sshll.u32 s26, $0x2;
	[sflag:s21] =	ssyncset.done $0x0  }
0x37: {  	s26 =	sadd.s32 s6, s26;
	[sflag:s21] =	ssyncadd.s32 $0xFFFFF000  }
0x38: {  	[tilespmem:s22], [sflag:$0x2] =	stream.linear.gather [hbm4b:s26+s23], $0x1000, $0x38;
	[tilespmem:$0xCE00] =	vst v63  }
0x39: {  	_ =	swait.ge [sflag:s17], $0x1000  }
0x3a: {  	[sflag:s17] =	ssyncset.done $0x0  }
0x3b: {  	s26 =	simm.s32 $0x0;
	[sflag:s17] =	ssyncadd.s32 $0xFFFFF000  }
0x3c: {  	v1 =	vld [tilespmem:s26+$0x5F00]  }
0x3d: {  	s28 =	simm.s32 $0x80;
	v2 =	vld [tilespmem:s26+$0x4F00]  }
.LBB2_5:
0x3e: {  	p0 =	sne.s32 s28, $0x3F80;
	v3 =	vld [tilespmem:s26+$0x4F10];
	_ =	sdelay $0x2  }
.Ltmp1:
0x3f: {  	(pc) =	sbr.rel @p0 .LBB2_5-.Ltmp1, $4  }
0x40: {  	v2 =	vmul.f32 v2, v1  }
0x41: {  	s29 =	sshra.s32 s28, $0x2;
	v3 =	vmul.f32 v3, v1  }
0x42: {  	v1 =	vld [tilespmem:s29+$0x5F00];
	[tilespmem:s26+$0x4F00] =	vst v2  }
0x43: {  	s28 =	sadd.s32 $0x80, s28;
	v2 =	vld [tilespmem:s29+$0x4F00];
	[tilespmem:s26+$0x4F10] =	vst v3;
	s26 =	smov.u32 s29  }
0x44: {  	v3 =	vld [tilespmem:s26+$0x4F10];
	_ =	sdelay $0x3  }
0x45: {  	v2 =	vmul.f32 v2, v1  }
0x46: {  	s24 =	sadd.s32 $0x1, s24;
	v1 =	vmul.f32 v3, v1  }
0x47: {  	p0 =	sne.s32 s24, $0x4F;
	[tilespmem:s26+$0x4F00] =	vst v2  }
.Ltmp2:
0x48: {  	s25 =	sadd.s32 $0x2780, s25;
	[tilespmem:s26+$0x4F10] =	vst v1;
	(pc) =	sbr.rel @p0 .LBB2_4-.Ltmp2, $4  }
0x49: {  	[spmem:s2] =	stream.indirect.scatter.add.f32 [tilespmem:s20], [sflag:$0x2], $0x20, s25, s19, $0xb8;
	[tilespmem:$0xCE00] =	vst v63  }
0x4a: {  	_ =	swait.ge [sflag:s17], $0x1000  }
0x4b: {  	[sflag:s17] =	ssyncset.done $0x0  }
0x4c: {  	[sflag:s17] =	ssyncadd.s32 $0xFFFFF000  }
0x4d: {  	s3 =	sadd.s32 $0x1, s3  }
0x4e: {  	s23 =	sshll.u32 s0, $0x6;
	[bflag:$0x0] =	sbarrier.arrive $0xFFFF;
	p0 =	sne.s32 s3, s15  }
.Ltmp3:
0x4f: {  	s24 =	sshrl.u32 s7, $0x3;
	s23 =	sor.u32 $0x1C02, s23;
	(pc) =	sbr.rel @p0 .LBB2_1-.Ltmp3, $4  }
0x50: {  	[hbm:s14], [sflag:s23] =	dma.local [spmem:s24], $0x9E0  }
0x51: {  	_ =	swait.ge [sflag:s17], $0x9E0  }
0x52: {  	[sflag:s17] =	ssyncset.done $0x0  }
0x53: {  	[sflag:s17] =	ssyncadd.s32 $0xFFFFF620  }
0x54: {  	_ =	sfence.sel $0x180000  }
0x55: {  	[bflag:$0x0] =	sbarrier.arrive $0xFFFF  }
0x56: {  	p0 =	sne.s32 s0, $0x0;
	_ =	strace $0x9000004A  }
0x57: {  	s0 =	sadd.s32 @!p0 $0x100000, s1;
	[bflag:$0x2] =	sbarrier.arrive $0xFFFF  }
0x58: {  	[sflag:s0] =	ssyncadd.tile.s32 @!p0 $0x1;
	_ =	shalt  }
.Lfunc_end2:
_tile_overlayer_lowered:
.L_overlay_start_2:
0x59: {  	(tag) =	ssettag $0x2  }
0x5a: {  	s0 =	rddreg [dreg:$0x0];
	s2 =	stileid.u32  }
0x5b: {  	s1 =	rddreg [dreg:$0x1];
	p0 =	sne.s32 s2, $0x0  }
0x5c: {  	s3 =	rddreg [dreg:$0x2];
	[bflag:$0x3] =	sbarrier.arrive $0xFFFF;
	s2 =	simm.s32 @!p0 $0x1C02  }
0x5d: {  	[timem:s3], [sflag:s2] =	dma.local @!p0 [hbm:s0], s1  }
0x5e: {  	s0 =	simm.s32 @!p0 $0x2  }
0x5f: {  	_ =	swait.ge @!p0 [sflag:s0], s1  }
0x60: {  	s1 =	ssub.s32 @!p0 $0x0, s1;
	[sflag:s0] =	ssyncset.done @!p0 $0x0  }
0x61: {  	[sflag:s0] =	ssyncadd.s32 @!p0 s1  }
0x62: {  	[bflag:$0x3] =	sbarrier.arrive $0xFFFF  }
0x63: {  	_ =	shalt  }

// kernel: kernel.15.cloned.1.call-start
scs
__scs_entry_jumppad:
0x0: {  	(pc) =	sbr.rel $0x88, $3  }
0x1: {  	(tag) =	ssettag $0x0;
	lr =	simm.s32 $0x1  }
0x2: {  	[smem:$0x3F8A] =	sst lr;
	_ =	strace $0xD0000000  }
0x3: {  	_ = 	snop  }
0x4: {  	_ = 	snop  }
0x5: {  	_ = 	snop  }
0x6: {  	_ = 	snop  }
0x7: {  	_ = 	snop  }
__scs_overlays_trampoline_lowered:
0x8: {  	[smem:$0x3F99] =	sst s0  }
0x9: {  	[smem:$0x3F9A] =	sst s1  }
0xa: {  	[smem:$0x3F9B] =	sst s2  }
0xb: {  	[smem:$0x3F9C] =	sst s3  }
0xc: {  	[smem:$0x3F9D] =	sst s4  }
0xd: {  	[smem:$0x3F9E] =	sst s5  }
0xe: {  	[smem:$0x3F9F] =	sst s6  }
0xf: {  	[smem:$0x3FA0] =	sst s7  }
0x10: {  	[smem:$0x3FA1] =	sst s8  }
0x11: {  	[smem:$0x3FA2] =	sst s9;
	s0 =	simm.s32 @!p0 $0x0  }
0x12: {  	s1 =	sld [smem:$0x3F88];
	s0 =	simm.s32 @p0 $0x1  }
0x13: {  	[smem:$0x3FA3] =	sst s0;
	s0 =	simm.s32 @!p1 $0x0  }
0x14: {  	s2 =	sld [smem:$0x3F87];
	s0 =	simm.s32 @p1 $0x1  }
0x15: {  	[smem:$0x3FA4] =	sst s0;
	s0 =	simm.s32 @!p2 $0x0  }
0x16: {  	s3 =	sld [smem:$0x3FDB];
	s0 =	simm.s32 @p2 $0x1  }
0x17: {  	s4 =	simm.s32 $0x1BF5;
	[smem:$0x3FA6] =	sst s0  }
0x18: {  	s0 =	sld [smem:$0x3F89];
	_ =	swait.ge [sflag:s4], $0x0  }
0x19: {  	s7 =	sld [smem:$0x3F8A]  }
0x1a: {  	s8 =	sadd.s32 $0xFFFFE003, lr  }
0x1b: {  	s9 =	sadd.s32 $0xFFFFFEF7, lr;
	s5 =	simm.s32 $0xFFFFFFFF;
	p2 =	slt.u32 s8, $0xFFFFF086  }
0x1c: {  	p1 =	slt.u32 s9, $0xF7A;
	s5 =	simm.s32 @!p2 $0x0  }
0x1d: {  	s5 =	simm.s32 @p1 $0x1;
	p0 =	seq.s32 s7, s2  }
0x1e: {  	s7 =	smul.u32 @!p0 $0xF7A, s2;
	p2 =	seq.s32 @!p0 s5, $0x0  }
0x1f: {  	s9 =	smul.u32 $0xF7A, s1;
	s8 =	simm.s32 @!p0 $0x1BF5;
	p2 =	por !p2, p0  }
0x20: {  	[sflag:s8] =	ssyncset.s32 @!p0 $0xFFFFF086;
	s6 =	sadd.s32 @!p0 s3, s7;
	s7 =	simm.s32 @!p0 $0x108  }
0x21: {  	s3 =	sadd.s32 s3, s9;
	s6 =	sadd.s32 @!p0 $0x88, s6;
	s7 =	simm.s32 @p2 $0x1082  }
0x22: {  	[simem:s7], [sflag:s8] =	dma.local @!p0 [hbm:s6], $0xF7A  }
0x23: {  	s9 =	sor.u32 $0xD0000000, s2;
	s6 =	simm.s32 $0x108;
	_ =	swait.ge @!p0 [sflag:s8], $0x0  }
0x24: {  	s3 =	sadd.s32 $0x88, s3;
	s6 =	simm.s32 @!p1 $0x1082;
	[sflag:s4] =	ssyncset.s32 $0xFFFFF086  }
0x25: {  	[simem:s6], [sflag:s4] =	dma.local [hbm:s3], $0xF7A  }
0x26: {  	[smem:$0x3F8A] =	sst s1;
	(tag) =	ssettag s2;
	_ =	strace s9  }
0x27: {  	s1 =	sld [smem:$0x3F9A]  }
0x28: {  	s2 =	sld [smem:$0x3F9B]  }
0x29: {  	s4 =	sld [smem:$0x3F9D]  }
0x2a: {  	p0 =	seq.s32 s5, $0x0;
	s5 =	sld [smem:$0x3F9E]  }
0x2b: {  	s6 =	sld [smem:$0x3F9F]  }
0x2c: {  	s7 =	sld [smem:$0x3FA0]  }
0x2d: {  	s3 =	simm.s32 $0x108;
	s8 =	sld [smem:$0x3FA1]  }
0x2e: {  	s3 =	simm.s32 @!p0 $0x1082;
	s9 =	sld [smem:$0x3FA2]  }
0x2f: {  	lr =	sadd.s32 s0, s3;
	s0 =	sld [smem:$0x3F99]  }
0x30: {  	s3 =	sld [smem:$0x3F9C]  }
0x31: {  	[smem:$0x3FA5] =	sst s10  }
0x32: {  	s10 =	sld [smem:$0x3FA3];
	_ =	sdelay $0x3  }
0x33: {  	p0 =	seq.s32 s10, $0x1;
	s10 =	sld [smem:$0x3FA5];
	_ =	sdelay $0x3  }
0x34: {  	[smem:$0x3FA5] =	sst s10  }
0x35: {  	s10 =	sld [smem:$0x3FA4];
	_ =	sdelay $0x3  }
0x36: {  	p1 =	seq.s32 s10, $0x1;
	s10 =	sld [smem:$0x3FA5];
	_ =	sdelay $0x3  }
0x37: {  	[smem:$0x3FA5] =	sst s10  }
0x38: {  	s10 =	sld [smem:$0x3FA6]  }
0x39: {  	_ = 	snop;
	(pc) =	sbr.ind lr, $3  }
0x3a: {  	_ = 	snop  }
0x3b: {  	_ = 	snop  }
0x3c: {  	p2 =	seq.s32 s10, $0x1;
	s10 =	sld [smem:$0x3FA5]  }
0x3d: {  	_ =	shalt  }
0x3e: {  	_ =	shalt  }
0x3f: {  	_ =	shalt  }
0x40: {  	_ =	shalt  }
0x41: {  	_ =	shalt  }
0x42: {  	_ =	shalt  }
0x43: {  	_ =	shalt  }
0x44: {  	_ =	shalt  }
0x45: {  	_ =	shalt  }
0x46: {  	_ =	shalt  }
0x47: {  	_ =	shalt  }
0x48: {  	_ =	shalt  }
0x49: {  	_ =	shalt  }
0x4a: {  	_ =	shalt  }
0x4b: {  	_ =	shalt  }
0x4c: {  	_ =	shalt  }
0x4d: {  	_ =	shalt  }
0x4e: {  	_ =	shalt  }
0x4f: {  	_ =	shalt  }
0x50: {  	_ =	shalt  }
0x51: {  	_ =	shalt  }
0x52: {  	_ =	shalt  }
0x53: {  	_ =	shalt  }
0x54: {  	_ =	shalt  }
0x55: {  	_ =	shalt  }
0x56: {  	_ =	shalt  }
0x57: {  	_ =	shalt  }
0x58: {  	_ =	shalt  }
0x59: {  	_ =	shalt  }
0x5a: {  	_ =	shalt  }
0x5b: {  	_ =	shalt  }
0x5c: {  	_ =	shalt  }
0x5d: {  	_ =	shalt  }
0x5e: {  	_ =	shalt  }
0x5f: {  	_ =	shalt  }
0x60: {  	_ =	shalt  }
0x61: {  	_ =	shalt  }
0x62: {  	_ =	shalt  }
0x63: {  	_ =	shalt  }
0x64: {  	_ =	shalt  }
0x65: {  	_ =	shalt  }
0x66: {  	_ =	shalt  }
0x67: {  	_ =	shalt  }
0x68: {  	_ =	shalt  }
0x69: {  	_ =	shalt  }
0x6a: {  	_ =	shalt  }
0x6b: {  	_ =	shalt  }
0x6c: {  	_ =	shalt  }
0x6d: {  	_ =	shalt  }
0x6e: {  	_ =	shalt  }
0x6f: {  	_ =	shalt  }
0x70: {  	_ =	shalt  }
0x71: {  	_ =	shalt  }
0x72: {  	_ =	shalt  }
0x73: {  	_ =	shalt  }
0x74: {  	_ =	shalt  }
0x75: {  	_ =	shalt  }
0x76: {  	_ =	shalt  }
0x77: {  	_ =	shalt  }
0x78: {  	_ =	shalt  }
0x79: {  	_ =	shalt  }
0x7a: {  	_ =	shalt  }
0x7b: {  	_ =	shalt  }
0x7c: {  	_ =	shalt  }
0x7d: {  	_ =	shalt  }
0x7e: {  	_ =	shalt  }
0x7f: {  	_ =	shalt  }
0x80: {  	_ =	shalt  }
0x81: {  	_ =	shalt  }
0x82: {  	_ =	shalt  }
0x83: {  	_ =	shalt  }
0x84: {  	_ =	shalt  }
0x85: {  	_ =	shalt  }
0x86: {  	_ =	shalt  }
0x87: {  	_ =	shalt  }
.Lfunc_end0:
.L_simem_size_0:
called_computation.2_lowered:
.L_overlay_start_0:
0x88: {  	s2 =	sld [smem:$0x3FD9]  }
0x89: {  	s3 =	sld [smem:$0x3FFE];
	_ =	sdelay $0x1  }
0x8a: {  	s1 =	srdreg.scid  }
0x8b: {  	s0 =	sand.u32 $0x1, s1  }
0x8c: {  	s16 =	sshll.u32 s0, $0xA;
	s2 =	sadd.s32 s3, s2  }
0x8d: {  	s2 =	sadd.s32 s2, s16  }
0x8e: {  	[smem:$0x3FB1] =	sst s2  }
0x8f: {  	_ = 	snop  }
0x90: {  	(tm) =	ssettm $0x1  }
0x91: {  	s17 =	sld [smem:$0x3FFB];
	_ =	sdelay $0x3  }
0x92: {  	_ =	strace s17  }
0x93: {  	s2 =	sld [smem:$0x3FFC];
	_ =	sdelay $0x3  }
0x94: {  	_ =	strace s2  }
0x95: {  	s2 =	sld [smem:$0x3FFD];
	_ =	sdelay $0x3  }
0x96: {  	_ =	strace s2  }
0x97: {  	_ =	strace $0x8FFFFFFF  }
0x98: {  	s18 =	sld [smem:$0x3FDB];
	_ =	sdelay $0x1  }
0x99: {  	s19 =	simm.s32 $_scs_section_size  }
0x9a: {  	s4 =	simm.s32 $_size__tile_overlayer_lowered;
	s5 =	simm.s32 $_tile_overlayer_lowered  }
0x9b: {  	s22 =	simm.s32 $0x1BFF;
	s21 =	sshll.u32 s5, $0x1;
	s2 =	sadd.s32 s19, s18  }
0x9c: {  	s6 =	simm.s32 $0x0;
	s20 =	sshll.u32 s4, $0x1;
	s4 =	sadd.s32 s21, s2  }
0x9d: {  	[timem:s6], [sflag:s22] =	dma.local [hbm:s4], s20  }
0x9e: {  	_ =	swait.ge [sflag:s22], s20  }
0x9f: {  	s3 =	ssub.s32 $0x0, s20;
	[sflag:s22] =	ssyncset.done $0x0  }
0xa0: {  	[sflag:s22] =	ssyncadd.s32 s3;
	_ =	sdelay $0x1  }
0xa1: {  	s23 =	simm.s32 $0x1B8B  }
0xa2: {  	_ =	swait.ge [sflag:s23], $0x1  }
0xa3: {  	[sflag:s23] =	ssyncset.done $0x0  }
0xa4: {  	s25 =	simm.s32 $0x1B8E;
	s24 =	sld [smem:$0x3FFE];
	[sflag:s23] =	ssyncadd.s32 $0xFFFFFFFF  }
0xa5: {  	s26 =	simm.s32 $execute0_lowered;
	[smem:$0x3FD2] =	sst s25  }
0xa6: {  	s4 =	sshll.u32 s26, $0x1;
	_ =	strace $0x8000004C;
	[dreg:$0x1] =	wrdreg $0xFFFFFFFF  }
0xa7: {  	s28 =	simm.s32 $_size_execute0_lowered;
	s2 =	sadd.s32 s2, s4;
	[dreg:$0x0] =	wrdreg $0x0  }
0xa8: {  	s4 =	sshll.u32 s28, $0x1;
	[dreg:$0x2] =	wrdreg s2  }
0xa9: {  	[dreg:$0x3] =	wrdreg s4  }
0xaa: {  	[dreg:$0x4] =	wrdreg $0xC0  }
0xab: {  	_ =	task [dreg:s6], $0x5FFFF  }
0xac: {  	[dreg:$0x1] =	wrdreg $0xFFFFFFFF  }
0xad: {  	[dreg:$0x0] =	wrdreg $0x60  }
0xae: {  	[dreg:$0x2] =	wrdreg s24  }
0xaf: {  	[dreg:$0x3] =	wrdreg $0x7F000  }
0xb0: {  	[dreg:$0x4] =	wrdreg $0x9  }
0xb1: {  	_ =	task.clear_ibuf [dreg:s6], $0x5FFFF;
	_ =	strace $0x9000004C  }
0xb2: {  	s29 =	simm.s32 $0x9;
	_ =	strace $0x8000004E  }
0xb3: {  	_ =	swait.ge [sflag:s29], $0x1  }
0xb4: {  	[sflag:s29] =	ssyncadd.s32 $0xFFFFFFFF  }
0xb5: {  	_ =	strace $0x9000004E  }
0xb6: {  	_ =	sfence  }
0xb7: {  	s30 =	sld [smem:$0x0];
	_ =	sdelay $0x2  }
0xb8: {  	s31 =	sshll.u32 s1, $0xD;
	s1 =	sshrl.u32 s1, $0x2  }
0xb9: {  	s3 =	sand.u32 $0x4000, s31;
	s1 =	sadd.s32 s1, s30  }
0xba: {  	s0 =	sor.u32 s3, s0;
	s1 =	sshll.u32 s1, $0x11  }
0xbb: {  	s0 =	sor.u32 s1, s0  }
0xbc: {  	s0 =	sadd.s32 $0x8F2B, s0  }
0xbd: {  	[sflag:s0] =	ssyncadd.remote.s32 $0x1  }
0xbe: {  	_ =	sfence.sel $0xFFFF  }
0xbf: {  	[dreg:$0x0] =	wrdreg $0xFFFFFFFF;
	(pc) =	sbr.abs _section_cstart, $3  }
0xc0: {  	[dreg:$0x1] =	wrdreg $0xFFFFFFFF  }
0xc1: {  	_ =	task.clear_ibuf [dreg:s6], $0x2FFFF;
	_ =	strace $0x9FFFFFFF  }
0xc2: {  	(tm) =	ssettm $0x7FFFFFFF  }
0xc3: {  	_ =	shalt  }
tec
execute0_lowered:
.L_overlay_start_1:
0x0: {  	(tag) =	ssettag $0x1  }
0x1: {  	s1 =	srdreg.scid;
	s7 =	rddreg [dreg:$0x0]  }
0x2: {  	s0 =	stileid.u32;
	s2 =	rddreg [dreg:$0x1];
	s3 =	simm.s32 $0x0  }
0x3: {  	s16 =	simm.s32 $0x6F00;
	s17 =	simm.s32 $0x2;
	s18 =	simm.s32 $0x2780  }
0x4: {  	s19 =	simm.s32 $0x80;
	s20 =	simm.s32 $0x4F00;
	s21 =	simm.s32 $0x1  }
0x5: {  	s22 =	simm.s32 $0x5F00;
	s8 =	sand.u32 $0x1, s1;
	s9 =	smul.u32 $0x9E0, s0  }
0x6: {  	s30 =	sshll.u32 s0, $0x1;
	s1 =	rddreg [dreg:$0x2];
	s11 =	smul.u32 $0x13C00, s0  }
0x7: {  	[smem:$0x7FF] =	sst s3;
	s4 =	sor.u32 s8, s30;
	s10 =	smul.u32 $0x9E00, s8  }
0x8: {  	s5 =	sadd.s32 $0x2D000, s7;
	s8 =	ssub.s32 $0x2, s8;
	s4 =	smul.u32 $0x2780, s4  }
0x9: {  	_ =	strace $0x8000004D;
	s31 =	sshrl.u32 s8, $0x1;
	s11 =	sshrl.u32 s11, $0x2  }
0xa: {  	s9 =	sadd.s32 s9, s10;
	s15 =	ssub.s32 s8, s31;
	s6 =	sshrl.u32 s4, $0x3  }
0xb: {  	s14 =	sadd.s32 s9, s7;
	s15 =	smax.u32 s15, $0x1;
	s13 =	sadd.s32 s6, s7  }
0xc: {  	s6 =	sadd.s32 $0x53B400, s7;
	s7 =	sadd.s32 s11, s2;
	s14 =	sadd.s32 $0x4000, s14  }
0xd: {  	s8 =	sadd.s32 $0x1000, s7;
	s9 =	sadd.s32 $0x2000, s7;
	s10 =	sadd.s32 $0x3000, s7  }
0xe: {  	v0 =	vimm.f32 $0.0e+00;
	s11 =	sadd.s32 $0x4000, s7;
	s12 =	sadd.s32 $0x41600, s13;
	s13 =	sadd.s32 $0x37800, s13  }
.LBB2_1:
0xf: {  	s23 =	simm.s32 $0x80;
	s24 =	simm.s32 $0x0  }
.LBB2_2:
0x10: {  	p0 =	sne.s32 s23, $0x3F80;
	[tilespmem:s24+$0x6F00] =	vst v0;
	s25 =	smov.u32 s23;
	s23 =	sadd.s32 $0x80, s23  }
.Ltmp0:
0x11: {  	[tilespmem:s24+$0x6F10] =	vst v0;
	(pc) =	sbr.rel @p0 .LBB2_2-.Ltmp0, $2  }
0x12: {  	_ =	sdelay $0x2  }
0x13: {  	s24 =	sshra.s32 s25, $0x2  }
0x14: {  	[tilespmem:s24+$0x6F00] =	vst v0  }
0x15: {  	[tilespmem:s24+$0x6F10] =	vst v0  }
0x16: {  	[spmem:s7] =	stream.linear.scatter [tilespmem:s16], [sflag:$0x2], $0x1000, $0x38;
	[tilespmem:$0xCE00] =	vst v63  }
0x17: {  	_ =	swait.ge [sflag:s17], $0x1000  }
0x18: {  	[sflag:s17] =	ssyncset.done $0x0  }
0x19: {  	[sflag:s17] =	ssyncadd.s32 $0xFFFFF000  }
0x1a: {  	[spmem:s8] =	stream.linear.scatter [tilespmem:s16], [sflag:$0x2], $0x1000, $0x38;
	[tilespmem:$0xCE00] =	vst v63  }
0x1b: {  	_ =	swait.ge [sflag:s17], $0x1000  }
0x1c: {  	[sflag:s17] =	ssyncset.done $0x0  }
0x1d: {  	[sflag:s17] =	ssyncadd.s32 $0xFFFFF000  }
0x1e: {  	[spmem:s9] =	stream.linear.scatter [tilespmem:s16], [sflag:$0x2], $0x1000, $0x38;
	[tilespmem:$0xCE00] =	vst v63  }
0x1f: {  	_ =	swait.ge [sflag:s17], $0x1000  }
0x20: {  	[sflag:s17] =	ssyncset.done $0x0  }
0x21: {  	[sflag:s17] =	ssyncadd.s32 $0xFFFFF000  }
0x22: {  	[spmem:s10] =	stream.linear.scatter [tilespmem:s16], [sflag:$0x2], $0x1000, $0x38;
	[tilespmem:$0xCE00] =	vst v63  }
0x23: {  	_ =	swait.ge [sflag:s17], $0x1000  }
0x24: {  	[sflag:s17] =	ssyncset.done $0x0  }
0x25: {  	[sflag:s17] =	ssyncadd.s32 $0xFFFFF000  }
0x26: {  	[spmem:s11] =	stream.linear.scatter [tilespmem:s16], [sflag:$0x2], $0xF00, $0x38;
	[tilespmem:$0xCE00] =	vst v63  }
0x27: {  	_ =	swait.ge [sflag:s17], $0xF00  }
0x28: {  	[sflag:s17] =	ssyncset.done $0x0  }
0x29: {  	s23 =	simm.s32 $0x0;
	[sflag:s17] =	ssyncadd.s32 $0xFFFFF100  }
0x2a: {  	[tilespmem:s23], [sflag:$0x2] =	stream.linear.gather [hbm4b:s12+s23], $0x2780, $0x38;
	[tilespmem:$0xCE00] =	vst v63  }
0x2b: {  	_ =	swait.ge [sflag:s17], $0x2780  }
0x2c: {  	[sflag:s17] =	ssyncset.done $0x0  }
0x2d: {  	[sflag:s17] =	ssyncadd.s32 $0xFFFFD880  }
0x2e: {  	[tilespmem:s18], [sflag:$0x2] =	stream.linear.gather [hbm4b:s13+s23], $0x2780, $0x38;
	[tilespmem:$0xCE00] =	vst v63  }
0x2f: {  	_ =	swait.ge [sflag:s17], $0x2780  }
0x30: {  	[sflag:s17] =	ssyncset.done $0x0  }
0x31: {  	[sflag:s17] =	ssyncadd.s32 $0xFFFFD880  }
0x32: {  	s24 =	simm.s32 $0x0;
	[bflag:$0x0] =	sbarrier.arrive $0xFFFF  }
.LBB2_4:
0x33: {  	s25 =	sshll.u32 s24, $0x7  }
0x34: {  	[tilespmem:s20], [sflag:$0x1] =	stream.indirect.gather [hbm4b:s5+s19], $0x20, s25, s19, $0xb8;
	[tilespmem:$0xCE00] =	vst v63  }
0x35: {  	s26 =	sadd.s32 s4, s25;
	_ =	swait.ge [sflag:s21], $0x1000  }
0x36: {  	s26 =	sshll.u32 s26, $0x2;
	[sflag:s21] =	ssyncset.done $0x0  }
0x37: {  	s26 =	sadd.s32 s6, s26;
	[sflag:s21] =	ssyncadd.s32 $0xFFFFF000  }
0x38: {  	[tilespmem:s22], [sflag:$0x2] =	stream.linear.gather [hbm4b:s26+s23], $0x1000, $0x38;
	[tilespmem:$0xCE00] =	vst v63  }
0x39: {  	_ =	swait.ge [sflag:s17], $0x1000  }
0x3a: {  	[sflag:s17] =	ssyncset.done $0x0  }
0x3b: {  	s26 =	simm.s32 $0x0;
	[sflag:s17] =	ssyncadd.s32 $0xFFFFF000  }
0x3c: {  	v1 =	vld [tilespmem:s26+$0x5F00]  }
0x3d: {  	s28 =	simm.s32 $0x80;
	v2 =	vld [tilespmem:s26+$0x4F00]  }
.LBB2_5:
0x3e: {  	p0 =	sne.s32 s28, $0x3F80;
	v3 =	vld [tilespmem:s26+$0x4F10];
	_ =	sdelay $0x2  }
.Ltmp1:
0x3f: {  	(pc) =	sbr.rel @p0 .LBB2_5-.Ltmp1, $4  }
0x40: {  	v2 =	vmul.f32 v2, v1  }
0x41: {  	s29 =	sshra.s32 s28, $0x2;
	v3 =	vmul.f32 v3, v1  }
0x42: {  	v1 =	vld [tilespmem:s29+$0x5F00];
	[tilespmem:s26+$0x4F00] =	vst v2  }
0x43: {  	s28 =	sadd.s32 $0x80, s28;
	v2 =	vld [tilespmem:s29+$0x4F00];
	[tilespmem:s26+$0x4F10] =	vst v3;
	s26 =	smov.u32 s29  }
0x44: {  	v3 =	vld [tilespmem:s26+$0x4F10];
	_ =	sdelay $0x3  }
0x45: {  	v2 =	vmul.f32 v2, v1  }
0x46: {  	s24 =	sadd.s32 $0x1, s24;
	v1 =	vmul.f32 v3, v1  }
0x47: {  	p0 =	sne.s32 s24, $0x4F;
	[tilespmem:s26+$0x4F00] =	vst v2  }
.Ltmp2:
0x48: {  	s25 =	sadd.s32 $0x2780, s25;
	[tilespmem:s26+$0x4F10] =	vst v1;
	(pc) =	sbr.rel @p0 .LBB2_4-.Ltmp2, $4  }
0x49: {  	[spmem:s2] =	stream.indirect.scatter.add.f32 [tilespmem:s20], [sflag:$0x2], $0x20, s25, s19, $0xb8;
	[tilespmem:$0xCE00] =	vst v63  }
0x4a: {  	_ =	swait.ge [sflag:s17], $0x1000  }
0x4b: {  	[sflag:s17] =	ssyncset.done $0x0  }
0x4c: {  	[sflag:s17] =	ssyncadd.s32 $0xFFFFF000  }
0x4d: {  	s3 =	sadd.s32 $0x1, s3  }
0x4e: {  	s23 =	sshll.u32 s0, $0x6;
	[bflag:$0x0] =	sbarrier.arrive $0xFFFF;
	p0 =	sne.s32 s3, s15  }
.Ltmp3:
0x4f: {  	s24 =	sshrl.u32 s7, $0x3;
	s23 =	sor.u32 $0x1C02, s23;
	(pc) =	sbr.rel @p0 .LBB2_1-.Ltmp3, $4  }
0x50: {  	[hbm:s14], [sflag:s23] =	dma.local [spmem:s24], $0x9E0  }
0x51: {  	_ =	swait.ge [sflag:s17], $0x9E0  }
0x52: {  	[sflag:s17] =	ssyncset.done $0x0  }
0x53: {  	[sflag:s17] =	ssyncadd.s32 $0xFFFFF620  }
0x54: {  	_ =	sfence.sel $0x180000  }
0x55: {  	[bflag:$0x0] =	sbarrier.arrive $0xFFFF  }
0x56: {  	p0 =	sne.s32 s0, $0x0;
	_ =	strace $0x9000004D  }
0x57: {  	s0 =	sadd.s32 @!p0 $0x100000, s1;
	[bflag:$0x2] =	sbarrier.arrive $0xFFFF  }
0x58: {  	[sflag:s0] =	ssyncadd.tile.s32 @!p0 $0x1;
	_ =	shalt  }
.Lfunc_end2:
_tile_overlayer_lowered:
.L_overlay_start_2:
0x59: {  	(tag) =	ssettag $0x2  }
0x5a: {  	s0 =	rddreg [dreg:$0x0];
	s2 =	stileid.u32  }
0x5b: {  	s1 =	rddreg [dreg:$0x1];
	p0 =	sne.s32 s2, $0x0  }
0x5c: {  	s3 =	rddreg [dreg:$0x2];
	[bflag:$0x3] =	sbarrier.arrive $0xFFFF;
	s2 =	simm.s32 @!p0 $0x1C02  }
0x5d: {  	[timem:s3], [sflag:s2] =	dma.local @!p0 [hbm:s0], s1  }
0x5e: {  	s0 =	simm.s32 @!p0 $0x2  }
0x5f: {  	_ =	swait.ge @!p0 [sflag:s0], s1  }
0x60: {  	s1 =	ssub.s32 @!p0 $0x0, s1;
	[sflag:s0] =	ssyncset.done @!p0 $0x0  }
0x61: {  	[sflag:s0] =	ssyncadd.s32 @!p0 s1  }
0x62: {  	[bflag:$0x3] =	sbarrier.arrive $0xFFFF  }
0x63: {  	_ =	shalt  }

// kernel: kernel.9.cloned.1.call-start
scs
__scs_entry_jumppad:
0x0: {  	(pc) =	sbr.rel $0x88, $3  }
0x1: {  	(tag) =	ssettag $0x0;
	lr =	simm.s32 $0x1  }
0x2: {  	[smem:$0x3F8A] =	sst lr;
	_ =	strace $0xD0000000  }
0x3: {  	_ = 	snop  }
0x4: {  	_ = 	snop  }
0x5: {  	_ = 	snop  }
0x6: {  	_ = 	snop  }
0x7: {  	_ = 	snop  }
__scs_overlays_trampoline_lowered:
0x8: {  	[smem:$0x3F99] =	sst s0  }
0x9: {  	[smem:$0x3F9A] =	sst s1  }
0xa: {  	[smem:$0x3F9B] =	sst s2  }
0xb: {  	[smem:$0x3F9C] =	sst s3  }
0xc: {  	[smem:$0x3F9D] =	sst s4  }
0xd: {  	[smem:$0x3F9E] =	sst s5  }
0xe: {  	[smem:$0x3F9F] =	sst s6  }
0xf: {  	[smem:$0x3FA0] =	sst s7  }
0x10: {  	[smem:$0x3FA1] =	sst s8  }
0x11: {  	[smem:$0x3FA2] =	sst s9;
	s0 =	simm.s32 @!p0 $0x0  }
0x12: {  	s1 =	sld [smem:$0x3F88];
	s0 =	simm.s32 @p0 $0x1  }
0x13: {  	[smem:$0x3FA3] =	sst s0;
	s0 =	simm.s32 @!p1 $0x0  }
0x14: {  	s2 =	sld [smem:$0x3F87];
	s0 =	simm.s32 @p1 $0x1  }
0x15: {  	[smem:$0x3FA4] =	sst s0;
	s0 =	simm.s32 @!p2 $0x0  }
0x16: {  	s3 =	sld [smem:$0x3FDB];
	s0 =	simm.s32 @p2 $0x1  }
0x17: {  	s4 =	simm.s32 $0x1BF5;
	[smem:$0x3FA6] =	sst s0  }
0x18: {  	s0 =	sld [smem:$0x3F89];
	_ =	swait.ge [sflag:s4], $0x0  }
0x19: {  	s7 =	sld [smem:$0x3F8A]  }
0x1a: {  	s8 =	sadd.s32 $0xFFFFE003, lr  }
0x1b: {  	s9 =	sadd.s32 $0xFFFFFEF7, lr;
	s5 =	simm.s32 $0xFFFFFFFF;
	p2 =	slt.u32 s8, $0xFFFFF086  }
0x1c: {  	p1 =	slt.u32 s9, $0xF7A;
	s5 =	simm.s32 @!p2 $0x0  }
0x1d: {  	s5 =	simm.s32 @p1 $0x1;
	p0 =	seq.s32 s7, s2  }
0x1e: {  	s7 =	smul.u32 @!p0 $0xF7A, s2;
	p2 =	seq.s32 @!p0 s5, $0x0  }
0x1f: {  	s9 =	smul.u32 $0xF7A, s1;
	s8 =	simm.s32 @!p0 $0x1BF5;
	p2 =	por !p2, p0  }
0x20: {  	[sflag:s8] =	ssyncset.s32 @!p0 $0xFFFFF086;
	s6 =	sadd.s32 @!p0 s3, s7;
	s7 =	simm.s32 @!p0 $0x108  }
0x21: {  	s3 =	sadd.s32 s3, s9;
	s6 =	sadd.s32 @!p0 $0x88, s6;
	s7 =	simm.s32 @p2 $0x1082  }
0x22: {  	[simem:s7], [sflag:s8] =	dma.local @!p0 [hbm:s6], $0xF7A  }
0x23: {  	s9 =	sor.u32 $0xD0000000, s2;
	s6 =	simm.s32 $0x108;
	_ =	swait.ge @!p0 [sflag:s8], $0x0  }
0x24: {  	s3 =	sadd.s32 $0x88, s3;
	s6 =	simm.s32 @!p1 $0x1082;
	[sflag:s4] =	ssyncset.s32 $0xFFFFF086  }
0x25: {  	[simem:s6], [sflag:s4] =	dma.local [hbm:s3], $0xF7A  }
0x26: {  	[smem:$0x3F8A] =	sst s1;
	(tag) =	ssettag s2;
	_ =	strace s9  }
0x27: {  	s1 =	sld [smem:$0x3F9A]  }
0x28: {  	s2 =	sld [smem:$0x3F9B]  }
0x29: {  	s4 =	sld [smem:$0x3F9D]  }
0x2a: {  	p0 =	seq.s32 s5, $0x0;
	s5 =	sld [smem:$0x3F9E]  }
0x2b: {  	s6 =	sld [smem:$0x3F9F]  }
0x2c: {  	s7 =	sld [smem:$0x3FA0]  }
0x2d: {  	s3 =	simm.s32 $0x108;
	s8 =	sld [smem:$0x3FA1]  }
0x2e: {  	s3 =	simm.s32 @!p0 $0x1082;
	s9 =	sld [smem:$0x3FA2]  }
0x2f: {  	lr =	sadd.s32 s0, s3;
	s0 =	sld [smem:$0x3F99]  }
0x30: {  	s3 =	sld [smem:$0x3F9C]  }
0x31: {  	[smem:$0x3FA5] =	sst s10  }
0x32: {  	s10 =	sld [smem:$0x3FA3];
	_ =	sdelay $0x3  }
0x33: {  	p0 =	seq.s32 s10, $0x1;
	s10 =	sld [smem:$0x3FA5];
	_ =	sdelay $0x3  }
0x34: {  	[smem:$0x3FA5] =	sst s10  }
0x35: {  	s10 =	sld [smem:$0x3FA4];
	_ =	sdelay $0x3  }
0x36: {  	p1 =	seq.s32 s10, $0x1;
	s10 =	sld [smem:$0x3FA5];
	_ =	sdelay $0x3  }
0x37: {  	[smem:$0x3FA5] =	sst s10  }
0x38: {  	s10 =	sld [smem:$0x3FA6]  }
0x39: {  	_ = 	snop;
	(pc) =	sbr.ind lr, $3  }
0x3a: {  	_ = 	snop  }
0x3b: {  	_ = 	snop  }
0x3c: {  	p2 =	seq.s32 s10, $0x1;
	s10 =	sld [smem:$0x3FA5]  }
0x3d: {  	_ =	shalt  }
0x3e: {  	_ =	shalt  }
0x3f: {  	_ =	shalt  }
0x40: {  	_ =	shalt  }
0x41: {  	_ =	shalt  }
0x42: {  	_ =	shalt  }
0x43: {  	_ =	shalt  }
0x44: {  	_ =	shalt  }
0x45: {  	_ =	shalt  }
0x46: {  	_ =	shalt  }
0x47: {  	_ =	shalt  }
0x48: {  	_ =	shalt  }
0x49: {  	_ =	shalt  }
0x4a: {  	_ =	shalt  }
0x4b: {  	_ =	shalt  }
0x4c: {  	_ =	shalt  }
0x4d: {  	_ =	shalt  }
0x4e: {  	_ =	shalt  }
0x4f: {  	_ =	shalt  }
0x50: {  	_ =	shalt  }
0x51: {  	_ =	shalt  }
0x52: {  	_ =	shalt  }
0x53: {  	_ =	shalt  }
0x54: {  	_ =	shalt  }
0x55: {  	_ =	shalt  }
0x56: {  	_ =	shalt  }
0x57: {  	_ =	shalt  }
0x58: {  	_ =	shalt  }
0x59: {  	_ =	shalt  }
0x5a: {  	_ =	shalt  }
0x5b: {  	_ =	shalt  }
0x5c: {  	_ =	shalt  }
0x5d: {  	_ =	shalt  }
0x5e: {  	_ =	shalt  }
0x5f: {  	_ =	shalt  }
0x60: {  	_ =	shalt  }
0x61: {  	_ =	shalt  }
0x62: {  	_ =	shalt  }
0x63: {  	_ =	shalt  }
0x64: {  	_ =	shalt  }
0x65: {  	_ =	shalt  }
0x66: {  	_ =	shalt  }
0x67: {  	_ =	shalt  }
0x68: {  	_ =	shalt  }
0x69: {  	_ =	shalt  }
0x6a: {  	_ =	shalt  }
0x6b: {  	_ =	shalt  }
0x6c: {  	_ =	shalt  }
0x6d: {  	_ =	shalt  }
0x6e: {  	_ =	shalt  }
0x6f: {  	_ =	shalt  }
0x70: {  	_ =	shalt  }
0x71: {  	_ =	shalt  }
0x72: {  	_ =	shalt  }
0x73: {  	_ =	shalt  }
0x74: {  	_ =	shalt  }
0x75: {  	_ =	shalt  }
0x76: {  	_ =	shalt  }
0x77: {  	_ =	shalt  }
0x78: {  	_ =	shalt  }
0x79: {  	_ =	shalt  }
0x7a: {  	_ =	shalt  }
0x7b: {  	_ =	shalt  }
0x7c: {  	_ =	shalt  }
0x7d: {  	_ =	shalt  }
0x7e: {  	_ =	shalt  }
0x7f: {  	_ =	shalt  }
0x80: {  	_ =	shalt  }
0x81: {  	_ =	shalt  }
0x82: {  	_ =	shalt  }
0x83: {  	_ =	shalt  }
0x84: {  	_ =	shalt  }
0x85: {  	_ =	shalt  }
0x86: {  	_ =	shalt  }
0x87: {  	_ =	shalt  }
.Lfunc_end0:
.L_simem_size_0:
called_computation_lowered:
.L_overlay_start_0:
0x88: {  	s2 =	sld [smem:$0x3FD9]  }
0x89: {  	s3 =	sld [smem:$0x3FFE];
	_ =	sdelay $0x1  }
0x8a: {  	s1 =	srdreg.scid  }
0x8b: {  	s0 =	sand.u32 $0x1, s1  }
0x8c: {  	s16 =	sshll.u32 s0, $0xA;
	s2 =	sadd.s32 s3, s2  }
0x8d: {  	s2 =	sadd.s32 s2, s16  }
0x8e: {  	[smem:$0x3FB1] =	sst s2  }
0x8f: {  	_ = 	snop  }
0x90: {  	(tm) =	ssettm $0x1  }
0x91: {  	s17 =	sld [smem:$0x3FFB];
	_ =	sdelay $0x3  }
0x92: {  	_ =	strace s17  }
0x93: {  	s2 =	sld [smem:$0x3FFC];
	_ =	sdelay $0x3  }
0x94: {  	_ =	strace s2  }
0x95: {  	s2 =	sld [smem:$0x3FFD];
	_ =	sdelay $0x3  }
0x96: {  	_ =	strace s2  }
0x97: {  	_ =	strace $0x8FFFFFFF  }
0x98: {  	s18 =	sld [smem:$0x3FDB];
	_ =	sdelay $0x1  }
0x99: {  	s19 =	simm.s32 $_scs_section_size  }
0x9a: {  	s4 =	simm.s32 $_size__tile_overlayer_lowered;
	s5 =	simm.s32 $_tile_overlayer_lowered  }
0x9b: {  	s22 =	simm.s32 $0x1BFF;
	s21 =	sshll.u32 s5, $0x1;
	s2 =	sadd.s32 s19, s18  }
0x9c: {  	s6 =	simm.s32 $0x0;
	s20 =	sshll.u32 s4, $0x1;
	s4 =	sadd.s32 s21, s2  }
0x9d: {  	[timem:s6], [sflag:s22] =	dma.local [hbm:s4], s20  }
0x9e: {  	_ =	swait.ge [sflag:s22], s20  }
0x9f: {  	s3 =	ssub.s32 $0x0, s20;
	[sflag:s22] =	ssyncset.done $0x0  }
0xa0: {  	[sflag:s22] =	ssyncadd.s32 s3;
	_ =	sdelay $0x1  }
0xa1: {  	s23 =	simm.s32 $0x1B8B  }
0xa2: {  	_ =	swait.ge [sflag:s23], $0x1  }
0xa3: {  	[sflag:s23] =	ssyncset.done $0x0  }
0xa4: {  	s25 =	simm.s32 $0x1B8E;
	s24 =	sld [smem:$0x3FFE];
	[sflag:s23] =	ssyncadd.s32 $0xFFFFFFFF  }
0xa5: {  	s26 =	simm.s32 $execute0_lowered;
	[smem:$0x3FD2] =	sst s25  }
0xa6: {  	s4 =	sshll.u32 s26, $0x1;
	_ =	strace $0x80000046;
	[dreg:$0x1] =	wrdreg $0xFFFFFFFF  }
0xa7: {  	s28 =	simm.s32 $_size_execute0_lowered;
	s2 =	sadd.s32 s2, s4;
	[dreg:$0x0] =	wrdreg $0x0  }
0xa8: {  	s4 =	sshll.u32 s28, $0x1;
	[dreg:$0x2] =	wrdreg s2  }
0xa9: {  	[dreg:$0x3] =	wrdreg s4  }
0xaa: {  	[dreg:$0x4] =	wrdreg $0xC0  }
0xab: {  	_ =	task [dreg:s6], $0x5FFFF  }
0xac: {  	[dreg:$0x1] =	wrdreg $0xFFFFFFFF  }
0xad: {  	[dreg:$0x0] =	wrdreg $0x60  }
0xae: {  	[dreg:$0x2] =	wrdreg s24  }
0xaf: {  	[dreg:$0x3] =	wrdreg $0x7F000  }
0xb0: {  	[dreg:$0x4] =	wrdreg $0x9  }
0xb1: {  	_ =	task.clear_ibuf [dreg:s6], $0x5FFFF;
	_ =	strace $0x90000046  }
0xb2: {  	s29 =	simm.s32 $0x9;
	_ =	strace $0x80000048  }
0xb3: {  	_ =	swait.ge [sflag:s29], $0x1  }
0xb4: {  	[sflag:s29] =	ssyncadd.s32 $0xFFFFFFFF  }
0xb5: {  	_ =	strace $0x90000048  }
0xb6: {  	_ =	sfence  }
0xb7: {  	s30 =	sld [smem:$0x0];
	_ =	sdelay $0x2  }
0xb8: {  	s31 =	sshll.u32 s1, $0xD;
	s1 =	sshrl.u32 s1, $0x2  }
0xb9: {  	s3 =	sand.u32 $0x4000, s31;
	s1 =	sadd.s32 s1, s30  }
0xba: {  	s0 =	sor.u32 s3, s0;
	s1 =	sshll.u32 s1, $0x11  }
0xbb: {  	s0 =	sor.u32 s1, s0  }
0xbc: {  	s0 =	sadd.s32 $0x8F2B, s0  }
0xbd: {  	[sflag:s0] =	ssyncadd.remote.s32 $0x1  }
0xbe: {  	_ =	sfence.sel $0xFFFF  }
0xbf: {  	[dreg:$0x0] =	wrdreg $0xFFFFFFFF;
	(pc) =	sbr.abs _section_cstart, $3  }
0xc0: {  	[dreg:$0x1] =	wrdreg $0xFFFFFFFF  }
0xc1: {  	_ =	task.clear_ibuf [dreg:s6], $0x2FFFF;
	_ =	strace $0x9FFFFFFF  }
0xc2: {  	(tm) =	ssettm $0x7FFFFFFF  }
0xc3: {  	_ =	shalt  }
tec
execute0_lowered:
.L_overlay_start_1:
0x0: {  	(tag) =	ssettag $0x1  }
0x1: {  	s1 =	srdreg.scid;
	s7 =	rddreg [dreg:$0x0]  }
0x2: {  	s0 =	stileid.u32;
	s2 =	rddreg [dreg:$0x1];
	s3 =	simm.s32 $0x0  }
0x3: {  	s16 =	simm.s32 $0x6F00;
	s17 =	simm.s32 $0x2;
	s18 =	simm.s32 $0x2780  }
0x4: {  	s19 =	simm.s32 $0x80;
	s20 =	simm.s32 $0x4F00;
	s21 =	simm.s32 $0x1  }
0x5: {  	s22 =	simm.s32 $0x5F00;
	s8 =	sand.u32 $0x1, s1;
	s9 =	smul.u32 $0x9E0, s0  }
0x6: {  	s30 =	sshll.u32 s0, $0x1;
	s1 =	rddreg [dreg:$0x2];
	s11 =	smul.u32 $0x13C00, s0  }
0x7: {  	[smem:$0x7FF] =	sst s3;
	s4 =	sor.u32 s8, s30;
	s10 =	smul.u32 $0x9E00, s8  }
0x8: {  	s5 =	sadd.s32 $0x4B800, s7;
	s8 =	ssub.s32 $0x2, s8;
	s4 =	smul.u32 $0x2780, s4  }
0x9: {  	_ =	strace $0x80000047;
	s31 =	sshrl.u32 s8, $0x1;
	s11 =	sshrl.u32 s11, $0x2  }
0xa: {  	s9 =	sadd.s32 s9, s10;
	s15 =	ssub.s32 s8, s31;
	s6 =	sshrl.u32 s4, $0x3  }
0xb: {  	s14 =	sadd.s32 s9, s7;
	s15 =	smax.u32 s15, $0x1;
	s13 =	sadd.s32 s6, s7  }
0xc: {  	s6 =	sadd.s32 $0x53B400, s7;
	s7 =	sadd.s32 s11, s2;
	s14 =	sadd.s32 $0x4000, s14  }
0xd: {  	s8 =	sadd.s32 $0x1000, s7;
	s9 =	sadd.s32 $0x2000, s7;
	s10 =	sadd.s32 $0x3000, s7  }
0xe: {  	v0 =	vimm.f32 $0.0e+00;
	s11 =	sadd.s32 $0x4000, s7;
	s12 =	sadd.s32 $0x41600, s13;
	s13 =	sadd.s32 $0x37800, s13  }
.LBB2_1:
0xf: {  	s23 =	simm.s32 $0x80;
	s24 =	simm.s32 $0x0  }
.LBB2_2:
0x10: {  	p0 =	sne.s32 s23, $0x3F80;
	[tilespmem:s24+$0x6F00] =	vst v0;
	s25 =	smov.u32 s23;
	s23 =	sadd.s32 $0x80, s23  }
.Ltmp0:
0x11: {  	[tilespmem:s24+$0x6F10] =	vst v0;
	(pc) =	sbr.rel @p0 .LBB2_2-.Ltmp0, $2  }
0x12: {  	_ =	sdelay $0x2  }
0x13: {  	s24 =	sshra.s32 s25, $0x2  }
0x14: {  	[tilespmem:s24+$0x6F00] =	vst v0  }
0x15: {  	[tilespmem:s24+$0x6F10] =	vst v0  }
0x16: {  	[spmem:s7] =	stream.linear.scatter [tilespmem:s16], [sflag:$0x2], $0x1000, $0x38;
	[tilespmem:$0xCE00] =	vst v63  }
0x17: {  	_ =	swait.ge [sflag:s17], $0x1000  }
0x18: {  	[sflag:s17] =	ssyncset.done $0x0  }
0x19: {  	[sflag:s17] =	ssyncadd.s32 $0xFFFFF000  }
0x1a: {  	[spmem:s8] =	stream.linear.scatter [tilespmem:s16], [sflag:$0x2], $0x1000, $0x38;
	[tilespmem:$0xCE00] =	vst v63  }
0x1b: {  	_ =	swait.ge [sflag:s17], $0x1000  }
0x1c: {  	[sflag:s17] =	ssyncset.done $0x0  }
0x1d: {  	[sflag:s17] =	ssyncadd.s32 $0xFFFFF000  }
0x1e: {  	[spmem:s9] =	stream.linear.scatter [tilespmem:s16], [sflag:$0x2], $0x1000, $0x38;
	[tilespmem:$0xCE00] =	vst v63  }
0x1f: {  	_ =	swait.ge [sflag:s17], $0x1000  }
0x20: {  	[sflag:s17] =	ssyncset.done $0x0  }
0x21: {  	[sflag:s17] =	ssyncadd.s32 $0xFFFFF000  }
0x22: {  	[spmem:s10] =	stream.linear.scatter [tilespmem:s16], [sflag:$0x2], $0x1000, $0x38;
	[tilespmem:$0xCE00] =	vst v63  }
0x23: {  	_ =	swait.ge [sflag:s17], $0x1000  }
0x24: {  	[sflag:s17] =	ssyncset.done $0x0  }
0x25: {  	[sflag:s17] =	ssyncadd.s32 $0xFFFFF000  }
0x26: {  	[spmem:s11] =	stream.linear.scatter [tilespmem:s16], [sflag:$0x2], $0xF00, $0x38;
	[tilespmem:$0xCE00] =	vst v63  }
0x27: {  	_ =	swait.ge [sflag:s17], $0xF00  }
0x28: {  	[sflag:s17] =	ssyncset.done $0x0  }
0x29: {  	s23 =	simm.s32 $0x0;
	[sflag:s17] =	ssyncadd.s32 $0xFFFFF100  }
0x2a: {  	[tilespmem:s23], [sflag:$0x2] =	stream.linear.gather [hbm4b:s12+s23], $0x2780, $0x38;
	[tilespmem:$0xCE00] =	vst v63  }
0x2b: {  	_ =	swait.ge [sflag:s17], $0x2780  }
0x2c: {  	[sflag:s17] =	ssyncset.done $0x0  }
0x2d: {  	[sflag:s17] =	ssyncadd.s32 $0xFFFFD880  }
0x2e: {  	[tilespmem:s18], [sflag:$0x2] =	stream.linear.gather [hbm4b:s13+s23], $0x2780, $0x38;
	[tilespmem:$0xCE00] =	vst v63  }
0x2f: {  	_ =	swait.ge [sflag:s17], $0x2780  }
0x30: {  	[sflag:s17] =	ssyncset.done $0x0  }
0x31: {  	[sflag:s17] =	ssyncadd.s32 $0xFFFFD880  }
0x32: {  	s24 =	simm.s32 $0x0;
	[bflag:$0x0] =	sbarrier.arrive $0xFFFF  }
.LBB2_4:
0x33: {  	s25 =	sshll.u32 s24, $0x7  }
0x34: {  	[tilespmem:s20], [sflag:$0x1] =	stream.indirect.gather [hbm4b:s5+s19], $0x20, s25, s19, $0xb8;
	[tilespmem:$0xCE00] =	vst v63  }
0x35: {  	s26 =	sadd.s32 s4, s25;
	_ =	swait.ge [sflag:s21], $0x1000  }
0x36: {  	s26 =	sshll.u32 s26, $0x2;
	[sflag:s21] =	ssyncset.done $0x0  }
0x37: {  	s26 =	sadd.s32 s6, s26;
	[sflag:s21] =	ssyncadd.s32 $0xFFFFF000  }
0x38: {  	[tilespmem:s22], [sflag:$0x2] =	stream.linear.gather [hbm4b:s26+s23], $0x1000, $0x38;
	[tilespmem:$0xCE00] =	vst v63  }
0x39: {  	_ =	swait.ge [sflag:s17], $0x1000  }
0x3a: {  	[sflag:s17] =	ssyncset.done $0x0  }
0x3b: {  	s26 =	simm.s32 $0x0;
	[sflag:s17] =	ssyncadd.s32 $0xFFFFF000  }
0x3c: {  	v1 =	vld [tilespmem:s26+$0x5F00]  }
0x3d: {  	s28 =	simm.s32 $0x80;
	v2 =	vld [tilespmem:s26+$0x4F00]  }
.LBB2_5:
0x3e: {  	p0 =	sne.s32 s28, $0x3F80;
	v3 =	vld [tilespmem:s26+$0x4F10];
	_ =	sdelay $0x2  }
.Ltmp1:
0x3f: {  	(pc) =	sbr.rel @p0 .LBB2_5-.Ltmp1, $4  }
0x40: {  	v2 =	vmul.f32 v2, v1  }
0x41: {  	s29 =	sshra.s32 s28, $0x2;
	v3 =	vmul.f32 v3, v1  }
0x42: {  	v1 =	vld [tilespmem:s29+$0x5F00];
	[tilespmem:s26+$0x4F00] =	vst v2  }
0x43: {  	s28 =	sadd.s32 $0x80, s28;
	v2 =	vld [tilespmem:s29+$0x4F00];
	[tilespmem:s26+$0x4F10] =	vst v3;
	s26 =	smov.u32 s29  }
0x44: {  	v3 =	vld [tilespmem:s26+$0x4F10];
	_ =	sdelay $0x3  }
0x45: {  	v2 =	vmul.f32 v2, v1  }
0x46: {  	s24 =	sadd.s32 $0x1, s24;
	v1 =	vmul.f32 v3, v1  }
0x47: {  	p0 =	sne.s32 s24, $0x4F;
	[tilespmem:s26+$0x4F00] =	vst v2  }
.Ltmp2:
0x48: {  	s25 =	sadd.s32 $0x2780, s25;
	[tilespmem:s26+$0x4F10] =	vst v1;
	(pc) =	sbr.rel @p0 .LBB2_4-.Ltmp2, $4  }
0x49: {  	[spmem:s2] =	stream.indirect.scatter.add.f32 [tilespmem:s20], [sflag:$0x2], $0x20, s25, s19, $0xb8;
	[tilespmem:$0xCE00] =	vst v63  }
0x4a: {  	_ =	swait.ge [sflag:s17], $0x1000  }
0x4b: {  	[sflag:s17] =	ssyncset.done $0x0  }
0x4c: {  	[sflag:s17] =	ssyncadd.s32 $0xFFFFF000  }
0x4d: {  	s3 =	sadd.s32 $0x1, s3  }
0x4e: {  	s23 =	sshll.u32 s0, $0x6;
	[bflag:$0x0] =	sbarrier.arrive $0xFFFF;
	p0 =	sne.s32 s3, s15  }
.Ltmp3:
0x4f: {  	s24 =	sshrl.u32 s7, $0x3;
	s23 =	sor.u32 $0x1C02, s23;
	(pc) =	sbr.rel @p0 .LBB2_1-.Ltmp3, $4  }
0x50: {  	[hbm:s14], [sflag:s23] =	dma.local [spmem:s24], $0x9E0  }
0x51: {  	_ =	swait.ge [sflag:s17], $0x9E0  }
0x52: {  	[sflag:s17] =	ssyncset.done $0x0  }
0x53: {  	[sflag:s17] =	ssyncadd.s32 $0xFFFFF620  }
0x54: {  	_ =	sfence.sel $0x180000  }
0x55: {  	[bflag:$0x0] =	sbarrier.arrive $0xFFFF  }
0x56: {  	p0 =	sne.s32 s0, $0x0;
	_ =	strace $0x90000047  }
0x57: {  	s0 =	sadd.s32 @!p0 $0x100000, s1;
	[bflag:$0x2] =	sbarrier.arrive $0xFFFF  }
0x58: {  	[sflag:s0] =	ssyncadd.tile.s32 @!p0 $0x1;
	_ =	shalt  }
.Lfunc_end2:
_tile_overlayer_lowered:
.L_overlay_start_2:
0x59: {  	(tag) =	ssettag $0x2  }
0x5a: {  	s0 =	rddreg [dreg:$0x0];
	s2 =	stileid.u32  }
0x5b: {  	s1 =	rddreg [dreg:$0x1];
	p0 =	sne.s32 s2, $0x0  }
0x5c: {  	s3 =	rddreg [dreg:$0x2];
	[bflag:$0x3] =	sbarrier.arrive $0xFFFF;
	s2 =	simm.s32 @!p0 $0x1C02  }
0x5d: {  	[timem:s3], [sflag:s2] =	dma.local @!p0 [hbm:s0], s1  }
0x5e: {  	s0 =	simm.s32 @!p0 $0x2  }
0x5f: {  	_ =	swait.ge @!p0 [sflag:s0], s1  }
0x60: {  	s1 =	ssub.s32 @!p0 $0x0, s1;
	[sflag:s0] =	ssyncset.done @!p0 $0x0  }
0x61: {  	[sflag:s0] =	ssyncadd.s32 @!p0 s1  }
0x62: {  	[bflag:$0x3] =	sbarrier.arrive $0xFFFF  }
0x63: {  	_ =	shalt  }

</sc_bundles>
